<compile_context>
chip_gen: v7x
topology: tpu7x:2x2x1
jax: 0.10.2.dev20260603
libtpu: 0.0.44.dev20260713+nightly
codegen_flags: <defaults>
</compile_context>

<pallas_src>
import functools

import jax
import jax.numpy as jnp
from jax import lax
from jax.experimental import pallas as pl
from jax.experimental.pallas import tpu as pltpu
from jax.experimental.pallas import tpu_sc as plsc

N = 10000
D = 128
E = 320000
BN_EPS = 1e-5

NC = 2
NS = 16
NW = NC * NS
EPW = E // NW
W = 40
F = EPW // W
NB = 6
SS = F // NB
TAIL = F - SS * NB
NP = 10240
RPS = NP // NS
L = 16


def _sc_aggregate(h, src, dst):
  mesh = plsc.VectorSubcoreMesh(core_axis_name="c", subcore_axis_name="s")

  @functools.partial(
      pl.kernel,
      out_type=(
          jax.ShapeDtypeStruct((NC * NP, D), jnp.float32),
          jax.ShapeDtypeStruct((NC * NP, D), jnp.float32),
      ),
      mesh=mesh,
      scratch_types=(
          [pltpu.VMEM((W,), jnp.int32) for _ in range(NB)]
          + [pltpu.VMEM((W,), jnp.int32) for _ in range(NB)]
          + [pltpu.VMEM((W, D), jnp.float32) for _ in range(NB)]
          + [pltpu.SemaphoreType.DMA for _ in range(3 * NB)]
          + [pltpu.VMEM_SHARED((NP, D), jnp.float32)]
      ),
  )
  def agg_kernel(h_hbm, src_hbm, dst_hbm, p_hbm, c_hbm, *bufs):
    srcv = bufs[0:NB]
    dstv = bufs[NB:2 * NB]
    rows = bufs[2 * NB:3 * NB]
    isem = bufs[3 * NB:4 * NB]
    gsem = bufs[4 * NB:5 * NB]
    ssem = bufs[5 * NB:6 * NB]
    acc_sh = bufs[6 * NB]

    cid = lax.axis_index("c")
    sid = lax.axis_index("s")
    wid = cid * NS + sid
    ebase = wid * EPW
    row0 = sid * RPS
    obase = cid * NP + row0

    def fill(ref, val16):
      @pl.loop(0, W)
      def _(r):
        for cc in range(D // L):
          ref[r, pl.ds(cc * L, L)] = val16

    def zero_my_slice():
      for t in range(RPS // W):
        pltpu.sync_copy(rows[1], acc_sh.at[pl.ds(row0 + t * W, W)])

    z16 = jnp.zeros((L,), jnp.float32)
    o16 = jnp.ones((L,), jnp.float32)

    fill(rows[1], z16)
    zero_my_slice()
    plsc.subcore_barrier()

    @pl.loop(0, SS)
    def _(s):
      base = ebase + s * NB * W
      ih = []
      for j in range(NB):
        bj = base + j * W
        h1 = pltpu.async_copy(src_hbm.at[pl.ds(bj, W)], srcv[j], isem[j])
        h2 = pltpu.async_copy(dst_hbm.at[pl.ds(bj, W)], dstv[j], isem[j])
        ih.append((h1, h2))
      gh = []
      for j in range(NB):
        ih[j][0].wait()
        ih[j][1].wait()
        gh.append(pltpu.async_copy(h_hbm.at[srcv[j]], rows[j], gsem[j]))
      sh = []
      for j in range(NB):
        gh[j].wait()
        sh.append(pltpu.async_copy(rows[j], acc_sh.at[dstv[j]], ssem[j],
                                   add=True))
      for j in range(NB):
        sh[j].wait()

    tbase = ebase + SS * NB * W
    ih = []
    for t in range(TAIL):
      bt = tbase + t * W
      h1 = pltpu.async_copy(src_hbm.at[pl.ds(bt, W)], srcv[t], isem[t])
      h2 = pltpu.async_copy(dst_hbm.at[pl.ds(bt, W)], dstv[t], isem[t])
      ih.append((h1, h2))
    gh = []
    for t in range(TAIL):
      ih[t][0].wait()
      ih[t][1].wait()
      gh.append(pltpu.async_copy(h_hbm.at[srcv[t]], rows[t], gsem[t]))
    sh = []
    for t in range(TAIL):
      gh[t].wait()
      sh.append(pltpu.async_copy(rows[t], acc_sh.at[dstv[t]], ssem[t],
                                 add=True))
    for t in range(TAIL):
      sh[t].wait()

    plsc.subcore_barrier()
    pltpu.sync_copy(acc_sh.at[pl.ds(row0, RPS)], p_hbm.at[pl.ds(obase, RPS)])

    fill(rows[1], z16)
    zero_my_slice()
    fill(rows[0], o16)
    plsc.subcore_barrier()

    @pl.loop(0, SS)
    def _(s):
      base = ebase + s * NB * W
      ih = []
      for j in range(NB):
        bj = base + j * W
        ih.append(pltpu.async_copy(dst_hbm.at[pl.ds(bj, W)], dstv[j],
                                   isem[j]))
      sh = []
      for j in range(NB):
        ih[j].wait()
        sh.append(pltpu.async_copy(rows[0], acc_sh.at[dstv[j]], ssem[j],
                                   add=True))
      for j in range(NB):
        sh[j].wait()

    ih = []
    for t in range(TAIL):
      bt = tbase + t * W
      ih.append(pltpu.async_copy(dst_hbm.at[pl.ds(bt, W)], dstv[t], isem[t]))
    sh = []
    for t in range(TAIL):
      ih[t].wait()
      sh.append(pltpu.async_copy(rows[0], acc_sh.at[dstv[t]], ssem[t],
                                 add=True))
    for t in range(TAIL):
      sh[t].wait()

    plsc.subcore_barrier()
    pltpu.sync_copy(acc_sh.at[pl.ds(row0, RPS)], c_hbm.at[pl.ds(obase, RPS)])

  p, c = agg_kernel(h, src, dst)
  return p.reshape(NC, NP, D), c.reshape(NC, NP, D)


def _tc_body(h_ref, p_ref, c_ref, wl_ref, bl_ref, wr_ref, ga_ref, be_ref,
             mu_ref, va_ref, o_ref):
  cnt = jnp.maximum(c_ref[0, :, 0:1] + c_ref[1, :, 0:1], 1.0)
  agg = (p_ref[0] + p_ref[1]) / cnt
  hb = h_ref[...]
  dims = (((1,), (1,)), ((), ()))
  out = (lax.dot_general(agg, wl_ref[...], dims,
                         preferred_element_type=jnp.float32)
         + bl_ref[...]
         + lax.dot_general(hb, wr_ref[...], dims,
                           preferred_element_type=jnp.float32))
  s = ga_ref[...] * lax.rsqrt(va_ref[...] + BN_EPS)
  t = be_ref[...] - mu_ref[...] * s
  o_ref[...] = jnp.maximum(out * s + t, 0.0) + hb


def _tc_combine(h, p, c, W_l, b_l, W_r, gamma, beta, mu, var):
  BR = 1024
  full = lambda i: (0, 0)
  return pl.pallas_call(
      _tc_body,
      grid=(NP // BR,),
      in_specs=[
          pl.BlockSpec((BR, D), lambda i: (i, 0)),
          pl.BlockSpec((NC, BR, D), lambda i: (0, i, 0)),
          pl.BlockSpec((NC, BR, D), lambda i: (0, i, 0)),
          pl.BlockSpec((D, D), full),
          pl.BlockSpec((1, D), full),
          pl.BlockSpec((D, D), full),
          pl.BlockSpec((1, D), full),
          pl.BlockSpec((1, D), full),
          pl.BlockSpec((1, D), full),
          pl.BlockSpec((1, D), full),
      ],
      out_specs=pl.BlockSpec((BR, D), lambda i: (i, 0)),
      out_shape=jax.ShapeDtypeStruct((N, D), jnp.float32),
  )(h, p, c, W_l, b_l.reshape(1, D), W_r, gamma.reshape(1, D),
    beta.reshape(1, D), mu.reshape(1, D), var.reshape(1, D))


def kernel(h, edge_index, W_l, b_l, W_r, gamma, beta, running_mean,
           running_var):
  src = edge_index[0]
  dst = edge_index[1]
  p, c = _sc_aggregate(h, src, dst)
  return _tc_combine(h, p, c, W_l, b_l, W_r, gamma, beta, running_mean,
                     running_var)

# --- scband reference (transcript-rebuilt; emitter-appended) ---
"""Pipeline reference for scband-sage-layer-87393994539131 (READ-ONLY COPY).

The authoritative reference and input builder live on the scoring server;
editing this copy changes nothing except your own understanding.
"""

import jax, jax.numpy as jnp
import numpy as np

N = 10000
D = 128
E = 320000
BN_EPS = 1e-5


def setup_inputs(seed: int = 0) -> dict:
    key = jax.random.key(seed)
    ks = jax.random.split(key, 8)
    h = jax.random.normal(ks[0], (N, D), dtype=jnp.float32)
    edge_index = jax.random.randint(ks[1], (2, E), 0, N, dtype=jnp.int32)
    scale = 1.0 / np.sqrt(D)
    # SAGEConv params: lin_l (applied to aggregated neighbors, with bias), lin_r (root, no bias)
    W_l = jax.random.uniform(ks[2], (D, D), jnp.float32, -scale, scale)
    b_l = jax.random.uniform(ks[3], (D,), jnp.float32, -scale, scale)
    W_r = jax.random.uniform(ks[4], (D, D), jnp.float32, -scale, scale)
    # BatchNorm1d params + running stats (eval mode)
    gamma = jnp.ones((D,), jnp.float32)
    beta = jnp.zeros((D,), jnp.float32)
    running_mean = jnp.zeros((D,), jnp.float32)
    running_var = jnp.ones((D,), jnp.float32)
    return {"h": h, "edge_index": edge_index, "W_l": W_l, "b_l": b_l, "W_r": W_r,
            "gamma": gamma, "beta": beta, "running_mean": running_mean, "running_var": running_var}


def reference(h, edge_index, W_l, b_l, W_r, gamma, beta, running_mean, running_var):
    n = h.shape[0]
    src = edge_index[0]
    dst = edge_index[1]
    # SAGEConv with mean aggregation: gather messages from src, mean-reduce at dst
    msg = jnp.take(h, src, axis=0)
    agg_sum = jax.ops.segment_sum(msg, dst, num_segments=n)
    cnt = jax.ops.segment_sum(jnp.ones((src.shape[0],), dtype=h.dtype), dst, num_segments=n)
    agg = agg_sum / jnp.clip(cnt, 1.0, None)[:, None]
    out = agg @ W_l.T + b_l + h @ W_r.T
    # BatchNorm1d (eval mode, running stats)
    out = gamma * (out - running_mean) / jnp.sqrt(running_var + BN_EPS) + beta
    # ReLU (dropout p=0.0 is identity)
    out = jax.nn.relu(out)
    # residual
    out = out + h
    return out

if __name__ == "__main__":
    import jax
    _d = setup_inputs()
    print(jax.jit(kernel)(*tuple(_d.values())))

</pallas_src>

<mosaic_0001>
#map = affine_map<(d0, d1) -> (0, 0)>
#map1 = affine_map<(d0, d1) -> (0)>
module attributes {stable_mosaic.version = 14 : i64} {
  func.func @agg_kernel(%arg0: i32, %arg1: i32, %arg2: memref<10000x128xf32, #tpu.memory_space<hbm>>, %arg3: memref<320000xi32, #tpu.memory_space<hbm>>, %arg4: memref<320000xi32, #tpu.memory_space<hbm>>, %arg5: memref<20480x128xf32, #tpu.memory_space<hbm>>, %arg6: memref<20480x128xf32, #tpu.memory_space<hbm>>, %arg7: memref<40xi32, #tpu.memory_space<vmem>>, %arg8: memref<40xi32, #tpu.memory_space<vmem>>, %arg9: memref<40xi32, #tpu.memory_space<vmem>>, %arg10: memref<40xi32, #tpu.memory_space<vmem>>, %arg11: memref<40xi32, #tpu.memory_space<vmem>>, %arg12: memref<40xi32, #tpu.memory_space<vmem>>, %arg13: memref<40xi32, #tpu.memory_space<vmem>>, %arg14: memref<40xi32, #tpu.memory_space<vmem>>, %arg15: memref<40xi32, #tpu.memory_space<vmem>>, %arg16: memref<40xi32, #tpu.memory_space<vmem>>, %arg17: memref<40xi32, #tpu.memory_space<vmem>>, %arg18: memref<40xi32, #tpu.memory_space<vmem>>, %arg19: memref<40x128xf32, #tpu.memory_space<vmem>>, %arg20: memref<40x128xf32, #tpu.memory_space<vmem>>, %arg21: memref<40x128xf32, #tpu.memory_space<vmem>>, %arg22: memref<40x128xf32, #tpu.memory_space<vmem>>, %arg23: memref<40x128xf32, #tpu.memory_space<vmem>>, %arg24: memref<40x128xf32, #tpu.memory_space<vmem>>, %arg25: memref<!tpu.dma_semaphore, #tpu.memory_space<semaphore_mem>>, %arg26: memref<!tpu.dma_semaphore, #tpu.memory_space<semaphore_mem>>, %arg27: memref<!tpu.dma_semaphore, #tpu.memory_space<semaphore_mem>>, %arg28: memref<!tpu.dma_semaphore, #tpu.memory_space<semaphore_mem>>, %arg29: memref<!tpu.dma_semaphore, #tpu.memory_space<semaphore_mem>>, %arg30: memref<!tpu.dma_semaphore, #tpu.memory_space<semaphore_mem>>, %arg31: memref<!tpu.dma_semaphore, #tpu.memory_space<semaphore_mem>>, %arg32: memref<!tpu.dma_semaphore, #tpu.memory_space<semaphore_mem>>, %arg33: memref<!tpu.dma_semaphore, #tpu.memory_space<semaphore_mem>>, %arg34: memref<!tpu.dma_semaphore, #tpu.memory_space<semaphore_mem>>, %arg35: memref<!tpu.dma_semaphore, #tpu.memory_space<semaphore_mem>>, %arg36: memref<!tpu.dma_semaphore, #tpu.memory_space<semaphore_mem>>, %arg37: memref<!tpu.dma_semaphore, #tpu.memory_space<semaphore_mem>>, %arg38: memref<!tpu.dma_semaphore, #tpu.memory_space<semaphore_mem>>, %arg39: memref<!tpu.dma_semaphore, #tpu.memory_space<semaphore_mem>>, %arg40: memref<!tpu.dma_semaphore, #tpu.memory_space<semaphore_mem>>, %arg41: memref<!tpu.dma_semaphore, #tpu.memory_space<semaphore_mem>>, %arg42: memref<!tpu.dma_semaphore, #tpu.memory_space<semaphore_mem>>, %arg43: memref<10240x128xf32, #tpu.memory_space<vmem_shared>>) attributes {dimension_semantics = [#tpu.dimension_semantics<core_parallel>, #tpu.dimension_semantics<subcore_parallel>], iteration_bounds = array<i64: 2, 16>, scalar_prefetch = 0 : i64, scratch_operands = 37 : i64, tpu.core_type = #tpu.core_type<sc_vector_subcore>, window_params = [{transform_indices = #map}, {transform_indices = #map1}, {transform_indices = #map1}, {transform_indices = #map}, {transform_indices = #map}]} {
    %mul3A = arith.constant 16 : i32
    %mul3A_0 = arith.muli %arg0, %mul3A : i32
    %add3A = arith.addi %mul3A_0, %arg1 : i32
    %mul3A_1 = arith.constant 10000 : i32
    %mul3A_2 = arith.muli %add3A, %mul3A_1 : i32
    %mul3A_3 = arith.constant 640 : i32
    %mul3A_4 = arith.muli %arg1, %mul3A_3 : i32
    %mul3A_5 = arith.constant 10240 : i32
    %mul3A_6 = arith.muli %arg0, %mul3A_5 : i32
    %add3A_7 = arith.addi %mul3A_6, %mul3A_4 : i32
    %broadcast_in_dim3A = arith.constant 0.000000e+00 : f32
    %broadcast_in_dim3A_8 = vector.broadcast %broadcast_in_dim3A : f32 to vector<16xf32>
    %broadcast_in_dim3A_9 = arith.constant 1.000000e+00 : f32
    %broadcast_in_dim3A_10 = vector.broadcast %broadcast_in_dim3A_9 : f32 to vector<16xf32>
    %scan3A = arith.constant 0 : i32
    %scan3A_11 = arith.constant 40 : i32
    %scan3A_12 = arith.addi %scan3A, %scan3A_11 : i32
    %scan3A_13 = arith.constant 1 : i32
    scf.for %scan3A_238 = %scan3A to %scan3A_12 step %scan3A_13  : i32 {
      %mul3A_239 = arith.constant 1 : i32
      %mul3A_240 = arith.muli %scan3A_238, %mul3A_239 : i32
      %add3A_241 = arith.constant 0 : i32
      %add3A_242 = arith.addi %add3A_241, %mul3A_240 : i32
      %swap3A = arith.index_cast %add3A_242 : i32 to index
      %swap3A_243 = arith.constant 0 : index
      %swap3A_244 = tpu.vector_load %arg20[%swap3A, %swap3A_243] {strides = array<i32>} : memref<40x128xf32, #tpu.memory_space<vmem>>, vector<1x16xf32>,
      %swap3A_245 = vector.shape_cast %swap3A_244 : vector<1x16xf32> to vector<16xf32>
      %swap3A_246 = vector.shape_cast %broadcast_in_dim3A_8 : vector<16xf32> to vector<1x16xf32>
      tpu.vector_store %arg20[%swap3A, %swap3A_243], %swap3A_246 {strides = array<i32>} : memref<40x128xf32, #tpu.memory_space<vmem>>, vector<1x16xf32>,
      %swap3A_247 = arith.index_cast %add3A_242 : i32 to index
      %swap3A_248 = arith.constant 16 : index
      %swap3A_249 = tpu.vector_load %arg20[%swap3A_247, %swap3A_248] {strides = array<i32>} : memref<40x128xf32, #tpu.memory_space<vmem>>, vector<1x16xf32>,
      %swap3A_250 = vector.shape_cast %swap3A_249 : vector<1x16xf32> to vector<16xf32>
      %swap3A_251 = vector.shape_cast %broadcast_in_dim3A_8 : vector<16xf32> to vector<1x16xf32>
      tpu.vector_store %arg20[%swap3A_247, %swap3A_248], %swap3A_251 {strides = array<i32>} : memref<40x128xf32, #tpu.memory_space<vmem>>, vector<1x16xf32>,
      %swap3A_252 = arith.index_cast %add3A_242 : i32 to index
      %swap3A_253 = arith.constant 32 : index
      %swap3A_254 = tpu.vector_load %arg20[%swap3A_252, %swap3A_253] {strides = array<i32>} : memref<40x128xf32, #tpu.memory_space<vmem>>, vector<1x16xf32>,
      %swap3A_255 = vector.shape_cast %swap3A_254 : vector<1x16xf32> to vector<16xf32>
      %swap3A_256 = vector.shape_cast %broadcast_in_dim3A_8 : vector<16xf32> to vector<1x16xf32>
      tpu.vector_store %arg20[%swap3A_252, %swap3A_253], %swap3A_256 {strides = array<i32>} : memref<40x128xf32, #tpu.memory_space<vmem>>, vector<1x16xf32>,
      %swap3A_257 = arith.index_cast %add3A_242 : i32 to index
      %swap3A_258 = arith.constant 48 : index
      %swap3A_259 = tpu.vector_load %arg20[%swap3A_257, %swap3A_258] {strides = array<i32>} : memref<40x128xf32, #tpu.memory_space<vmem>>, vector<1x16xf32>,
      %swap3A_260 = vector.shape_cast %swap3A_259 : vector<1x16xf32> to vector<16xf32>
      %swap3A_261 = vector.shape_cast %broadcast_in_dim3A_8 : vector<16xf32> to vector<1x16xf32>
      tpu.vector_store %arg20[%swap3A_257, %swap3A_258], %swap3A_261 {strides = array<i32>} : memref<40x128xf32, #tpu.memory_space<vmem>>, vector<1x16xf32>,
      %swap3A_262 = arith.index_cast %add3A_242 : i32 to index
      %swap3A_263 = arith.constant 64 : index
      %swap3A_264 = tpu.vector_load %arg20[%swap3A_262, %swap3A_263] {strides = array<i32>} : memref<40x128xf32, #tpu.memory_space<vmem>>, vector<1x16xf32>,
      %swap3A_265 = vector.shape_cast %swap3A_264 : vector<1x16xf32> to vector<16xf32>
      %swap3A_266 = vector.shape_cast %broadcast_in_dim3A_8 : vector<16xf32> to vector<1x16xf32>
      tpu.vector_store %arg20[%swap3A_262, %swap3A_263], %swap3A_266 {strides = array<i32>} : memref<40x128xf32, #tpu.memory_space<vmem>>, vector<1x16xf32>,
      %swap3A_267 = arith.index_cast %add3A_242 : i32 to index
      %swap3A_268 = arith.constant 80 : index
      %swap3A_269 = tpu.vector_load %arg20[%swap3A_267, %swap3A_268] {strides = array<i32>} : memref<40x128xf32, #tpu.memory_space<vmem>>, vector<1x16xf32>,
      %swap3A_270 = vector.shape_cast %swap3A_269 : vector<1x16xf32> to vector<16xf32>
      %swap3A_271 = vector.shape_cast %broadcast_in_dim3A_8 : vector<16xf32> to vector<1x16xf32>
      tpu.vector_store %arg20[%swap3A_267, %swap3A_268], %swap3A_271 {strides = array<i32>} : memref<40x128xf32, #tpu.memory_space<vmem>>, vector<1x16xf32>,
      %swap3A_272 = arith.index_cast %add3A_242 : i32 to index
      %swap3A_273 = arith.constant 96 : index
      %swap3A_274 = tpu.vector_load %arg20[%swap3A_272, %swap3A_273] {strides = array<i32>} : memref<40x128xf32, #tpu.memory_space<vmem>>, vector<1x16xf32>,
      %swap3A_275 = vector.shape_cast %swap3A_274 : vector<1x16xf32> to vector<16xf32>
      %swap3A_276 = vector.shape_cast %broadcast_in_dim3A_8 : vector<16xf32> to vector<1x16xf32>
      tpu.vector_store %arg20[%swap3A_272, %swap3A_273], %swap3A_276 {strides = array<i32>} : memref<40x128xf32, #tpu.memory_space<vmem>>, vector<1x16xf32>,
      %swap3A_277 = arith.index_cast %add3A_242 : i32 to index
      %swap3A_278 = arith.constant 112 : index
      %swap3A_279 = tpu.vector_load %arg20[%swap3A_277, %swap3A_278] {strides = array<i32>} : memref<40x128xf32, #tpu.memory_space<vmem>>, vector<1x16xf32>,
      %swap3A_280 = vector.shape_cast %swap3A_279 : vector<1x16xf32> to vector<16xf32>
      %swap3A_281 = vector.shape_cast %broadcast_in_dim3A_8 : vector<16xf32> to vector<1x16xf32>
      tpu.vector_store %arg20[%swap3A_277, %swap3A_278], %swap3A_281 {strides = array<i32>} : memref<40x128xf32, #tpu.memory_space<vmem>>, vector<1x16xf32>,
    }
    %scan3A_14 = arith.constant 40 : i32
    %add3A_15 = arith.constant 0 : i32
    %add3A_16 = arith.addi %mul3A_4, %add3A_15 : i32
    "tpu.region"() ({
      %run_scoped3A = tpu.sem_alloc : memref<!tpu.dma_semaphore, #tpu.memory_space<semaphore_mem>>
      %dma_start3A_238 = arith.constant 0 : i32
      %dma_start3A_239 = tpu.memref_slice %arg43[%add3A_16, %dma_start3A_238] : memref<10240x128xf32, #tpu.memory_space<vmem_shared>> -> memref<40x128xf32, #tpu.memory_space<vmem_shared>>
      %dma_start3A_240 = arith.constant 0 : i32
      %dma_start3A_241 = tpu.memref_slice %arg43[%add3A_16, %dma_start3A_240] : memref<10240x128xf32, #tpu.memory_space<vmem_shared>> -> memref<40x128xf32, #tpu.memory_space<vmem_shared>>
      tpu.enqueue_dma source(%arg20 : memref<40x128xf32, #tpu.memory_space<vmem>>) target(%dma_start3A_241 : memref<40x128xf32, #tpu.memory_space<vmem_shared>>) target_semaphore(%run_scoped3A : memref<!tpu.dma_semaphore, #tpu.memory_space<semaphore_mem>>)
      %dma_wait3A_242 = arith.constant 0 : i32
      %dma_wait3A_243 = tpu.memref_slice %arg43[%add3A_16, %dma_wait3A_242] : memref<10240x128xf32, #tpu.memory_space<vmem_shared>> -> memref<40x128xf32, #tpu.memory_space<vmem_shared>>
      %dma_wait3A_244 = arith.constant 0 : i32
      %dma_wait3A_245 = tpu.memref_slice %arg43[%add3A_16, %dma_wait3A_244] : memref<10240x128xf32, #tpu.memory_space<vmem_shared>> -> memref<40x128xf32, #tpu.memory_space<vmem_shared>>
      tpu.wait_dma2 semaphore(%run_scoped3A : memref<!tpu.dma_semaphore, #tpu.memory_space<semaphore_mem>>) src(%arg20 : memref<40x128xf32, #tpu.memory_space<vmem>>) dst(%dma_wait3A_245 : memref<40x128xf32, #tpu.memory_space<vmem_shared>>)
      tpu.yield
    }) : () -> ()
    %add3A_17 = arith.constant 40 : i32
    %add3A_18 = arith.addi %mul3A_4, %add3A_17 : i32
    "tpu.region"() ({
      %run_scoped3A = tpu.sem_alloc : memref<!tpu.dma_semaphore, #tpu.memory_space<semaphore_mem>>
      %dma_start3A_238 = arith.constant 0 : i32
      %dma_start3A_239 = tpu.memref_slice %arg43[%add3A_18, %dma_start3A_238] : memref<10240x128xf32, #tpu.memory_space<vmem_shared>> -> memref<40x128xf32, #tpu.memory_space<vmem_shared>>
      %dma_start3A_240 = arith.constant 0 : i32
      %dma_start3A_241 = tpu.memref_slice %arg43[%add3A_18, %dma_start3A_240] : memref<10240x128xf32, #tpu.memory_space<vmem_shared>> -> memref<40x128xf32, #tpu.memory_space<vmem_shared>>
      tpu.enqueue_dma source(%arg20 : memref<40x128xf32, #tpu.memory_space<vmem>>) target(%dma_start3A_241 : memref<40x128xf32, #tpu.memory_space<vmem_shared>>) target_semaphore(%run_scoped3A : memref<!tpu.dma_semaphore, #tpu.memory_space<semaphore_mem>>)
      %dma_wait3A_242 = arith.constant 0 : i32
      %dma_wait3A_243 = tpu.memref_slice %arg43[%add3A_18, %dma_wait3A_242] : memref<10240x128xf32, #tpu.memory_space<vmem_shared>> -> memref<40x128xf32, #tpu.memory_space<vmem_shared>>
      %dma_wait3A_244 = arith.constant 0 : i32
      %dma_wait3A_245 = tpu.memref_slice %arg43[%add3A_18, %dma_wait3A_244] : memref<10240x128xf32, #tpu.memory_space<vmem_shared>> -> memref<40x128xf32, #tpu.memory_space<vmem_shared>>
      tpu.wait_dma2 semaphore(%run_scoped3A : memref<!tpu.dma_semaphore, #tpu.memory_space<semaphore_mem>>) src(%arg20 : memref<40x128xf32, #tpu.memory_space<vmem>>) dst(%dma_wait3A_245 : memref<40x128xf32, #tpu.memory_space<vmem_shared>>)
      tpu.yield
    }) : () -> ()
    %add3A_19 = arith.constant 80 : i32
    %add3A_20 = arith.addi %mul3A_4, %add3A_19 : i32
    "tpu.region"() ({
      %run_scoped3A = tpu.sem_alloc : memref<!tpu.dma_semaphore, #tpu.memory_space<semaphore_mem>>
      %dma_start3A_238 = arith.constant 0 : i32
      %dma_start3A_239 = tpu.memref_slice %arg43[%add3A_20, %dma_start3A_238] : memref<10240x128xf32, #tpu.memory_space<vmem_shared>> -> memref<40x128xf32, #tpu.memory_space<vmem_shared>>
      %dma_start3A_240 = arith.constant 0 : i32
      %dma_start3A_241 = tpu.memref_slice %arg43[%add3A_20, %dma_start3A_240] : memref<10240x128xf32, #tpu.memory_space<vmem_shared>> -> memref<40x128xf32, #tpu.memory_space<vmem_shared>>
      tpu.enqueue_dma source(%arg20 : memref<40x128xf32, #tpu.memory_space<vmem>>) target(%dma_start3A_241 : memref<40x128xf32, #tpu.memory_space<vmem_shared>>) target_semaphore(%run_scoped3A : memref<!tpu.dma_semaphore, #tpu.memory_space<semaphore_mem>>)
      %dma_wait3A_242 = arith.constant 0 : i32
      %dma_wait3A_243 = tpu.memref_slice %arg43[%add3A_20, %dma_wait3A_242] : memref<10240x128xf32, #tpu.memory_space<vmem_shared>> -> memref<40x128xf32, #tpu.memory_space<vmem_shared>>
      %dma_wait3A_244 = arith.constant 0 : i32
      %dma_wait3A_245 = tpu.memref_slice %arg43[%add3A_20, %dma_wait3A_244] : memref<10240x128xf32, #tpu.memory_space<vmem_shared>> -> memref<40x128xf32, #tpu.memory_space<vmem_shared>>
      tpu.wait_dma2 semaphore(%run_scoped3A : memref<!tpu.dma_semaphore, #tpu.memory_space<semaphore_mem>>) src(%arg20 : memref<40x128xf32, #tpu.memory_space<vmem>>) dst(%dma_wait3A_245 : memref<40x128xf32, #tpu.memory_space<vmem_shared>>)
      tpu.yield
    }) : () -> ()
    %add3A_21 = arith.constant 120 : i32
    %add3A_22 = arith.addi %mul3A_4, %add3A_21 : i32
    "tpu.region"() ({
      %run_scoped3A = tpu.sem_alloc : memref<!tpu.dma_semaphore, #tpu.memory_space<semaphore_mem>>
      %dma_start3A_238 = arith.constant 0 : i32
      %dma_start3A_239 = tpu.memref_slice %arg43[%add3A_22, %dma_start3A_238] : memref<10240x128xf32, #tpu.memory_space<vmem_shared>> -> memref<40x128xf32, #tpu.memory_space<vmem_shared>>
      %dma_start3A_240 = arith.constant 0 : i32
      %dma_start3A_241 = tpu.memref_slice %arg43[%add3A_22, %dma_start3A_240] : memref<10240x128xf32, #tpu.memory_space<vmem_shared>> -> memref<40x128xf32, #tpu.memory_space<vmem_shared>>
      tpu.enqueue_dma source(%arg20 : memref<40x128xf32, #tpu.memory_space<vmem>>) target(%dma_start3A_241 : memref<40x128xf32, #tpu.memory_space<vmem_shared>>) target_semaphore(%run_scoped3A : memref<!tpu.dma_semaphore, #tpu.memory_space<semaphore_mem>>)
      %dma_wait3A_242 = arith.constant 0 : i32
      %dma_wait3A_243 = tpu.memref_slice %arg43[%add3A_22, %dma_wait3A_242] : memref<10240x128xf32, #tpu.memory_space<vmem_shared>> -> memref<40x128xf32, #tpu.memory_space<vmem_shared>>
      %dma_wait3A_244 = arith.constant 0 : i32
      %dma_wait3A_245 = tpu.memref_slice %arg43[%add3A_22, %dma_wait3A_244] : memref<10240x128xf32, #tpu.memory_space<vmem_shared>> -> memref<40x128xf32, #tpu.memory_space<vmem_shared>>
      tpu.wait_dma2 semaphore(%run_scoped3A : memref<!tpu.dma_semaphore, #tpu.memory_space<semaphore_mem>>) src(%arg20 : memref<40x128xf32, #tpu.memory_space<vmem>>) dst(%dma_wait3A_245 : memref<40x128xf32, #tpu.memory_space<vmem_shared>>)
      tpu.yield
    }) : () -> ()
    %add3A_23 = arith.constant 160 : i32
    %add3A_24 = arith.addi %mul3A_4, %add3A_23 : i32
    "tpu.region"() ({
      %run_scoped3A = tpu.sem_alloc : memref<!tpu.dma_semaphore, #tpu.memory_space<semaphore_mem>>
      %dma_start3A_238 = arith.constant 0 : i32
      %dma_start3A_239 = tpu.memref_slice %arg43[%add3A_24, %dma_start3A_238] : memref<10240x128xf32, #tpu.memory_space<vmem_shared>> -> memref<40x128xf32, #tpu.memory_space<vmem_shared>>
      %dma_start3A_240 = arith.constant 0 : i32
      %dma_start3A_241 = tpu.memref_slice %arg43[%add3A_24, %dma_start3A_240] : memref<10240x128xf32, #tpu.memory_space<vmem_shared>> -> memref<40x128xf32, #tpu.memory_space<vmem_shared>>
      tpu.enqueue_dma source(%arg20 : memref<40x128xf32, #tpu.memory_space<vmem>>) target(%dma_start3A_241 : memref<40x128xf32, #tpu.memory_space<vmem_shared>>) target_semaphore(%run_scoped3A : memref<!tpu.dma_semaphore, #tpu.memory_space<semaphore_mem>>)
      %dma_wait3A_242 = arith.constant 0 : i32
      %dma_wait3A_243 = tpu.memref_slice %arg43[%add3A_24, %dma_wait3A_242] : memref<10240x128xf32, #tpu.memory_space<vmem_shared>> -> memref<40x128xf32, #tpu.memory_space<vmem_shared>>
      %dma_wait3A_244 = arith.constant 0 : i32
      %dma_wait3A_245 = tpu.memref_slice %arg43[%add3A_24, %dma_wait3A_244] : memref<10240x128xf32, #tpu.memory_space<vmem_shared>> -> memref<40x128xf32, #tpu.memory_space<vmem_shared>>
      tpu.wait_dma2 semaphore(%run_scoped3A : memref<!tpu.dma_semaphore, #tpu.memory_space<semaphore_mem>>) src(%arg20 : memref<40x128xf32, #tpu.memory_space<vmem>>) dst(%dma_wait3A_245 : memref<40x128xf32, #tpu.memory_space<vmem_shared>>)
      tpu.yield
    }) : () -> ()
    %add3A_25 = arith.constant 200 : i32
    %add3A_26 = arith.addi %mul3A_4, %add3A_25 : i32
    "tpu.region"() ({
      %run_scoped3A = tpu.sem_alloc : memref<!tpu.dma_semaphore, #tpu.memory_space<semaphore_mem>>
      %dma_start3A_238 = arith.constant 0 : i32
      %dma_start3A_239 = tpu.memref_slice %arg43[%add3A_26, %dma_start3A_238] : memref<10240x128xf32, #tpu.memory_space<vmem_shared>> -> memref<40x128xf32, #tpu.memory_space<vmem_shared>>
      %dma_start3A_240 = arith.constant 0 : i32
      %dma_start3A_241 = tpu.memref_slice %arg43[%add3A_26, %dma_start3A_240] : memref<10240x128xf32, #tpu.memory_space<vmem_shared>> -> memref<40x128xf32, #tpu.memory_space<vmem_shared>>
      tpu.enqueue_dma source(%arg20 : memref<40x128xf32, #tpu.memory_space<vmem>>) target(%dma_start3A_241 : memref<40x128xf32, #tpu.memory_space<vmem_shared>>) target_semaphore(%run_scoped3A : memref<!tpu.dma_semaphore, #tpu.memory_space<semaphore_mem>>)
      %dma_wait3A_242 = arith.constant 0 : i32
      %dma_wait3A_243 = tpu.memref_slice %arg43[%add3A_26, %dma_wait3A_242] : memref<10240x128xf32, #tpu.memory_space<vmem_shared>> -> memref<40x128xf32, #tpu.memory_space<vmem_shared>>
      %dma_wait3A_244 = arith.constant 0 : i32
      %dma_wait3A_245 = tpu.memref_slice %arg43[%add3A_26, %dma_wait3A_244] : memref<10240x128xf32, #tpu.memory_space<vmem_shared>> -> memref<40x128xf32, #tpu.memory_space<vmem_shared>>
      tpu.wait_dma2 semaphore(%run_scoped3A : memref<!tpu.dma_semaphore, #tpu.memory_space<semaphore_mem>>) src(%arg20 : memref<40x128xf32, #tpu.memory_space<vmem>>) dst(%dma_wait3A_245 : memref<40x128xf32, #tpu.memory_space<vmem_shared>>)
      tpu.yield
    }) : () -> ()
    %add3A_27 = arith.constant 240 : i32
    %add3A_28 = arith.addi %mul3A_4, %add3A_27 : i32
    "tpu.region"() ({
      %run_scoped3A = tpu.sem_alloc : memref<!tpu.dma_semaphore, #tpu.memory_space<semaphore_mem>>
      %dma_start3A_238 = arith.constant 0 : i32
      %dma_start3A_239 = tpu.memref_slice %arg43[%add3A_28, %dma_start3A_238] : memref<10240x128xf32, #tpu.memory_space<vmem_shared>> -> memref<40x128xf32, #tpu.memory_space<vmem_shared>>
      %dma_start3A_240 = arith.constant 0 : i32
      %dma_start3A_241 = tpu.memref_slice %arg43[%add3A_28, %dma_start3A_240] : memref<10240x128xf32, #tpu.memory_space<vmem_shared>> -> memref<40x128xf32, #tpu.memory_space<vmem_shared>>
      tpu.enqueue_dma source(%arg20 : memref<40x128xf32, #tpu.memory_space<vmem>>) target(%dma_start3A_241 : memref<40x128xf32, #tpu.memory_space<vmem_shared>>) target_semaphore(%run_scoped3A : memref<!tpu.dma_semaphore, #tpu.memory_space<semaphore_mem>>)
      %dma_wait3A_242 = arith.constant 0 : i32
      %dma_wait3A_243 = tpu.memref_slice %arg43[%add3A_28, %dma_wait3A_242] : memref<10240x128xf32, #tpu.memory_space<vmem_shared>> -> memref<40x128xf32, #tpu.memory_space<vmem_shared>>
      %dma_wait3A_244 = arith.constant 0 : i32
      %dma_wait3A_245 = tpu.memref_slice %arg43[%add3A_28, %dma_wait3A_244] : memref<10240x128xf32, #tpu.memory_space<vmem_shared>> -> memref<40x128xf32, #tpu.memory_space<vmem_shared>>
      tpu.wait_dma2 semaphore(%run_scoped3A : memref<!tpu.dma_semaphore, #tpu.memory_space<semaphore_mem>>) src(%arg20 : memref<40x128xf32, #tpu.memory_space<vmem>>) dst(%dma_wait3A_245 : memref<40x128xf32, #tpu.memory_space<vmem_shared>>)
      tpu.yield
    }) : () -> ()
    %add3A_29 = arith.constant 280 : i32
    %add3A_30 = arith.addi %mul3A_4, %add3A_29 : i32
    "tpu.region"() ({
      %run_scoped3A = tpu.sem_alloc : memref<!tpu.dma_semaphore, #tpu.memory_space<semaphore_mem>>
      %dma_start3A_238 = arith.constant 0 : i32
      %dma_start3A_239 = tpu.memref_slice %arg43[%add3A_30, %dma_start3A_238] : memref<10240x128xf32, #tpu.memory_space<vmem_shared>> -> memref<40x128xf32, #tpu.memory_space<vmem_shared>>
      %dma_start3A_240 = arith.constant 0 : i32
      %dma_start3A_241 = tpu.memref_slice %arg43[%add3A_30, %dma_start3A_240] : memref<10240x128xf32, #tpu.memory_space<vmem_shared>> -> memref<40x128xf32, #tpu.memory_space<vmem_shared>>
      tpu.enqueue_dma source(%arg20 : memref<40x128xf32, #tpu.memory_space<vmem>>) target(%dma_start3A_241 : memref<40x128xf32, #tpu.memory_space<vmem_shared>>) target_semaphore(%run_scoped3A : memref<!tpu.dma_semaphore, #tpu.memory_space<semaphore_mem>>)
      %dma_wait3A_242 = arith.constant 0 : i32
      %dma_wait3A_243 = tpu.memref_slice %arg43[%add3A_30, %dma_wait3A_242] : memref<10240x128xf32, #tpu.memory_space<vmem_shared>> -> memref<40x128xf32, #tpu.memory_space<vmem_shared>>
      %dma_wait3A_244 = arith.constant 0 : i32
      %dma_wait3A_245 = tpu.memref_slice %arg43[%add3A_30, %dma_wait3A_244] : memref<10240x128xf32, #tpu.memory_space<vmem_shared>> -> memref<40x128xf32, #tpu.memory_space<vmem_shared>>
      tpu.wait_dma2 semaphore(%run_scoped3A : memref<!tpu.dma_semaphore, #tpu.memory_space<semaphore_mem>>) src(%arg20 : memref<40x128xf32, #tpu.memory_space<vmem>>) dst(%dma_wait3A_245 : memref<40x128xf32, #tpu.memory_space<vmem_shared>>)
      tpu.yield
    }) : () -> ()
    %add3A_31 = arith.constant 320 : i32
    %add3A_32 = arith.addi %mul3A_4, %add3A_31 : i32
    "tpu.region"() ({
      %run_scoped3A = tpu.sem_alloc : memref<!tpu.dma_semaphore, #tpu.memory_space<semaphore_mem>>
      %dma_start3A_238 = arith.constant 0 : i32
      %dma_start3A_239 = tpu.memref_slice %arg43[%add3A_32, %dma_start3A_238] : memref<10240x128xf32, #tpu.memory_space<vmem_shared>> -> memref<40x128xf32, #tpu.memory_space<vmem_shared>>
      %dma_start3A_240 = arith.constant 0 : i32
      %dma_start3A_241 = tpu.memref_slice %arg43[%add3A_32, %dma_start3A_240] : memref<10240x128xf32, #tpu.memory_space<vmem_shared>> -> memref<40x128xf32, #tpu.memory_space<vmem_shared>>
      tpu.enqueue_dma source(%arg20 : memref<40x128xf32, #tpu.memory_space<vmem>>) target(%dma_start3A_241 : memref<40x128xf32, #tpu.memory_space<vmem_shared>>) target_semaphore(%run_scoped3A : memref<!tpu.dma_semaphore, #tpu.memory_space<semaphore_mem>>)
      %dma_wait3A_242 = arith.constant 0 : i32
      %dma_wait3A_243 = tpu.memref_slice %arg43[%add3A_32, %dma_wait3A_242] : memref<10240x128xf32, #tpu.memory_space<vmem_shared>> -> memref<40x128xf32, #tpu.memory_space<vmem_shared>>
      %dma_wait3A_244 = arith.constant 0 : i32
      %dma_wait3A_245 = tpu.memref_slice %arg43[%add3A_32, %dma_wait3A_244] : memref<10240x128xf32, #tpu.memory_space<vmem_shared>> -> memref<40x128xf32, #tpu.memory_space<vmem_shared>>
      tpu.wait_dma2 semaphore(%run_scoped3A : memref<!tpu.dma_semaphore, #tpu.memory_space<semaphore_mem>>) src(%arg20 : memref<40x128xf32, #tpu.memory_space<vmem>>) dst(%dma_wait3A_245 : memref<40x128xf32, #tpu.memory_space<vmem_shared>>)
      tpu.yield
    }) : () -> ()
    %add3A_33 = arith.constant 360 : i32
    %add3A_34 = arith.addi %mul3A_4, %add3A_33 : i32
    "tpu.region"() ({
      %run_scoped3A = tpu.sem_alloc : memref<!tpu.dma_semaphore, #tpu.memory_space<semaphore_mem>>
      %dma_start3A_238 = arith.constant 0 : i32
      %dma_start3A_239 = tpu.memref_slice %arg43[%add3A_34, %dma_start3A_238] : memref<10240x128xf32, #tpu.memory_space<vmem_shared>> -> memref<40x128xf32, #tpu.memory_space<vmem_shared>>
      %dma_start3A_240 = arith.constant 0 : i32
      %dma_start3A_241 = tpu.memref_slice %arg43[%add3A_34, %dma_start3A_240] : memref<10240x128xf32, #tpu.memory_space<vmem_shared>> -> memref<40x128xf32, #tpu.memory_space<vmem_shared>>
      tpu.enqueue_dma source(%arg20 : memref<40x128xf32, #tpu.memory_space<vmem>>) target(%dma_start3A_241 : memref<40x128xf32, #tpu.memory_space<vmem_shared>>) target_semaphore(%run_scoped3A : memref<!tpu.dma_semaphore, #tpu.memory_space<semaphore_mem>>)
      %dma_wait3A_242 = arith.constant 0 : i32
      %dma_wait3A_243 = tpu.memref_slice %arg43[%add3A_34, %dma_wait3A_242] : memref<10240x128xf32, #tpu.memory_space<vmem_shared>> -> memref<40x128xf32, #tpu.memory_space<vmem_shared>>
      %dma_wait3A_244 = arith.constant 0 : i32
      %dma_wait3A_245 = tpu.memref_slice %arg43[%add3A_34, %dma_wait3A_244] : memref<10240x128xf32, #tpu.memory_space<vmem_shared>> -> memref<40x128xf32, #tpu.memory_space<vmem_shared>>
      tpu.wait_dma2 semaphore(%run_scoped3A : memref<!tpu.dma_semaphore, #tpu.memory_space<semaphore_mem>>) src(%arg20 : memref<40x128xf32, #tpu.memory_space<vmem>>) dst(%dma_wait3A_245 : memref<40x128xf32, #tpu.memory_space<vmem_shared>>)
      tpu.yield
    }) : () -> ()
    %add3A_35 = arith.constant 400 : i32
    %add3A_36 = arith.addi %mul3A_4, %add3A_35 : i32
    "tpu.region"() ({
      %run_scoped3A = tpu.sem_alloc : memref<!tpu.dma_semaphore, #tpu.memory_space<semaphore_mem>>
      %dma_start3A_238 = arith.constant 0 : i32
      %dma_start3A_239 = tpu.memref_slice %arg43[%add3A_36, %dma_start3A_238] : memref<10240x128xf32, #tpu.memory_space<vmem_shared>> -> memref<40x128xf32, #tpu.memory_space<vmem_shared>>
      %dma_start3A_240 = arith.constant 0 : i32
      %dma_start3A_241 = tpu.memref_slice %arg43[%add3A_36, %dma_start3A_240] : memref<10240x128xf32, #tpu.memory_space<vmem_shared>> -> memref<40x128xf32, #tpu.memory_space<vmem_shared>>
      tpu.enqueue_dma source(%arg20 : memref<40x128xf32, #tpu.memory_space<vmem>>) target(%dma_start3A_241 : memref<40x128xf32, #tpu.memory_space<vmem_shared>>) target_semaphore(%run_scoped3A : memref<!tpu.dma_semaphore, #tpu.memory_space<semaphore_mem>>)
      %dma_wait3A_242 = arith.constant 0 : i32
      %dma_wait3A_243 = tpu.memref_slice %arg43[%add3A_36, %dma_wait3A_242] : memref<10240x128xf32, #tpu.memory_space<vmem_shared>> -> memref<40x128xf32, #tpu.memory_space<vmem_shared>>
      %dma_wait3A_244 = arith.constant 0 : i32
      %dma_wait3A_245 = tpu.memref_slice %arg43[%add3A_36, %dma_wait3A_244] : memref<10240x128xf32, #tpu.memory_space<vmem_shared>> -> memref<40x128xf32, #tpu.memory_space<vmem_shared>>
      tpu.wait_dma2 semaphore(%run_scoped3A : memref<!tpu.dma_semaphore, #tpu.memory_space<semaphore_mem>>) src(%arg20 : memref<40x128xf32, #tpu.memory_space<vmem>>) dst(%dma_wait3A_245 : memref<40x128xf32, #tpu.memory_space<vmem_shared>>)
      tpu.yield
    }) : () -> ()
    %add3A_37 = arith.constant 440 : i32
    %add3A_38 = arith.addi %mul3A_4, %add3A_37 : i32
    "tpu.region"() ({
      %run_scoped3A = tpu.sem_alloc : memref<!tpu.dma_semaphore, #tpu.memory_space<semaphore_mem>>
      %dma_start3A_238 = arith.constant 0 : i32
      %dma_start3A_239 = tpu.memref_slice %arg43[%add3A_38, %dma_start3A_238] : memref<10240x128xf32, #tpu.memory_space<vmem_shared>> -> memref<40x128xf32, #tpu.memory_space<vmem_shared>>
      %dma_start3A_240 = arith.constant 0 : i32
      %dma_start3A_241 = tpu.memref_slice %arg43[%add3A_38, %dma_start3A_240] : memref<10240x128xf32, #tpu.memory_space<vmem_shared>> -> memref<40x128xf32, #tpu.memory_space<vmem_shared>>
      tpu.enqueue_dma source(%arg20 : memref<40x128xf32, #tpu.memory_space<vmem>>) target(%dma_start3A_241 : memref<40x128xf32, #tpu.memory_space<vmem_shared>>) target_semaphore(%run_scoped3A : memref<!tpu.dma_semaphore, #tpu.memory_space<semaphore_mem>>)
      %dma_wait3A_242 = arith.constant 0 : i32
      %dma_wait3A_243 = tpu.memref_slice %arg43[%add3A_38, %dma_wait3A_242] : memref<10240x128xf32, #tpu.memory_space<vmem_shared>> -> memref<40x128xf32, #tpu.memory_space<vmem_shared>>
      %dma_wait3A_244 = arith.constant 0 : i32
      %dma_wait3A_245 = tpu.memref_slice %arg43[%add3A_38, %dma_wait3A_244] : memref<10240x128xf32, #tpu.memory_space<vmem_shared>> -> memref<40x128xf32, #tpu.memory_space<vmem_shared>>
      tpu.wait_dma2 semaphore(%run_scoped3A : memref<!tpu.dma_semaphore, #tpu.memory_space<semaphore_mem>>) src(%arg20 : memref<40x128xf32, #tpu.memory_space<vmem>>) dst(%dma_wait3A_245 : memref<40x128xf32, #tpu.memory_space<vmem_shared>>)
      tpu.yield
    }) : () -> ()
    %add3A_39 = arith.constant 480 : i32
    %add3A_40 = arith.addi %mul3A_4, %add3A_39 : i32
    "tpu.region"() ({
      %run_scoped3A = tpu.sem_alloc : memref<!tpu.dma_semaphore, #tpu.memory_space<semaphore_mem>>
      %dma_start3A_238 = arith.constant 0 : i32
      %dma_start3A_239 = tpu.memref_slice %arg43[%add3A_40, %dma_start3A_238] : memref<10240x128xf32, #tpu.memory_space<vmem_shared>> -> memref<40x128xf32, #tpu.memory_space<vmem_shared>>
      %dma_start3A_240 = arith.constant 0 : i32
      %dma_start3A_241 = tpu.memref_slice %arg43[%add3A_40, %dma_start3A_240] : memref<10240x128xf32, #tpu.memory_space<vmem_shared>> -> memref<40x128xf32, #tpu.memory_space<vmem_shared>>
      tpu.enqueue_dma source(%arg20 : memref<40x128xf32, #tpu.memory_space<vmem>>) target(%dma_start3A_241 : memref<40x128xf32, #tpu.memory_space<vmem_shared>>) target_semaphore(%run_scoped3A : memref<!tpu.dma_semaphore, #tpu.memory_space<semaphore_mem>>)
      %dma_wait3A_242 = arith.constant 0 : i32
      %dma_wait3A_243 = tpu.memref_slice %arg43[%add3A_40, %dma_wait3A_242] : memref<10240x128xf32, #tpu.memory_space<vmem_shared>> -> memref<40x128xf32, #tpu.memory_space<vmem_shared>>
      %dma_wait3A_244 = arith.constant 0 : i32
      %dma_wait3A_245 = tpu.memref_slice %arg43[%add3A_40, %dma_wait3A_244] : memref<10240x128xf32, #tpu.memory_space<vmem_shared>> -> memref<40x128xf32, #tpu.memory_space<vmem_shared>>
      tpu.wait_dma2 semaphore(%run_scoped3A : memref<!tpu.dma_semaphore, #tpu.memory_space<semaphore_mem>>) src(%arg20 : memref<40x128xf32, #tpu.memory_space<vmem>>) dst(%dma_wait3A_245 : memref<40x128xf32, #tpu.memory_space<vmem_shared>>)
      tpu.yield
    }) : () -> ()
    %add3A_41 = arith.constant 520 : i32
    %add3A_42 = arith.addi %mul3A_4, %add3A_41 : i32
    "tpu.region"() ({
      %run_scoped3A = tpu.sem_alloc : memref<!tpu.dma_semaphore, #tpu.memory_space<semaphore_mem>>
      %dma_start3A_238 = arith.constant 0 : i32
      %dma_start3A_239 = tpu.memref_slice %arg43[%add3A_42, %dma_start3A_238] : memref<10240x128xf32, #tpu.memory_space<vmem_shared>> -> memref<40x128xf32, #tpu.memory_space<vmem_shared>>
      %dma_start3A_240 = arith.constant 0 : i32
      %dma_start3A_241 = tpu.memref_slice %arg43[%add3A_42, %dma_start3A_240] : memref<10240x128xf32, #tpu.memory_space<vmem_shared>> -> memref<40x128xf32, #tpu.memory_space<vmem_shared>>
      tpu.enqueue_dma source(%arg20 : memref<40x128xf32, #tpu.memory_space<vmem>>) target(%dma_start3A_241 : memref<40x128xf32, #tpu.memory_space<vmem_shared>>) target_semaphore(%run_scoped3A : memref<!tpu.dma_semaphore, #tpu.memory_space<semaphore_mem>>)
      %dma_wait3A_242 = arith.constant 0 : i32
      %dma_wait3A_243 = tpu.memref_slice %arg43[%add3A_42, %dma_wait3A_242] : memref<10240x128xf32, #tpu.memory_space<vmem_shared>> -> memref<40x128xf32, #tpu.memory_space<vmem_shared>>
      %dma_wait3A_244 = arith.constant 0 : i32
      %dma_wait3A_245 = tpu.memref_slice %arg43[%add3A_42, %dma_wait3A_244] : memref<10240x128xf32, #tpu.memory_space<vmem_shared>> -> memref<40x128xf32, #tpu.memory_space<vmem_shared>>
      tpu.wait_dma2 semaphore(%run_scoped3A : memref<!tpu.dma_semaphore, #tpu.memory_space<semaphore_mem>>) src(%arg20 : memref<40x128xf32, #tpu.memory_space<vmem>>) dst(%dma_wait3A_245 : memref<40x128xf32, #tpu.memory_space<vmem_shared>>)
      tpu.yield
    }) : () -> ()
    %add3A_43 = arith.constant 560 : i32
    %add3A_44 = arith.addi %mul3A_4, %add3A_43 : i32
    "tpu.region"() ({
      %run_scoped3A = tpu.sem_alloc : memref<!tpu.dma_semaphore, #tpu.memory_space<semaphore_mem>>
      %dma_start3A_238 = arith.constant 0 : i32
      %dma_start3A_239 = tpu.memref_slice %arg43[%add3A_44, %dma_start3A_238] : memref<10240x128xf32, #tpu.memory_space<vmem_shared>> -> memref<40x128xf32, #tpu.memory_space<vmem_shared>>
      %dma_start3A_240 = arith.constant 0 : i32
      %dma_start3A_241 = tpu.memref_slice %arg43[%add3A_44, %dma_start3A_240] : memref<10240x128xf32, #tpu.memory_space<vmem_shared>> -> memref<40x128xf32, #tpu.memory_space<vmem_shared>>
      tpu.enqueue_dma source(%arg20 : memref<40x128xf32, #tpu.memory_space<vmem>>) target(%dma_start3A_241 : memref<40x128xf32, #tpu.memory_space<vmem_shared>>) target_semaphore(%run_scoped3A : memref<!tpu.dma_semaphore, #tpu.memory_space<semaphore_mem>>)
      %dma_wait3A_242 = arith.constant 0 : i32
      %dma_wait3A_243 = tpu.memref_slice %arg43[%add3A_44, %dma_wait3A_242] : memref<10240x128xf32, #tpu.memory_space<vmem_shared>> -> memref<40x128xf32, #tpu.memory_space<vmem_shared>>
      %dma_wait3A_244 = arith.constant 0 : i32
      %dma_wait3A_245 = tpu.memref_slice %arg43[%add3A_44, %dma_wait3A_244] : memref<10240x128xf32, #tpu.memory_space<vmem_shared>> -> memref<40x128xf32, #tpu.memory_space<vmem_shared>>
      tpu.wait_dma2 semaphore(%run_scoped3A : memref<!tpu.dma_semaphore, #tpu.memory_space<semaphore_mem>>) src(%arg20 : memref<40x128xf32, #tpu.memory_space<vmem>>) dst(%dma_wait3A_245 : memref<40x128xf32, #tpu.memory_space<vmem_shared>>)
      tpu.yield
    }) : () -> ()
    %add3A_45 = arith.constant 600 : i32
    %add3A_46 = arith.addi %mul3A_4, %add3A_45 : i32
    "tpu.region"() ({
      %run_scoped3A = tpu.sem_alloc : memref<!tpu.dma_semaphore, #tpu.memory_space<semaphore_mem>>
      %dma_start3A_238 = arith.constant 0 : i32
      %dma_start3A_239 = tpu.memref_slice %arg43[%add3A_46, %dma_start3A_238] : memref<10240x128xf32, #tpu.memory_space<vmem_shared>> -> memref<40x128xf32, #tpu.memory_space<vmem_shared>>
      %dma_start3A_240 = arith.constant 0 : i32
      %dma_start3A_241 = tpu.memref_slice %arg43[%add3A_46, %dma_start3A_240] : memref<10240x128xf32, #tpu.memory_space<vmem_shared>> -> memref<40x128xf32, #tpu.memory_space<vmem_shared>>
      tpu.enqueue_dma source(%arg20 : memref<40x128xf32, #tpu.memory_space<vmem>>) target(%dma_start3A_241 : memref<40x128xf32, #tpu.memory_space<vmem_shared>>) target_semaphore(%run_scoped3A : memref<!tpu.dma_semaphore, #tpu.memory_space<semaphore_mem>>)
      %dma_wait3A_242 = arith.constant 0 : i32
      %dma_wait3A_243 = tpu.memref_slice %arg43[%add3A_46, %dma_wait3A_242] : memref<10240x128xf32, #tpu.memory_space<vmem_shared>> -> memref<40x128xf32, #tpu.memory_space<vmem_shared>>
      %dma_wait3A_244 = arith.constant 0 : i32
      %dma_wait3A_245 = tpu.memref_slice %arg43[%add3A_46, %dma_wait3A_244] : memref<10240x128xf32, #tpu.memory_space<vmem_shared>> -> memref<40x128xf32, #tpu.memory_space<vmem_shared>>
      tpu.wait_dma2 semaphore(%run_scoped3A : memref<!tpu.dma_semaphore, #tpu.memory_space<semaphore_mem>>) src(%arg20 : memref<40x128xf32, #tpu.memory_space<vmem>>) dst(%dma_wait3A_245 : memref<40x128xf32, #tpu.memory_space<vmem_shared>>)
      tpu.yield
    }) : () -> ()
    %barrier3A = arith.constant 0 : index
    tpu.barrier barrier_id(%barrier3A)
    %scan3A_47 = arith.constant 0 : i32
    %scan3A_48 = arith.constant 41 : i32
    %scan3A_49 = arith.addi %scan3A_47, %scan3A_48 : i32
    %scan3A_50 = arith.constant 1 : i32
    scf.for %scan3A_238 = %scan3A_47 to %scan3A_49 step %scan3A_50  : i32 {
      %mul3A_239 = arith.constant 1 : i32
      %mul3A_240 = arith.muli %scan3A_238, %mul3A_239 : i32
      %add3A_241 = arith.constant 0 : i32
      %add3A_242 = arith.addi %add3A_241, %mul3A_240 : i32
      %mul3A_243 = arith.constant 6 : i32
      %mul3A_244 = arith.muli %add3A_242, %mul3A_243 : i32
      %mul3A_245 = arith.constant 40 : i32
      %mul3A_246 = arith.muli %mul3A_244, %mul3A_245 : i32
      %add3A_247 = arith.addi %mul3A_2, %mul3A_246 : i32
      %add3A_248 = arith.constant 0 : i32
      %add3A_249 = arith.addi %add3A_247, %add3A_248 : i32
      %dma_start3A_250 = tpu.memref_slice %arg3[%add3A_249] : memref<320000xi32, #tpu.memory_space<hbm>> -> memref<40xi32, #tpu.memory_space<hbm>>
      %dma_start3A_251 = tpu.memref_slice %arg3[%add3A_249] : memref<320000xi32, #tpu.memory_space<hbm>> -> memref<40xi32, #tpu.memory_space<hbm>>
      tpu.enqueue_dma source(%dma_start3A_251 : memref<40xi32, #tpu.memory_space<hbm>>) target(%arg7 : memref<40xi32, #tpu.memory_space<vmem>>) target_semaphore(%arg25 : memref<!tpu.dma_semaphore, #tpu.memory_space<semaphore_mem>>)
      %dma_start3A_252 = tpu.memref_slice %arg4[%add3A_249] : memref<320000xi32, #tpu.memory_space<hbm>> -> memref<40xi32, #tpu.memory_space<hbm>>
      %dma_start3A_253 = tpu.memref_slice %arg4[%add3A_249] : memref<320000xi32, #tpu.memory_space<hbm>> -> memref<40xi32, #tpu.memory_space<hbm>>
      tpu.enqueue_dma source(%dma_start3A_253 : memref<40xi32, #tpu.memory_space<hbm>>) target(%arg13 : memref<40xi32, #tpu.memory_space<vmem>>) target_semaphore(%arg25 : memref<!tpu.dma_semaphore, #tpu.memory_space<semaphore_mem>>)
      %add3A_254 = arith.constant 40 : i32
      %add3A_255 = arith.addi %add3A_247, %add3A_254 : i32
      %dma_start3A_256 = tpu.memref_slice %arg3[%add3A_255] : memref<320000xi32, #tpu.memory_space<hbm>> -> memref<40xi32, #tpu.memory_space<hbm>>
      %dma_start3A_257 = tpu.memref_slice %arg3[%add3A_255] : memref<320000xi32, #tpu.memory_space<hbm>> -> memref<40xi32, #tpu.memory_space<hbm>>
      tpu.enqueue_dma source(%dma_start3A_257 : memref<40xi32, #tpu.memory_space<hbm>>) target(%arg8 : memref<40xi32, #tpu.memory_space<vmem>>) target_semaphore(%arg26 : memref<!tpu.dma_semaphore, #tpu.memory_space<semaphore_mem>>)
      %dma_start3A_258 = tpu.memref_slice %arg4[%add3A_255] : memref<320000xi32, #tpu.memory_space<hbm>> -> memref<40xi32, #tpu.memory_space<hbm>>
      %dma_start3A_259 = tpu.memref_slice %arg4[%add3A_255] : memref<320000xi32, #tpu.memory_space<hbm>> -> memref<40xi32, #tpu.memory_space<hbm>>
      tpu.enqueue_dma source(%dma_start3A_259 : memref<40xi32, #tpu.memory_space<hbm>>) target(%arg14 : memref<40xi32, #tpu.memory_space<vmem>>) target_semaphore(%arg26 : memref<!tpu.dma_semaphore, #tpu.memory_space<semaphore_mem>>)
      %add3A_260 = arith.constant 80 : i32
      %add3A_261 = arith.addi %add3A_247, %add3A_260 : i32
      %dma_start3A_262 = tpu.memref_slice %arg3[%add3A_261] : memref<320000xi32, #tpu.memory_space<hbm>> -> memref<40xi32, #tpu.memory_space<hbm>>
      %dma_start3A_263 = tpu.memref_slice %arg3[%add3A_261] : memref<320000xi32, #tpu.memory_space<hbm>> -> memref<40xi32, #tpu.memory_space<hbm>>
      tpu.enqueue_dma source(%dma_start3A_263 : memref<40xi32, #tpu.memory_space<hbm>>) target(%arg9 : memref<40xi32, #tpu.memory_space<vmem>>) target_semaphore(%arg27 : memref<!tpu.dma_semaphore, #tpu.memory_space<semaphore_mem>>)
      %dma_start3A_264 = tpu.memref_slice %arg4[%add3A_261] : memref<320000xi32, #tpu.memory_space<hbm>> -> memref<40xi32, #tpu.memory_space<hbm>>
      %dma_start3A_265 = tpu.memref_slice %arg4[%add3A_261] : memref<320000xi32, #tpu.memory_space<hbm>> -> memref<40xi32, #tpu.memory_space<hbm>>
      tpu.enqueue_dma source(%dma_start3A_265 : memref<40xi32, #tpu.memory_space<hbm>>) target(%arg15 : memref<40xi32, #tpu.memory_space<vmem>>) target_semaphore(%arg27 : memref<!tpu.dma_semaphore, #tpu.memory_space<semaphore_mem>>)
      %add3A_266 = arith.constant 120 : i32
      %add3A_267 = arith.addi %add3A_247, %add3A_266 : i32
      %dma_start3A_268 = tpu.memref_slice %arg3[%add3A_267] : memref<320000xi32, #tpu.memory_space<hbm>> -> memref<40xi32, #tpu.memory_space<hbm>>
      %dma_start3A_269 = tpu.memref_slice %arg3[%add3A_267] : memref<320000xi32, #tpu.memory_space<hbm>> -> memref<40xi32, #tpu.memory_space<hbm>>
      tpu.enqueue_dma source(%dma_start3A_269 : memref<40xi32, #tpu.memory_space<hbm>>) target(%arg10 : memref<40xi32, #tpu.memory_space<vmem>>) target_semaphore(%arg28 : memref<!tpu.dma_semaphore, #tpu.memory_space<semaphore_mem>>)
      %dma_start3A_270 = tpu.memref_slice %arg4[%add3A_267] : memref<320000xi32, #tpu.memory_space<hbm>> -> memref<40xi32, #tpu.memory_space<hbm>>
      %dma_start3A_271 = tpu.memref_slice %arg4[%add3A_267] : memref<320000xi32, #tpu.memory_space<hbm>> -> memref<40xi32, #tpu.memory_space<hbm>>
      tpu.enqueue_dma source(%dma_start3A_271 : memref<40xi32, #tpu.memory_space<hbm>>) target(%arg16 : memref<40xi32, #tpu.memory_space<vmem>>) target_semaphore(%arg28 : memref<!tpu.dma_semaphore, #tpu.memory_space<semaphore_mem>>)
      %add3A_272 = arith.constant 160 : i32
      %add3A_273 = arith.addi %add3A_247, %add3A_272 : i32
      %dma_start3A_274 = tpu.memref_slice %arg3[%add3A_273] : memref<320000xi32, #tpu.memory_space<hbm>> -> memref<40xi32, #tpu.memory_space<hbm>>
      %dma_start3A_275 = tpu.memref_slice %arg3[%add3A_273] : memref<320000xi32, #tpu.memory_space<hbm>> -> memref<40xi32, #tpu.memory_space<hbm>>
      tpu.enqueue_dma source(%dma_start3A_275 : memref<40xi32, #tpu.memory_space<hbm>>) target(%arg11 : memref<40xi32, #tpu.memory_space<vmem>>) target_semaphore(%arg29 : memref<!tpu.dma_semaphore, #tpu.memory_space<semaphore_mem>>)
      %dma_start3A_276 = tpu.memref_slice %arg4[%add3A_273] : memref<320000xi32, #tpu.memory_space<hbm>> -> memref<40xi32, #tpu.memory_space<hbm>>
      %dma_start3A_277 = tpu.memref_slice %arg4[%add3A_273] : memref<320000xi32, #tpu.memory_space<hbm>> -> memref<40xi32, #tpu.memory_space<hbm>>
      tpu.enqueue_dma source(%dma_start3A_277 : memref<40xi32, #tpu.memory_space<hbm>>) target(%arg17 : memref<40xi32, #tpu.memory_space<vmem>>) target_semaphore(%arg29 : memref<!tpu.dma_semaphore, #tpu.memory_space<semaphore_mem>>)
      %add3A_278 = arith.constant 200 : i32
      %add3A_279 = arith.addi %add3A_247, %add3A_278 : i32
      %dma_start3A_280 = tpu.memref_slice %arg3[%add3A_279] : memref<320000xi32, #tpu.memory_space<hbm>> -> memref<40xi32, #tpu.memory_space<hbm>>
      %dma_start3A_281 = tpu.memref_slice %arg3[%add3A_279] : memref<320000xi32, #tpu.memory_space<hbm>> -> memref<40xi32, #tpu.memory_space<hbm>>
      tpu.enqueue_dma source(%dma_start3A_281 : memref<40xi32, #tpu.memory_space<hbm>>) target(%arg12 : memref<40xi32, #tpu.memory_space<vmem>>) target_semaphore(%arg30 : memref<!tpu.dma_semaphore, #tpu.memory_space<semaphore_mem>>)
      %dma_start3A_282 = tpu.memref_slice %arg4[%add3A_279] : memref<320000xi32, #tpu.memory_space<hbm>> -> memref<40xi32, #tpu.memory_space<hbm>>
      %dma_start3A_283 = tpu.memref_slice %arg4[%add3A_279] : memref<320000xi32, #tpu.memory_space<hbm>> -> memref<40xi32, #tpu.memory_space<hbm>>
      tpu.enqueue_dma source(%dma_start3A_283 : memref<40xi32, #tpu.memory_space<hbm>>) target(%arg18 : memref<40xi32, #tpu.memory_space<vmem>>) target_semaphore(%arg30 : memref<!tpu.dma_semaphore, #tpu.memory_space<semaphore_mem>>)
      %dma_wait3A_284 = tpu.memref_slice %arg3[%add3A_249] : memref<320000xi32, #tpu.memory_space<hbm>> -> memref<40xi32, #tpu.memory_space<hbm>>
      %dma_wait3A_285 = tpu.memref_slice %arg3[%add3A_249] : memref<320000xi32, #tpu.memory_space<hbm>> -> memref<40xi32, #tpu.memory_space<hbm>>
      tpu.wait_dma2 semaphore(%arg25 : memref<!tpu.dma_semaphore, #tpu.memory_space<semaphore_mem>>) src(%dma_wait3A_285 : memref<40xi32, #tpu.memory_space<hbm>>) dst(%arg7 : memref<40xi32, #tpu.memory_space<vmem>>)
      %dma_wait3A_286 = tpu.memref_slice %arg4[%add3A_249] : memref<320000xi32, #tpu.memory_space<hbm>> -> memref<40xi32, #tpu.memory_space<hbm>>
      %dma_wait3A_287 = tpu.memref_slice %arg4[%add3A_249] : memref<320000xi32, #tpu.memory_space<hbm>> -> memref<40xi32, #tpu.memory_space<hbm>>
      tpu.wait_dma2 semaphore(%arg25 : memref<!tpu.dma_semaphore, #tpu.memory_space<semaphore_mem>>) src(%dma_wait3A_287 : memref<40xi32, #tpu.memory_space<hbm>>) dst(%arg13 : memref<40xi32, #tpu.memory_space<vmem>>)
      %dma_start3A_288 = arith.constant 0 : i32
      %dma_start3A_289 = arith.constant 0 : i32
      %dma_start3A_290 = tpu.memref_slice %arg2[%dma_start3A_288, %dma_start3A_289] : memref<10000x128xf32, #tpu.memory_space<hbm>> -> memref<10000x128xf32, #tpu.memory_space<hbm>>
      tpu.enqueue_indirect_dma source(%dma_start3A_290 : memref<10000x128xf32, #tpu.memory_space<hbm>>) target(%arg19 : memref<40x128xf32, #tpu.memory_space<vmem>>) offsets(%arg7 : memref<40xi32, #tpu.memory_space<vmem>>) semaphore(%arg31 : memref<!tpu.dma_semaphore, #tpu.memory_space<semaphore_mem>>)
      %dma_wait3A_291 = tpu.memref_slice %arg3[%add3A_255] : memref<320000xi32, #tpu.memory_space<hbm>> -> memref<40xi32, #tpu.memory_space<hbm>>
      %dma_wait3A_292 = tpu.memref_slice %arg3[%add3A_255] : memref<320000xi32, #tpu.memory_space<hbm>> -> memref<40xi32, #tpu.memory_space<hbm>>
      tpu.wait_dma2 semaphore(%arg26 : memref<!tpu.dma_semaphore, #tpu.memory_space<semaphore_mem>>) src(%dma_wait3A_292 : memref<40xi32, #tpu.memory_space<hbm>>) dst(%arg8 : memref<40xi32, #tpu.memory_space<vmem>>)
      %dma_wait3A_293 = tpu.memref_slice %arg4[%add3A_255] : memref<320000xi32, #tpu.memory_space<hbm>> -> memref<40xi32, #tpu.memory_space<hbm>>
      %dma_wait3A_294 = tpu.memref_slice %arg4[%add3A_255] : memref<320000xi32, #tpu.memory_space<hbm>> -> memref<40xi32, #tpu.memory_space<hbm>>
      tpu.wait_dma2 semaphore(%arg26 : memref<!tpu.dma_semaphore, #tpu.memory_space<semaphore_mem>>) src(%dma_wait3A_294 : memref<40xi32, #tpu.memory_space<hbm>>) dst(%arg14 : memref<40xi32, #tpu.memory_space<vmem>>)
      %dma_start3A_295 = arith.constant 0 : i32
      %dma_start3A_296 = arith.constant 0 : i32
      %dma_start3A_297 = tpu.memref_slice %arg2[%dma_start3A_295, %dma_start3A_296] : memref<10000x128xf32, #tpu.memory_space<hbm>> -> memref<10000x128xf32, #tpu.memory_space<hbm>>
      tpu.enqueue_indirect_dma source(%dma_start3A_297 : memref<10000x128xf32, #tpu.memory_space<hbm>>) target(%arg20 : memref<40x128xf32, #tpu.memory_space<vmem>>) offsets(%arg8 : memref<40xi32, #tpu.memory_space<vmem>>) semaphore(%arg32 : memref<!tpu.dma_semaphore, #tpu.memory_space<semaphore_mem>>)
      %dma_wait3A_298 = tpu.memref_slice %arg3[%add3A_261] : memref<320000xi32, #tpu.memory_space<hbm>> -> memref<40xi32, #tpu.memory_space<hbm>>
      %dma_wait3A_299 = tpu.memref_slice %arg3[%add3A_261] : memref<320000xi32, #tpu.memory_space<hbm>> -> memref<40xi32, #tpu.memory_space<hbm>>
      tpu.wait_dma2 semaphore(%arg27 : memref<!tpu.dma_semaphore, #tpu.memory_space<semaphore_mem>>) src(%dma_wait3A_299 : memref<40xi32, #tpu.memory_space<hbm>>) dst(%arg9 : memref<40xi32, #tpu.memory_space<vmem>>)
      %dma_wait3A_300 = tpu.memref_slice %arg4[%add3A_261] : memref<320000xi32, #tpu.memory_space<hbm>> -> memref<40xi32, #tpu.memory_space<hbm>>
      %dma_wait3A_301 = tpu.memref_slice %arg4[%add3A_261] : memref<320000xi32, #tpu.memory_space<hbm>> -> memref<40xi32, #tpu.memory_space<hbm>>
      tpu.wait_dma2 semaphore(%arg27 : memref<!tpu.dma_semaphore, #tpu.memory_space<semaphore_mem>>) src(%dma_wait3A_301 : memref<40xi32, #tpu.memory_space<hbm>>) dst(%arg15 : memref<40xi32, #tpu.memory_space<vmem>>)
      %dma_start3A_302 = arith.constant 0 : i32
      %dma_start3A_303 = arith.constant 0 : i32
      %dma_start3A_304 = tpu.memref_slice %arg2[%dma_start3A_302, %dma_start3A_303] : memref<10000x128xf32, #tpu.memory_space<hbm>> -> memref<10000x128xf32, #tpu.memory_space<hbm>>
      tpu.enqueue_indirect_dma source(%dma_start3A_304 : memref<10000x128xf32, #tpu.memory_space<hbm>>) target(%arg21 : memref<40x128xf32, #tpu.memory_space<vmem>>) offsets(%arg9 : memref<40xi32, #tpu.memory_space<vmem>>) semaphore(%arg33 : memref<!tpu.dma_semaphore, #tpu.memory_space<semaphore_mem>>)
      %dma_wait3A_305 = tpu.memref_slice %arg3[%add3A_267] : memref<320000xi32, #tpu.memory_space<hbm>> -> memref<40xi32, #tpu.memory_space<hbm>>
      %dma_wait3A_306 = tpu.memref_slice %arg3[%add3A_267] : memref<320000xi32, #tpu.memory_space<hbm>> -> memref<40xi32, #tpu.memory_space<hbm>>
      tpu.wait_dma2 semaphore(%arg28 : memref<!tpu.dma_semaphore, #tpu.memory_space<semaphore_mem>>) src(%dma_wait3A_306 : memref<40xi32, #tpu.memory_space<hbm>>) dst(%arg10 : memref<40xi32, #tpu.memory_space<vmem>>)
      %dma_wait3A_307 = tpu.memref_slice %arg4[%add3A_267] : memref<320000xi32, #tpu.memory_space<hbm>> -> memref<40xi32, #tpu.memory_space<hbm>>
      %dma_wait3A_308 = tpu.memref_slice %arg4[%add3A_267] : memref<320000xi32, #tpu.memory_space<hbm>> -> memref<40xi32, #tpu.memory_space<hbm>>
      tpu.wait_dma2 semaphore(%arg28 : memref<!tpu.dma_semaphore, #tpu.memory_space<semaphore_mem>>) src(%dma_wait3A_308 : memref<40xi32, #tpu.memory_space<hbm>>) dst(%arg16 : memref<40xi32, #tpu.memory_space<vmem>>)
      %dma_start3A_309 = arith.constant 0 : i32
      %dma_start3A_310 = arith.constant 0 : i32
      %dma_start3A_311 = tpu.memref_slice %arg2[%dma_start3A_309, %dma_start3A_310] : memref<10000x128xf32, #tpu.memory_space<hbm>> -> memref<10000x128xf32, #tpu.memory_space<hbm>>
      tpu.enqueue_indirect_dma source(%dma_start3A_311 : memref<10000x128xf32, #tpu.memory_space<hbm>>) target(%arg22 : memref<40x128xf32, #tpu.memory_space<vmem>>) offsets(%arg10 : memref<40xi32, #tpu.memory_space<vmem>>) semaphore(%arg34 : memref<!tpu.dma_semaphore, #tpu.memory_space<semaphore_mem>>)
      %dma_wait3A_312 = tpu.memref_slice %arg3[%add3A_273] : memref<320000xi32, #tpu.memory_space<hbm>> -> memref<40xi32, #tpu.memory_space<hbm>>
      %dma_wait3A_313 = tpu.memref_slice %arg3[%add3A_273] : memref<320000xi32, #tpu.memory_space<hbm>> -> memref<40xi32, #tpu.memory_space<hbm>>
      tpu.wait_dma2 semaphore(%arg29 : memref<!tpu.dma_semaphore, #tpu.memory_space<semaphore_mem>>) src(%dma_wait3A_313 : memref<40xi32, #tpu.memory_space<hbm>>) dst(%arg11 : memref<40xi32, #tpu.memory_space<vmem>>)
      %dma_wait3A_314 = tpu.memref_slice %arg4[%add3A_273] : memref<320000xi32, #tpu.memory_space<hbm>> -> memref<40xi32, #tpu.memory_space<hbm>>
      %dma_wait3A_315 = tpu.memref_slice %arg4[%add3A_273] : memref<320000xi32, #tpu.memory_space<hbm>> -> memref<40xi32, #tpu.memory_space<hbm>>
      tpu.wait_dma2 semaphore(%arg29 : memref<!tpu.dma_semaphore, #tpu.memory_space<semaphore_mem>>) src(%dma_wait3A_315 : memref<40xi32, #tpu.memory_space<hbm>>) dst(%arg17 : memref<40xi32, #tpu.memory_space<vmem>>)
      %dma_start3A_316 = arith.constant 0 : i32
      %dma_start3A_317 = arith.constant 0 : i32
      %dma_start3A_318 = tpu.memref_slice %arg2[%dma_start3A_316, %dma_start3A_317] : memref<10000x128xf32, #tpu.memory_space<hbm>> -> memref<10000x128xf32, #tpu.memory_space<hbm>>
      tpu.enqueue_indirect_dma source(%dma_start3A_318 : memref<10000x128xf32, #tpu.memory_space<hbm>>) target(%arg23 : memref<40x128xf32, #tpu.memory_space<vmem>>) offsets(%arg11 : memref<40xi32, #tpu.memory_space<vmem>>) semaphore(%arg35 : memref<!tpu.dma_semaphore, #tpu.memory_space<semaphore_mem>>)
      %dma_wait3A_319 = tpu.memref_slice %arg3[%add3A_279] : memref<320000xi32, #tpu.memory_space<hbm>> -> memref<40xi32, #tpu.memory_space<hbm>>
      %dma_wait3A_320 = tpu.memref_slice %arg3[%add3A_279] : memref<320000xi32, #tpu.memory_space<hbm>> -> memref<40xi32, #tpu.memory_space<hbm>>
      tpu.wait_dma2 semaphore(%arg30 : memref<!tpu.dma_semaphore, #tpu.memory_space<semaphore_mem>>) src(%dma_wait3A_320 : memref<40xi32, #tpu.memory_space<hbm>>) dst(%arg12 : memref<40xi32, #tpu.memory_space<vmem>>)
      %dma_wait3A_321 = tpu.memref_slice %arg4[%add3A_279] : memref<320000xi32, #tpu.memory_space<hbm>> -> memref<40xi32, #tpu.memory_space<hbm>>
      %dma_wait3A_322 = tpu.memref_slice %arg4[%add3A_279] : memref<320000xi32, #tpu.memory_space<hbm>> -> memref<40xi32, #tpu.memory_space<hbm>>
      tpu.wait_dma2 semaphore(%arg30 : memref<!tpu.dma_semaphore, #tpu.memory_space<semaphore_mem>>) src(%dma_wait3A_322 : memref<40xi32, #tpu.memory_space<hbm>>) dst(%arg18 : memref<40xi32, #tpu.memory_space<vmem>>)
      %dma_start3A_323 = arith.constant 0 : i32
      %dma_start3A_324 = arith.constant 0 : i32
      %dma_start3A_325 = tpu.memref_slice %arg2[%dma_start3A_323, %dma_start3A_324] : memref<10000x128xf32, #tpu.memory_space<hbm>> -> memref<10000x128xf32, #tpu.memory_space<hbm>>
      tpu.enqueue_indirect_dma source(%dma_start3A_325 : memref<10000x128xf32, #tpu.memory_space<hbm>>) target(%arg24 : memref<40x128xf32, #tpu.memory_space<vmem>>) offsets(%arg12 : memref<40xi32, #tpu.memory_space<vmem>>) semaphore(%arg36 : memref<!tpu.dma_semaphore, #tpu.memory_space<semaphore_mem>>)
      %dma_wait3A_326 = arith.constant 0 : i32
      %dma_wait3A_327 = arith.constant 0 : i32
      %dma_wait3A_328 = tpu.memref_slice %arg2[%dma_wait3A_326, %dma_wait3A_327] : memref<10000x128xf32, #tpu.memory_space<hbm>> -> memref<10000x128xf32, #tpu.memory_space<hbm>>
      tpu.wait_indirect_dma semaphore(%arg31 : memref<!tpu.dma_semaphore, #tpu.memory_space<semaphore_mem>>) src(%dma_wait3A_328 : memref<10000x128xf32, #tpu.memory_space<hbm>>) dst(%arg19 : memref<40x128xf32, #tpu.memory_space<vmem>>)
      %dma_start3A_329 = arith.constant 0 : i32
      %dma_start3A_330 = arith.constant 0 : i32
      %dma_start3A_331 = tpu.memref_slice %arg43[%dma_start3A_329, %dma_start3A_330] : memref<10240x128xf32, #tpu.memory_space<vmem_shared>> -> memref<10240x128xf32, #tpu.memory_space<vmem_shared>>
      tpu.enqueue_indirect_dma source(%arg19 : memref<40x128xf32, #tpu.memory_space<vmem>>) target(%dma_start3A_331 : memref<10240x128xf32, #tpu.memory_space<vmem_shared>>) offsets(%arg13 : memref<40xi32, #tpu.memory_space<vmem>>) semaphore(%arg37 : memref<!tpu.dma_semaphore, #tpu.memory_space<semaphore_mem>>) {add = true}
      %dma_wait3A_332 = arith.constant 0 : i32
      %dma_wait3A_333 = arith.constant 0 : i32
      %dma_wait3A_334 = tpu.memref_slice %arg2[%dma_wait3A_332, %dma_wait3A_333] : memref<10000x128xf32, #tpu.memory_space<hbm>> -> memref<10000x128xf32, #tpu.memory_space<hbm>>
      tpu.wait_indirect_dma semaphore(%arg32 : memref<!tpu.dma_semaphore, #tpu.memory_space<semaphore_mem>>) src(%dma_wait3A_334 : memref<10000x128xf32, #tpu.memory_space<hbm>>) dst(%arg20 : memref<40x128xf32, #tpu.memory_space<vmem>>)
      %dma_start3A_335 = arith.constant 0 : i32
      %dma_start3A_336 = arith.constant 0 : i32
      %dma_start3A_337 = tpu.memref_slice %arg43[%dma_start3A_335, %dma_start3A_336] : memref<10240x128xf32, #tpu.memory_space<vmem_shared>> -> memref<10240x128xf32, #tpu.memory_space<vmem_shared>>
      tpu.enqueue_indirect_dma source(%arg20 : memref<40x128xf32, #tpu.memory_space<vmem>>) target(%dma_start3A_337 : memref<10240x128xf32, #tpu.memory_space<vmem_shared>>) offsets(%arg14 : memref<40xi32, #tpu.memory_space<vmem>>) semaphore(%arg38 : memref<!tpu.dma_semaphore, #tpu.memory_space<semaphore_mem>>) {add = true}
      %dma_wait3A_338 = arith.constant 0 : i32
      %dma_wait3A_339 = arith.constant 0 : i32
      %dma_wait3A_340 = tpu.memref_slice %arg2[%dma_wait3A_338, %dma_wait3A_339] : memref<10000x128xf32, #tpu.memory_space<hbm>> -> memref<10000x128xf32, #tpu.memory_space<hbm>>
      tpu.wait_indirect_dma semaphore(%arg33 : memref<!tpu.dma_semaphore, #tpu.memory_space<semaphore_mem>>) src(%dma_wait3A_340 : memref<10000x128xf32, #tpu.memory_space<hbm>>) dst(%arg21 : memref<40x128xf32, #tpu.memory_space<vmem>>)
      %dma_start3A_341 = arith.constant 0 : i32
      %dma_start3A_342 = arith.constant 0 : i32
      %dma_start3A_343 = tpu.memref_slice %arg43[%dma_start3A_341, %dma_start3A_342] : memref<10240x128xf32, #tpu.memory_space<vmem_shared>> -> memref<10240x128xf32, #tpu.memory_space<vmem_shared>>
      tpu.enqueue_indirect_dma source(%arg21 : memref<40x128xf32, #tpu.memory_space<vmem>>) target(%dma_start3A_343 : memref<10240x128xf32, #tpu.memory_space<vmem_shared>>) offsets(%arg15 : memref<40xi32, #tpu.memory_space<vmem>>) semaphore(%arg39 : memref<!tpu.dma_semaphore, #tpu.memory_space<semaphore_mem>>) {add = true}
      %dma_wait3A_344 = arith.constant 0 : i32
      %dma_wait3A_345 = arith.constant 0 : i32
      %dma_wait3A_346 = tpu.memref_slice %arg2[%dma_wait3A_344, %dma_wait3A_345] : memref<10000x128xf32, #tpu.memory_space<hbm>> -> memref<10000x128xf32, #tpu.memory_space<hbm>>
      tpu.wait_indirect_dma semaphore(%arg34 : memref<!tpu.dma_semaphore, #tpu.memory_space<semaphore_mem>>) src(%dma_wait3A_346 : memref<10000x128xf32, #tpu.memory_space<hbm>>) dst(%arg22 : memref<40x128xf32, #tpu.memory_space<vmem>>)
      %dma_start3A_347 = arith.constant 0 : i32
      %dma_start3A_348 = arith.constant 0 : i32
      %dma_start3A_349 = tpu.memref_slice %arg43[%dma_start3A_347, %dma_start3A_348] : memref<10240x128xf32, #tpu.memory_space<vmem_shared>> -> memref<10240x128xf32, #tpu.memory_space<vmem_shared>>
      tpu.enqueue_indirect_dma source(%arg22 : memref<40x128xf32, #tpu.memory_space<vmem>>) target(%dma_start3A_349 : memref<10240x128xf32, #tpu.memory_space<vmem_shared>>) offsets(%arg16 : memref<40xi32, #tpu.memory_space<vmem>>) semaphore(%arg40 : memref<!tpu.dma_semaphore, #tpu.memory_space<semaphore_mem>>) {add = true}
      %dma_wait3A_350 = arith.constant 0 : i32
      %dma_wait3A_351 = arith.constant 0 : i32
      %dma_wait3A_352 = tpu.memref_slice %arg2[%dma_wait3A_350, %dma_wait3A_351] : memref<10000x128xf32, #tpu.memory_space<hbm>> -> memref<10000x128xf32, #tpu.memory_space<hbm>>
      tpu.wait_indirect_dma semaphore(%arg35 : memref<!tpu.dma_semaphore, #tpu.memory_space<semaphore_mem>>) src(%dma_wait3A_352 : memref<10000x128xf32, #tpu.memory_space<hbm>>) dst(%arg23 : memref<40x128xf32, #tpu.memory_space<vmem>>)
      %dma_start3A_353 = arith.constant 0 : i32
      %dma_start3A_354 = arith.constant 0 : i32
      %dma_start3A_355 = tpu.memref_slice %arg43[%dma_start3A_353, %dma_start3A_354] : memref<10240x128xf32, #tpu.memory_space<vmem_shared>> -> memref<10240x128xf32, #tpu.memory_space<vmem_shared>>
      tpu.enqueue_indirect_dma source(%arg23 : memref<40x128xf32, #tpu.memory_space<vmem>>) target(%dma_start3A_355 : memref<10240x128xf32, #tpu.memory_space<vmem_shared>>) offsets(%arg17 : memref<40xi32, #tpu.memory_space<vmem>>) semaphore(%arg41 : memref<!tpu.dma_semaphore, #tpu.memory_space<semaphore_mem>>) {add = true}
      %dma_wait3A_356 = arith.constant 0 : i32
      %dma_wait3A_357 = arith.constant 0 : i32
      %dma_wait3A_358 = tpu.memref_slice %arg2[%dma_wait3A_356, %dma_wait3A_357] : memref<10000x128xf32, #tpu.memory_space<hbm>> -> memref<10000x128xf32, #tpu.memory_space<hbm>>
      tpu.wait_indirect_dma semaphore(%arg36 : memref<!tpu.dma_semaphore, #tpu.memory_space<semaphore_mem>>) src(%dma_wait3A_358 : memref<10000x128xf32, #tpu.memory_space<hbm>>) dst(%arg24 : memref<40x128xf32, #tpu.memory_space<vmem>>)
      %dma_start3A_359 = arith.constant 0 : i32
      %dma_start3A_360 = arith.constant 0 : i32
      %dma_start3A_361 = tpu.memref_slice %arg43[%dma_start3A_359, %dma_start3A_360] : memref<10240x128xf32, #tpu.memory_space<vmem_shared>> -> memref<10240x128xf32, #tpu.memory_space<vmem_shared>>
      tpu.enqueue_indirect_dma source(%arg24 : memref<40x128xf32, #tpu.memory_space<vmem>>) target(%dma_start3A_361 : memref<10240x128xf32, #tpu.memory_space<vmem_shared>>) offsets(%arg18 : memref<40xi32, #tpu.memory_space<vmem>>) semaphore(%arg42 : memref<!tpu.dma_semaphore, #tpu.memory_space<semaphore_mem>>) {add = true}
      %dma_wait3A_362 = arith.constant 0 : i32
      %dma_wait3A_363 = arith.constant 0 : i32
      %dma_wait3A_364 = tpu.memref_slice %arg43[%dma_wait3A_362, %dma_wait3A_363] : memref<10240x128xf32, #tpu.memory_space<vmem_shared>> -> memref<10240x128xf32, #tpu.memory_space<vmem_shared>>
      tpu.wait_indirect_dma semaphore(%arg37 : memref<!tpu.dma_semaphore, #tpu.memory_space<semaphore_mem>>) src(%arg19 : memref<40x128xf32, #tpu.memory_space<vmem>>) dst(%dma_wait3A_364 : memref<10240x128xf32, #tpu.memory_space<vmem_shared>>)
      %dma_wait3A_365 = arith.constant 0 : i32
      %dma_wait3A_366 = arith.constant 0 : i32
      %dma_wait3A_367 = tpu.memref_slice %arg43[%dma_wait3A_365, %dma_wait3A_366] : memref<10240x128xf32, #tpu.memory_space<vmem_shared>> -> memref<10240x128xf32, #tpu.memory_space<vmem_shared>>
      tpu.wait_indirect_dma semaphore(%arg38 : memref<!tpu.dma_semaphore, #tpu.memory_space<semaphore_mem>>) src(%arg20 : memref<40x128xf32, #tpu.memory_space<vmem>>) dst(%dma_wait3A_367 : memref<10240x128xf32, #tpu.memory_space<vmem_shared>>)
      %dma_wait3A_368 = arith.constant 0 : i32
      %dma_wait3A_369 = arith.constant 0 : i32
      %dma_wait3A_370 = tpu.memref_slice %arg43[%dma_wait3A_368, %dma_wait3A_369] : memref<10240x128xf32, #tpu.memory_space<vmem_shared>> -> memref<10240x128xf32, #tpu.memory_space<vmem_shared>>
      tpu.wait_indirect_dma semaphore(%arg39 : memref<!tpu.dma_semaphore, #tpu.memory_space<semaphore_mem>>) src(%arg21 : memref<40x128xf32, #tpu.memory_space<vmem>>) dst(%dma_wait3A_370 : memref<10240x128xf32, #tpu.memory_space<vmem_shared>>)
      %dma_wait3A_371 = arith.constant 0 : i32
      %dma_wait3A_372 = arith.constant 0 : i32
      %dma_wait3A_373 = tpu.memref_slice %arg43[%dma_wait3A_371, %dma_wait3A_372] : memref<10240x128xf32, #tpu.memory_space<vmem_shared>> -> memref<10240x128xf32, #tpu.memory_space<vmem_shared>>
      tpu.wait_indirect_dma semaphore(%arg40 : memref<!tpu.dma_semaphore, #tpu.memory_space<semaphore_mem>>) src(%arg22 : memref<40x128xf32, #tpu.memory_space<vmem>>) dst(%dma_wait3A_373 : memref<10240x128xf32, #tpu.memory_space<vmem_shared>>)
      %dma_wait3A_374 = arith.constant 0 : i32
      %dma_wait3A_375 = arith.constant 0 : i32
      %dma_wait3A_376 = tpu.memref_slice %arg43[%dma_wait3A_374, %dma_wait3A_375] : memref<10240x128xf32, #tpu.memory_space<vmem_shared>> -> memref<10240x128xf32, #tpu.memory_space<vmem_shared>>
      tpu.wait_indirect_dma semaphore(%arg41 : memref<!tpu.dma_semaphore, #tpu.memory_space<semaphore_mem>>) src(%arg23 : memref<40x128xf32, #tpu.memory_space<vmem>>) dst(%dma_wait3A_376 : memref<10240x128xf32, #tpu.memory_space<vmem_shared>>)
      %dma_wait3A_377 = arith.constant 0 : i32
      %dma_wait3A_378 = arith.constant 0 : i32
      %dma_wait3A_379 = tpu.memref_slice %arg43[%dma_wait3A_377, %dma_wait3A_378] : memref<10240x128xf32, #tpu.memory_space<vmem_shared>> -> memref<10240x128xf32, #tpu.memory_space<vmem_shared>>
      tpu.wait_indirect_dma semaphore(%arg42 : memref<!tpu.dma_semaphore, #tpu.memory_space<semaphore_mem>>) src(%arg24 : memref<40x128xf32, #tpu.memory_space<vmem>>) dst(%dma_wait3A_379 : memref<10240x128xf32, #tpu.memory_space<vmem_shared>>)
    }
    %scan3A_51 = arith.constant 41 : i32
    %add3A_52 = arith.constant 9840 : i32
    %add3A_53 = arith.addi %mul3A_2, %add3A_52 : i32
    %add3A_54 = arith.constant 0 : i32
    %add3A_55 = arith.addi %add3A_53, %add3A_54 : i32
    %dma_start3A = tpu.memref_slice %arg3[%add3A_55] : memref<320000xi32, #tpu.memory_space<hbm>> -> memref<40xi32, #tpu.memory_space<hbm>>
    %dma_start3A_56 = tpu.memref_slice %arg3[%add3A_55] : memref<320000xi32, #tpu.memory_space<hbm>> -> memref<40xi32, #tpu.memory_space<hbm>>
    tpu.enqueue_dma source(%dma_start3A_56 : memref<40xi32, #tpu.memory_space<hbm>>) target(%arg7 : memref<40xi32, #tpu.memory_space<vmem>>) target_semaphore(%arg25 : memref<!tpu.dma_semaphore, #tpu.memory_space<semaphore_mem>>)
    %dma_start3A_57 = tpu.memref_slice %arg4[%add3A_55] : memref<320000xi32, #tpu.memory_space<hbm>> -> memref<40xi32, #tpu.memory_space<hbm>>
    %dma_start3A_58 = tpu.memref_slice %arg4[%add3A_55] : memref<320000xi32, #tpu.memory_space<hbm>> -> memref<40xi32, #tpu.memory_space<hbm>>
    tpu.enqueue_dma source(%dma_start3A_58 : memref<40xi32, #tpu.memory_space<hbm>>) target(%arg13 : memref<40xi32, #tpu.memory_space<vmem>>) target_semaphore(%arg25 : memref<!tpu.dma_semaphore, #tpu.memory_space<semaphore_mem>>)
    %add3A_59 = arith.constant 40 : i32
    %add3A_60 = arith.addi %add3A_53, %add3A_59 : i32
    %dma_start3A_61 = tpu.memref_slice %arg3[%add3A_60] : memref<320000xi32, #tpu.memory_space<hbm>> -> memref<40xi32, #tpu.memory_space<hbm>>
    %dma_start3A_62 = tpu.memref_slice %arg3[%add3A_60] : memref<320000xi32, #tpu.memory_space<hbm>> -> memref<40xi32, #tpu.memory_space<hbm>>
    tpu.enqueue_dma source(%dma_start3A_62 : memref<40xi32, #tpu.memory_space<hbm>>) target(%arg8 : memref<40xi32, #tpu.memory_space<vmem>>) target_semaphore(%arg26 : memref<!tpu.dma_semaphore, #tpu.memory_space<semaphore_mem>>)
    %dma_start3A_63 = tpu.memref_slice %arg4[%add3A_60] : memref<320000xi32, #tpu.memory_space<hbm>> -> memref<40xi32, #tpu.memory_space<hbm>>
    %dma_start3A_64 = tpu.memref_slice %arg4[%add3A_60] : memref<320000xi32, #tpu.memory_space<hbm>> -> memref<40xi32, #tpu.memory_space<hbm>>
    tpu.enqueue_dma source(%dma_start3A_64 : memref<40xi32, #tpu.memory_space<hbm>>) target(%arg14 : memref<40xi32, #tpu.memory_space<vmem>>) target_semaphore(%arg26 : memref<!tpu.dma_semaphore, #tpu.memory_space<semaphore_mem>>)
    %add3A_65 = arith.constant 80 : i32
    %add3A_66 = arith.addi %add3A_53, %add3A_65 : i32
    %dma_start3A_67 = tpu.memref_slice %arg3[%add3A_66] : memref<320000xi32, #tpu.memory_space<hbm>> -> memref<40xi32, #tpu.memory_space<hbm>>
    %dma_start3A_68 = tpu.memref_slice %arg3[%add3A_66] : memref<320000xi32, #tpu.memory_space<hbm>> -> memref<40xi32, #tpu.memory_space<hbm>>
    tpu.enqueue_dma source(%dma_start3A_68 : memref<40xi32, #tpu.memory_space<hbm>>) target(%arg9 : memref<40xi32, #tpu.memory_space<vmem>>) target_semaphore(%arg27 : memref<!tpu.dma_semaphore, #tpu.memory_space<semaphore_mem>>)
    %dma_start3A_69 = tpu.memref_slice %arg4[%add3A_66] : memref<320000xi32, #tpu.memory_space<hbm>> -> memref<40xi32, #tpu.memory_space<hbm>>
    %dma_start3A_70 = tpu.memref_slice %arg4[%add3A_66] : memref<320000xi32, #tpu.memory_space<hbm>> -> memref<40xi32, #tpu.memory_space<hbm>>
    tpu.enqueue_dma source(%dma_start3A_70 : memref<40xi32, #tpu.memory_space<hbm>>) target(%arg15 : memref<40xi32, #tpu.memory_space<vmem>>) target_semaphore(%arg27 : memref<!tpu.dma_semaphore, #tpu.memory_space<semaphore_mem>>)
    %add3A_71 = arith.constant 120 : i32
    %add3A_72 = arith.addi %add3A_53, %add3A_71 : i32
    %dma_start3A_73 = tpu.memref_slice %arg3[%add3A_72] : memref<320000xi32, #tpu.memory_space<hbm>> -> memref<40xi32, #tpu.memory_space<hbm>>
    %dma_start3A_74 = tpu.memref_slice %arg3[%add3A_72] : memref<320000xi32, #tpu.memory_space<hbm>> -> memref<40xi32, #tpu.memory_space<hbm>>
    tpu.enqueue_dma source(%dma_start3A_74 : memref<40xi32, #tpu.memory_space<hbm>>) target(%arg10 : memref<40xi32, #tpu.memory_space<vmem>>) target_semaphore(%arg28 : memref<!tpu.dma_semaphore, #tpu.memory_space<semaphore_mem>>)
    %dma_start3A_75 = tpu.memref_slice %arg4[%add3A_72] : memref<320000xi32, #tpu.memory_space<hbm>> -> memref<40xi32, #tpu.memory_space<hbm>>
    %dma_start3A_76 = tpu.memref_slice %arg4[%add3A_72] : memref<320000xi32, #tpu.memory_space<hbm>> -> memref<40xi32, #tpu.memory_space<hbm>>
    tpu.enqueue_dma source(%dma_start3A_76 : memref<40xi32, #tpu.memory_space<hbm>>) target(%arg16 : memref<40xi32, #tpu.memory_space<vmem>>) target_semaphore(%arg28 : memref<!tpu.dma_semaphore, #tpu.memory_space<semaphore_mem>>)
    %dma_wait3A = tpu.memref_slice %arg3[%add3A_55] : memref<320000xi32, #tpu.memory_space<hbm>> -> memref<40xi32, #tpu.memory_space<hbm>>
    %dma_wait3A_77 = tpu.memref_slice %arg3[%add3A_55] : memref<320000xi32, #tpu.memory_space<hbm>> -> memref<40xi32, #tpu.memory_space<hbm>>
    tpu.wait_dma2 semaphore(%arg25 : memref<!tpu.dma_semaphore, #tpu.memory_space<semaphore_mem>>) src(%dma_wait3A_77 : memref<40xi32, #tpu.memory_space<hbm>>) dst(%arg7 : memref<40xi32, #tpu.memory_space<vmem>>)
    %dma_wait3A_78 = tpu.memref_slice %arg4[%add3A_55] : memref<320000xi32, #tpu.memory_space<hbm>> -> memref<40xi32, #tpu.memory_space<hbm>>
    %dma_wait3A_79 = tpu.memref_slice %arg4[%add3A_55] : memref<320000xi32, #tpu.memory_space<hbm>> -> memref<40xi32, #tpu.memory_space<hbm>>
    tpu.wait_dma2 semaphore(%arg25 : memref<!tpu.dma_semaphore, #tpu.memory_space<semaphore_mem>>) src(%dma_wait3A_79 : memref<40xi32, #tpu.memory_space<hbm>>) dst(%arg13 : memref<40xi32, #tpu.memory_space<vmem>>)
    %dma_start3A_80 = arith.constant 0 : i32
    %dma_start3A_81 = arith.constant 0 : i32
    %dma_start3A_82 = tpu.memref_slice %arg2[%dma_start3A_80, %dma_start3A_81] : memref<10000x128xf32, #tpu.memory_space<hbm>> -> memref<10000x128xf32, #tpu.memory_space<hbm>>
    tpu.enqueue_indirect_dma source(%dma_start3A_82 : memref<10000x128xf32, #tpu.memory_space<hbm>>) target(%arg19 : memref<40x128xf32, #tpu.memory_space<vmem>>) offsets(%arg7 : memref<40xi32, #tpu.memory_space<vmem>>) semaphore(%arg31 : memref<!tpu.dma_semaphore, #tpu.memory_space<semaphore_mem>>)
    %dma_wait3A_83 = tpu.memref_slice %arg3[%add3A_60] : memref<320000xi32, #tpu.memory_space<hbm>> -> memref<40xi32, #tpu.memory_space<hbm>>
    %dma_wait3A_84 = tpu.memref_slice %arg3[%add3A_60] : memref<320000xi32, #tpu.memory_space<hbm>> -> memref<40xi32, #tpu.memory_space<hbm>>
    tpu.wait_dma2 semaphore(%arg26 : memref<!tpu.dma_semaphore, #tpu.memory_space<semaphore_mem>>) src(%dma_wait3A_84 : memref<40xi32, #tpu.memory_space<hbm>>) dst(%arg8 : memref<40xi32, #tpu.memory_space<vmem>>)
    %dma_wait3A_85 = tpu.memref_slice %arg4[%add3A_60] : memref<320000xi32, #tpu.memory_space<hbm>> -> memref<40xi32, #tpu.memory_space<hbm>>
    %dma_wait3A_86 = tpu.memref_slice %arg4[%add3A_60] : memref<320000xi32, #tpu.memory_space<hbm>> -> memref<40xi32, #tpu.memory_space<hbm>>
    tpu.wait_dma2 semaphore(%arg26 : memref<!tpu.dma_semaphore, #tpu.memory_space<semaphore_mem>>) src(%dma_wait3A_86 : memref<40xi32, #tpu.memory_space<hbm>>) dst(%arg14 : memref<40xi32, #tpu.memory_space<vmem>>)
    %dma_start3A_87 = arith.constant 0 : i32
    %dma_start3A_88 = arith.constant 0 : i32
    %dma_start3A_89 = tpu.memref_slice %arg2[%dma_start3A_87, %dma_start3A_88] : memref<10000x128xf32, #tpu.memory_space<hbm>> -> memref<10000x128xf32, #tpu.memory_space<hbm>>
    tpu.enqueue_indirect_dma source(%dma_start3A_89 : memref<10000x128xf32, #tpu.memory_space<hbm>>) target(%arg20 : memref<40x128xf32, #tpu.memory_space<vmem>>) offsets(%arg8 : memref<40xi32, #tpu.memory_space<vmem>>) semaphore(%arg32 : memref<!tpu.dma_semaphore, #tpu.memory_space<semaphore_mem>>)
    %dma_wait3A_90 = tpu.memref_slice %arg3[%add3A_66] : memref<320000xi32, #tpu.memory_space<hbm>> -> memref<40xi32, #tpu.memory_space<hbm>>
    %dma_wait3A_91 = tpu.memref_slice %arg3[%add3A_66] : memref<320000xi32, #tpu.memory_space<hbm>> -> memref<40xi32, #tpu.memory_space<hbm>>
    tpu.wait_dma2 semaphore(%arg27 : memref<!tpu.dma_semaphore, #tpu.memory_space<semaphore_mem>>) src(%dma_wait3A_91 : memref<40xi32, #tpu.memory_space<hbm>>) dst(%arg9 : memref<40xi32, #tpu.memory_space<vmem>>)
    %dma_wait3A_92 = tpu.memref_slice %arg4[%add3A_66] : memref<320000xi32, #tpu.memory_space<hbm>> -> memref<40xi32, #tpu.memory_space<hbm>>
    %dma_wait3A_93 = tpu.memref_slice %arg4[%add3A_66] : memref<320000xi32, #tpu.memory_space<hbm>> -> memref<40xi32, #tpu.memory_space<hbm>>
    tpu.wait_dma2 semaphore(%arg27 : memref<!tpu.dma_semaphore, #tpu.memory_space<semaphore_mem>>) src(%dma_wait3A_93 : memref<40xi32, #tpu.memory_space<hbm>>) dst(%arg15 : memref<40xi32, #tpu.memory_space<vmem>>)
    %dma_start3A_94 = arith.constant 0 : i32
    %dma_start3A_95 = arith.constant 0 : i32
    %dma_start3A_96 = tpu.memref_slice %arg2[%dma_start3A_94, %dma_start3A_95] : memref<10000x128xf32, #tpu.memory_space<hbm>> -> memref<10000x128xf32, #tpu.memory_space<hbm>>
    tpu.enqueue_indirect_dma source(%dma_start3A_96 : memref<10000x128xf32, #tpu.memory_space<hbm>>) target(%arg21 : memref<40x128xf32, #tpu.memory_space<vmem>>) offsets(%arg9 : memref<40xi32, #tpu.memory_space<vmem>>) semaphore(%arg33 : memref<!tpu.dma_semaphore, #tpu.memory_space<semaphore_mem>>)
    %dma_wait3A_97 = tpu.memref_slice %arg3[%add3A_72] : memref<320000xi32, #tpu.memory_space<hbm>> -> memref<40xi32, #tpu.memory_space<hbm>>
    %dma_wait3A_98 = tpu.memref_slice %arg3[%add3A_72] : memref<320000xi32, #tpu.memory_space<hbm>> -> memref<40xi32, #tpu.memory_space<hbm>>
    tpu.wait_dma2 semaphore(%arg28 : memref<!tpu.dma_semaphore, #tpu.memory_space<semaphore_mem>>) src(%dma_wait3A_98 : memref<40xi32, #tpu.memory_space<hbm>>) dst(%arg10 : memref<40xi32, #tpu.memory_space<vmem>>)
    %dma_wait3A_99 = tpu.memref_slice %arg4[%add3A_72] : memref<320000xi32, #tpu.memory_space<hbm>> -> memref<40xi32, #tpu.memory_space<hbm>>
    %dma_wait3A_100 = tpu.memref_slice %arg4[%add3A_72] : memref<320000xi32, #tpu.memory_space<hbm>> -> memref<40xi32, #tpu.memory_space<hbm>>
    tpu.wait_dma2 semaphore(%arg28 : memref<!tpu.dma_semaphore, #tpu.memory_space<semaphore_mem>>) src(%dma_wait3A_100 : memref<40xi32, #tpu.memory_space<hbm>>) dst(%arg16 : memref<40xi32, #tpu.memory_space<vmem>>)
    %dma_start3A_101 = arith.constant 0 : i32
    %dma_start3A_102 = arith.constant 0 : i32
    %dma_start3A_103 = tpu.memref_slice %arg2[%dma_start3A_101, %dma_start3A_102] : memref<10000x128xf32, #tpu.memory_space<hbm>> -> memref<10000x128xf32, #tpu.memory_space<hbm>>
    tpu.enqueue_indirect_dma source(%dma_start3A_103 : memref<10000x128xf32, #tpu.memory_space<hbm>>) target(%arg22 : memref<40x128xf32, #tpu.memory_space<vmem>>) offsets(%arg10 : memref<40xi32, #tpu.memory_space<vmem>>) semaphore(%arg34 : memref<!tpu.dma_semaphore, #tpu.memory_space<semaphore_mem>>)
    %dma_wait3A_104 = arith.constant 0 : i32
    %dma_wait3A_105 = arith.constant 0 : i32
    %dma_wait3A_106 = tpu.memref_slice %arg2[%dma_wait3A_104, %dma_wait3A_105] : memref<10000x128xf32, #tpu.memory_space<hbm>> -> memref<10000x128xf32, #tpu.memory_space<hbm>>
    tpu.wait_indirect_dma semaphore(%arg31 : memref<!tpu.dma_semaphore, #tpu.memory_space<semaphore_mem>>) src(%dma_wait3A_106 : memref<10000x128xf32, #tpu.memory_space<hbm>>) dst(%arg19 : memref<40x128xf32, #tpu.memory_space<vmem>>)
    %dma_start3A_107 = arith.constant 0 : i32
    %dma_start3A_108 = arith.constant 0 : i32
    %dma_start3A_109 = tpu.memref_slice %arg43[%dma_start3A_107, %dma_start3A_108] : memref<10240x128xf32, #tpu.memory_space<vmem_shared>> -> memref<10240x128xf32, #tpu.memory_space<vmem_shared>>
    tpu.enqueue_indirect_dma source(%arg19 : memref<40x128xf32, #tpu.memory_space<vmem>>) target(%dma_start3A_109 : memref<10240x128xf32, #tpu.memory_space<vmem_shared>>) offsets(%arg13 : memref<40xi32, #tpu.memory_space<vmem>>) semaphore(%arg37 : memref<!tpu.dma_semaphore, #tpu.memory_space<semaphore_mem>>) {add = true}
    %dma_wait3A_110 = arith.constant 0 : i32
    %dma_wait3A_111 = arith.constant 0 : i32
    %dma_wait3A_112 = tpu.memref_slice %arg2[%dma_wait3A_110, %dma_wait3A_111] : memref<10000x128xf32, #tpu.memory_space<hbm>> -> memref<10000x128xf32, #tpu.memory_space<hbm>>
    tpu.wait_indirect_dma semaphore(%arg32 : memref<!tpu.dma_semaphore, #tpu.memory_space<semaphore_mem>>) src(%dma_wait3A_112 : memref<10000x128xf32, #tpu.memory_space<hbm>>) dst(%arg20 : memref<40x128xf32, #tpu.memory_space<vmem>>)
    %dma_start3A_113 = arith.constant 0 : i32
    %dma_start3A_114 = arith.constant 0 : i32
    %dma_start3A_115 = tpu.memref_slice %arg43[%dma_start3A_113, %dma_start3A_114] : memref<10240x128xf32, #tpu.memory_space<vmem_shared>> -> memref<10240x128xf32, #tpu.memory_space<vmem_shared>>
    tpu.enqueue_indirect_dma source(%arg20 : memref<40x128xf32, #tpu.memory_space<vmem>>) target(%dma_start3A_115 : memref<10240x128xf32, #tpu.memory_space<vmem_shared>>) offsets(%arg14 : memref<40xi32, #tpu.memory_space<vmem>>) semaphore(%arg38 : memref<!tpu.dma_semaphore, #tpu.memory_space<semaphore_mem>>) {add = true}
    %dma_wait3A_116 = arith.constant 0 : i32
    %dma_wait3A_117 = arith.constant 0 : i32
    %dma_wait3A_118 = tpu.memref_slice %arg2[%dma_wait3A_116, %dma_wait3A_117] : memref<10000x128xf32, #tpu.memory_space<hbm>> -> memref<10000x128xf32, #tpu.memory_space<hbm>>
    tpu.wait_indirect_dma semaphore(%arg33 : memref<!tpu.dma_semaphore, #tpu.memory_space<semaphore_mem>>) src(%dma_wait3A_118 : memref<10000x128xf32, #tpu.memory_space<hbm>>) dst(%arg21 : memref<40x128xf32, #tpu.memory_space<vmem>>)
    %dma_start3A_119 = arith.constant 0 : i32
    %dma_start3A_120 = arith.constant 0 : i32
    %dma_start3A_121 = tpu.memref_slice %arg43[%dma_start3A_119, %dma_start3A_120] : memref<10240x128xf32, #tpu.memory_space<vmem_shared>> -> memref<10240x128xf32, #tpu.memory_space<vmem_shared>>
    tpu.enqueue_indirect_dma source(%arg21 : memref<40x128xf32, #tpu.memory_space<vmem>>) target(%dma_start3A_121 : memref<10240x128xf32, #tpu.memory_space<vmem_shared>>) offsets(%arg15 : memref<40xi32, #tpu.memory_space<vmem>>) semaphore(%arg39 : memref<!tpu.dma_semaphore, #tpu.memory_space<semaphore_mem>>) {add = true}
    %dma_wait3A_122 = arith.constant 0 : i32
    %dma_wait3A_123 = arith.constant 0 : i32
    %dma_wait3A_124 = tpu.memref_slice %arg2[%dma_wait3A_122, %dma_wait3A_123] : memref<10000x128xf32, #tpu.memory_space<hbm>> -> memref<10000x128xf32, #tpu.memory_space<hbm>>
    tpu.wait_indirect_dma semaphore(%arg34 : memref<!tpu.dma_semaphore, #tpu.memory_space<semaphore_mem>>) src(%dma_wait3A_124 : memref<10000x128xf32, #tpu.memory_space<hbm>>) dst(%arg22 : memref<40x128xf32, #tpu.memory_space<vmem>>)
    %dma_start3A_125 = arith.constant 0 : i32
    %dma_start3A_126 = arith.constant 0 : i32
    %dma_start3A_127 = tpu.memref_slice %arg43[%dma_start3A_125, %dma_start3A_126] : memref<10240x128xf32, #tpu.memory_space<vmem_shared>> -> memref<10240x128xf32, #tpu.memory_space<vmem_shared>>
    tpu.enqueue_indirect_dma source(%arg22 : memref<40x128xf32, #tpu.memory_space<vmem>>) target(%dma_start3A_127 : memref<10240x128xf32, #tpu.memory_space<vmem_shared>>) offsets(%arg16 : memref<40xi32, #tpu.memory_space<vmem>>) semaphore(%arg40 : memref<!tpu.dma_semaphore, #tpu.memory_space<semaphore_mem>>) {add = true}
    %dma_wait3A_128 = arith.constant 0 : i32
    %dma_wait3A_129 = arith.constant 0 : i32
    %dma_wait3A_130 = tpu.memref_slice %arg43[%dma_wait3A_128, %dma_wait3A_129] : memref<10240x128xf32, #tpu.memory_space<vmem_shared>> -> memref<10240x128xf32, #tpu.memory_space<vmem_shared>>
    tpu.wait_indirect_dma semaphore(%arg37 : memref<!tpu.dma_semaphore, #tpu.memory_space<semaphore_mem>>) src(%arg19 : memref<40x128xf32, #tpu.memory_space<vmem>>) dst(%dma_wait3A_130 : memref<10240x128xf32, #tpu.memory_space<vmem_shared>>)
    %dma_wait3A_131 = arith.constant 0 : i32
    %dma_wait3A_132 = arith.constant 0 : i32
    %dma_wait3A_133 = tpu.memref_slice %arg43[%dma_wait3A_131, %dma_wait3A_132] : memref<10240x128xf32, #tpu.memory_space<vmem_shared>> -> memref<10240x128xf32, #tpu.memory_space<vmem_shared>>
    tpu.wait_indirect_dma semaphore(%arg38 : memref<!tpu.dma_semaphore, #tpu.memory_space<semaphore_mem>>) src(%arg20 : memref<40x128xf32, #tpu.memory_space<vmem>>) dst(%dma_wait3A_133 : memref<10240x128xf32, #tpu.memory_space<vmem_shared>>)
    %dma_wait3A_134 = arith.constant 0 : i32
    %dma_wait3A_135 = arith.constant 0 : i32
    %dma_wait3A_136 = tpu.memref_slice %arg43[%dma_wait3A_134, %dma_wait3A_135] : memref<10240x128xf32, #tpu.memory_space<vmem_shared>> -> memref<10240x128xf32, #tpu.memory_space<vmem_shared>>
    tpu.wait_indirect_dma semaphore(%arg39 : memref<!tpu.dma_semaphore, #tpu.memory_space<semaphore_mem>>) src(%arg21 : memref<40x128xf32, #tpu.memory_space<vmem>>) dst(%dma_wait3A_136 : memref<10240x128xf32, #tpu.memory_space<vmem_shared>>)
    %dma_wait3A_137 = arith.constant 0 : i32
    %dma_wait3A_138 = arith.constant 0 : i32
    %dma_wait3A_139 = tpu.memref_slice %arg43[%dma_wait3A_137, %dma_wait3A_138] : memref<10240x128xf32, #tpu.memory_space<vmem_shared>> -> memref<10240x128xf32, #tpu.memory_space<vmem_shared>>
    tpu.wait_indirect_dma semaphore(%arg40 : memref<!tpu.dma_semaphore, #tpu.memory_space<semaphore_mem>>) src(%arg22 : memref<40x128xf32, #tpu.memory_space<vmem>>) dst(%dma_wait3A_139 : memref<10240x128xf32, #tpu.memory_space<vmem_shared>>)
    %barrier3A_140 = arith.constant 0 : index
    tpu.barrier barrier_id(%barrier3A_140)
    "tpu.region"() ({
      %run_scoped3A = tpu.sem_alloc : memref<!tpu.dma_semaphore, #tpu.memory_space<semaphore_mem>>
      %dma_start3A_238 = arith.constant 0 : i32
      %dma_start3A_239 = tpu.memref_slice %arg5[%add3A_7, %dma_start3A_238] : memref<20480x128xf32, #tpu.memory_space<hbm>> -> memref<640x128xf32, #tpu.memory_space<hbm>>
      %dma_start3A_240 = arith.constant 0 : i32
      %dma_start3A_241 = tpu.memref_slice %arg43[%mul3A_4, %dma_start3A_240] : memref<10240x128xf32, #tpu.memory_space<vmem_shared>> -> memref<640x128xf32, #tpu.memory_space<vmem_shared>>
      tpu.enqueue_dma source(%dma_start3A_241 : memref<640x128xf32, #tpu.memory_space<vmem_shared>>) target(%dma_start3A_239 : memref<640x128xf32, #tpu.memory_space<hbm>>) target_semaphore(%run_scoped3A : memref<!tpu.dma_semaphore, #tpu.memory_space<semaphore_mem>>)
      %dma_wait3A_242 = arith.constant 0 : i32
      %dma_wait3A_243 = tpu.memref_slice %arg5[%add3A_7, %dma_wait3A_242] : memref<20480x128xf32, #tpu.memory_space<hbm>> -> memref<640x128xf32, #tpu.memory_space<hbm>>
      %dma_wait3A_244 = arith.constant 0 : i32
      %dma_wait3A_245 = tpu.memref_slice %arg43[%mul3A_4, %dma_wait3A_244] : memref<10240x128xf32, #tpu.memory_space<vmem_shared>> -> memref<640x128xf32, #tpu.memory_space<vmem_shared>>
      tpu.wait_dma2 semaphore(%run_scoped3A : memref<!tpu.dma_semaphore, #tpu.memory_space<semaphore_mem>>) src(%dma_wait3A_245 : memref<640x128xf32, #tpu.memory_space<vmem_shared>>) dst(%dma_wait3A_243 : memref<640x128xf32, #tpu.memory_space<hbm>>)
      tpu.yield
    }) : () -> ()
    %scan3A_141 = arith.constant 0 : i32
    %scan3A_142 = arith.constant 40 : i32
    %scan3A_143 = arith.addi %scan3A_141, %scan3A_142 : i32
    %scan3A_144 = arith.constant 1 : i32
    scf.for %scan3A_238 = %scan3A_141 to %scan3A_143 step %scan3A_144  : i32 {
      %mul3A_239 = arith.constant 1 : i32
      %mul3A_240 = arith.muli %scan3A_238, %mul3A_239 : i32
      %add3A_241 = arith.constant 0 : i32
      %add3A_242 = arith.addi %add3A_241, %mul3A_240 : i32
      %swap3A = arith.index_cast %add3A_242 : i32 to index
      %swap3A_243 = arith.constant 0 : index
      %swap3A_244 = tpu.vector_load %arg20[%swap3A, %swap3A_243] {strides = array<i32>} : memref<40x128xf32, #tpu.memory_space<vmem>>, vector<1x16xf32>,
      %swap3A_245 = vector.shape_cast %swap3A_244 : vector<1x16xf32> to vector<16xf32>
      %swap3A_246 = vector.shape_cast %broadcast_in_dim3A_8 : vector<16xf32> to vector<1x16xf32>
      tpu.vector_store %arg20[%swap3A, %swap3A_243], %swap3A_246 {strides = array<i32>} : memref<40x128xf32, #tpu.memory_space<vmem>>, vector<1x16xf32>,
      %swap3A_247 = arith.index_cast %add3A_242 : i32 to index
      %swap3A_248 = arith.constant 16 : index
      %swap3A_249 = tpu.vector_load %arg20[%swap3A_247, %swap3A_248] {strides = array<i32>} : memref<40x128xf32, #tpu.memory_space<vmem>>, vector<1x16xf32>,
      %swap3A_250 = vector.shape_cast %swap3A_249 : vector<1x16xf32> to vector<16xf32>
      %swap3A_251 = vector.shape_cast %broadcast_in_dim3A_8 : vector<16xf32> to vector<1x16xf32>
      tpu.vector_store %arg20[%swap3A_247, %swap3A_248], %swap3A_251 {strides = array<i32>} : memref<40x128xf32, #tpu.memory_space<vmem>>, vector<1x16xf32>,
      %swap3A_252 = arith.index_cast %add3A_242 : i32 to index
      %swap3A_253 = arith.constant 32 : index
      %swap3A_254 = tpu.vector_load %arg20[%swap3A_252, %swap3A_253] {strides = array<i32>} : memref<40x128xf32, #tpu.memory_space<vmem>>, vector<1x16xf32>,
      %swap3A_255 = vector.shape_cast %swap3A_254 : vector<1x16xf32> to vector<16xf32>
      %swap3A_256 = vector.shape_cast %broadcast_in_dim3A_8 : vector<16xf32> to vector<1x16xf32>
      tpu.vector_store %arg20[%swap3A_252, %swap3A_253], %swap3A_256 {strides = array<i32>} : memref<40x128xf32, #tpu.memory_space<vmem>>, vector<1x16xf32>,
      %swap3A_257 = arith.index_cast %add3A_242 : i32 to index
      %swap3A_258 = arith.constant 48 : index
      %swap3A_259 = tpu.vector_load %arg20[%swap3A_257, %swap3A_258] {strides = array<i32>} : memref<40x128xf32, #tpu.memory_space<vmem>>, vector<1x16xf32>,
      %swap3A_260 = vector.shape_cast %swap3A_259 : vector<1x16xf32> to vector<16xf32>
      %swap3A_261 = vector.shape_cast %broadcast_in_dim3A_8 : vector<16xf32> to vector<1x16xf32>
      tpu.vector_store %arg20[%swap3A_257, %swap3A_258], %swap3A_261 {strides = array<i32>} : memref<40x128xf32, #tpu.memory_space<vmem>>, vector<1x16xf32>,
      %swap3A_262 = arith.index_cast %add3A_242 : i32 to index
      %swap3A_263 = arith.constant 64 : index
      %swap3A_264 = tpu.vector_load %arg20[%swap3A_262, %swap3A_263] {strides = array<i32>} : memref<40x128xf32, #tpu.memory_space<vmem>>, vector<1x16xf32>,
      %swap3A_265 = vector.shape_cast %swap3A_264 : vector<1x16xf32> to vector<16xf32>
      %swap3A_266 = vector.shape_cast %broadcast_in_dim3A_8 : vector<16xf32> to vector<1x16xf32>
      tpu.vector_store %arg20[%swap3A_262, %swap3A_263], %swap3A_266 {strides = array<i32>} : memref<40x128xf32, #tpu.memory_space<vmem>>, vector<1x16xf32>,
      %swap3A_267 = arith.index_cast %add3A_242 : i32 to index
      %swap3A_268 = arith.constant 80 : index
      %swap3A_269 = tpu.vector_load %arg20[%swap3A_267, %swap3A_268] {strides = array<i32>} : memref<40x128xf32, #tpu.memory_space<vmem>>, vector<1x16xf32>,
      %swap3A_270 = vector.shape_cast %swap3A_269 : vector<1x16xf32> to vector<16xf32>
      %swap3A_271 = vector.shape_cast %broadcast_in_dim3A_8 : vector<16xf32> to vector<1x16xf32>
      tpu.vector_store %arg20[%swap3A_267, %swap3A_268], %swap3A_271 {strides = array<i32>} : memref<40x128xf32, #tpu.memory_space<vmem>>, vector<1x16xf32>,
      %swap3A_272 = arith.index_cast %add3A_242 : i32 to index
      %swap3A_273 = arith.constant 96 : index
      %swap3A_274 = tpu.vector_load %arg20[%swap3A_272, %swap3A_273] {strides = array<i32>} : memref<40x128xf32, #tpu.memory_space<vmem>>, vector<1x16xf32>,
      %swap3A_275 = vector.shape_cast %swap3A_274 : vector<1x16xf32> to vector<16xf32>
      %swap3A_276 = vector.shape_cast %broadcast_in_dim3A_8 : vector<16xf32> to vector<1x16xf32>
      tpu.vector_store %arg20[%swap3A_272, %swap3A_273], %swap3A_276 {strides = array<i32>} : memref<40x128xf32, #tpu.memory_space<vmem>>, vector<1x16xf32>,
      %swap3A_277 = arith.index_cast %add3A_242 : i32 to index
      %swap3A_278 = arith.constant 112 : index
      %swap3A_279 = tpu.vector_load %arg20[%swap3A_277, %swap3A_278] {strides = array<i32>} : memref<40x128xf32, #tpu.memory_space<vmem>>, vector<1x16xf32>,
      %swap3A_280 = vector.shape_cast %swap3A_279 : vector<1x16xf32> to vector<16xf32>
      %swap3A_281 = vector.shape_cast %broadcast_in_dim3A_8 : vector<16xf32> to vector<1x16xf32>
      tpu.vector_store %arg20[%swap3A_277, %swap3A_278], %swap3A_281 {strides = array<i32>} : memref<40x128xf32, #tpu.memory_space<vmem>>, vector<1x16xf32>,
    }
    %scan3A_145 = arith.constant 40 : i32
    %add3A_146 = arith.constant 0 : i32
    %add3A_147 = arith.addi %mul3A_4, %add3A_146 : i32
    "tpu.region"() ({
      %run_scoped3A = tpu.sem_alloc : memref<!tpu.dma_semaphore, #tpu.memory_space<semaphore_mem>>
      %dma_start3A_238 = arith.constant 0 : i32
      %dma_start3A_239 = tpu.memref_slice %arg43[%add3A_147, %dma_start3A_238] : memref<10240x128xf32, #tpu.memory_space<vmem_shared>> -> memref<40x128xf32, #tpu.memory_space<vmem_shared>>
      %dma_start3A_240 = arith.constant 0 : i32
      %dma_start3A_241 = tpu.memref_slice %arg43[%add3A_147, %dma_start3A_240] : memref<10240x128xf32, #tpu.memory_space<vmem_shared>> -> memref<40x128xf32, #tpu.memory_space<vmem_shared>>
      tpu.enqueue_dma source(%arg20 : memref<40x128xf32, #tpu.memory_space<vmem>>) target(%dma_start3A_241 : memref<40x128xf32, #tpu.memory_space<vmem_shared>>) target_semaphore(%run_scoped3A : memref<!tpu.dma_semaphore, #tpu.memory_space<semaphore_mem>>)
      %dma_wait3A_242 = arith.constant 0 : i32
      %dma_wait3A_243 = tpu.memref_slice %arg43[%add3A_147, %dma_wait3A_242] : memref<10240x128xf32, #tpu.memory_space<vmem_shared>> -> memref<40x128xf32, #tpu.memory_space<vmem_shared>>
      %dma_wait3A_244 = arith.constant 0 : i32
      %dma_wait3A_245 = tpu.memref_slice %arg43[%add3A_147, %dma_wait3A_244] : memref<10240x128xf32, #tpu.memory_space<vmem_shared>> -> memref<40x128xf32, #tpu.memory_space<vmem_shared>>
      tpu.wait_dma2 semaphore(%run_scoped3A : memref<!tpu.dma_semaphore, #tpu.memory_space<semaphore_mem>>) src(%arg20 : memref<40x128xf32, #tpu.memory_space<vmem>>) dst(%dma_wait3A_245 : memref<40x128xf32, #tpu.memory_space<vmem_shared>>)
      tpu.yield
    }) : () -> ()
    %add3A_148 = arith.constant 40 : i32
    %add3A_149 = arith.addi %mul3A_4, %add3A_148 : i32
    "tpu.region"() ({
      %run_scoped3A = tpu.sem_alloc : memref<!tpu.dma_semaphore, #tpu.memory_space<semaphore_mem>>
      %dma_start3A_238 = arith.constant 0 : i32
      %dma_start3A_239 = tpu.memref_slice %arg43[%add3A_149, %dma_start3A_238] : memref<10240x128xf32, #tpu.memory_space<vmem_shared>> -> memref<40x128xf32, #tpu.memory_space<vmem_shared>>
      %dma_start3A_240 = arith.constant 0 : i32
      %dma_start3A_241 = tpu.memref_slice %arg43[%add3A_149, %dma_start3A_240] : memref<10240x128xf32, #tpu.memory_space<vmem_shared>> -> memref<40x128xf32, #tpu.memory_space<vmem_shared>>
      tpu.enqueue_dma source(%arg20 : memref<40x128xf32, #tpu.memory_space<vmem>>) target(%dma_start3A_241 : memref<40x128xf32, #tpu.memory_space<vmem_shared>>) target_semaphore(%run_scoped3A : memref<!tpu.dma_semaphore, #tpu.memory_space<semaphore_mem>>)
      %dma_wait3A_242 = arith.constant 0 : i32
      %dma_wait3A_243 = tpu.memref_slice %arg43[%add3A_149, %dma_wait3A_242] : memref<10240x128xf32, #tpu.memory_space<vmem_shared>> -> memref<40x128xf32, #tpu.memory_space<vmem_shared>>
      %dma_wait3A_244 = arith.constant 0 : i32
      %dma_wait3A_245 = tpu.memref_slice %arg43[%add3A_149, %dma_wait3A_244] : memref<10240x128xf32, #tpu.memory_space<vmem_shared>> -> memref<40x128xf32, #tpu.memory_space<vmem_shared>>
      tpu.wait_dma2 semaphore(%run_scoped3A : memref<!tpu.dma_semaphore, #tpu.memory_space<semaphore_mem>>) src(%arg20 : memref<40x128xf32, #tpu.memory_space<vmem>>) dst(%dma_wait3A_245 : memref<40x128xf32, #tpu.memory_space<vmem_shared>>)
      tpu.yield
    }) : () -> ()
    %add3A_150 = arith.constant 80 : i32
    %add3A_151 = arith.addi %mul3A_4, %add3A_150 : i32
    "tpu.region"() ({
      %run_scoped3A = tpu.sem_alloc : memref<!tpu.dma_semaphore, #tpu.memory_space<semaphore_mem>>
      %dma_start3A_238 = arith.constant 0 : i32
      %dma_start3A_239 = tpu.memref_slice %arg43[%add3A_151, %dma_start3A_238] : memref<10240x128xf32, #tpu.memory_space<vmem_shared>> -> memref<40x128xf32, #tpu.memory_space<vmem_shared>>
      %dma_start3A_240 = arith.constant 0 : i32
      %dma_start3A_241 = tpu.memref_slice %arg43[%add3A_151, %dma_start3A_240] : memref<10240x128xf32, #tpu.memory_space<vmem_shared>> -> memref<40x128xf32, #tpu.memory_space<vmem_shared>>
      tpu.enqueue_dma source(%arg20 : memref<40x128xf32, #tpu.memory_space<vmem>>) target(%dma_start3A_241 : memref<40x128xf32, #tpu.memory_space<vmem_shared>>) target_semaphore(%run_scoped3A : memref<!tpu.dma_semaphore, #tpu.memory_space<semaphore_mem>>)
      %dma_wait3A_242 = arith.constant 0 : i32
      %dma_wait3A_243 = tpu.memref_slice %arg43[%add3A_151, %dma_wait3A_242] : memref<10240x128xf32, #tpu.memory_space<vmem_shared>> -> memref<40x128xf32, #tpu.memory_space<vmem_shared>>
      %dma_wait3A_244 = arith.constant 0 : i32
      %dma_wait3A_245 = tpu.memref_slice %arg43[%add3A_151, %dma_wait3A_244] : memref<10240x128xf32, #tpu.memory_space<vmem_shared>> -> memref<40x128xf32, #tpu.memory_space<vmem_shared>>
      tpu.wait_dma2 semaphore(%run_scoped3A : memref<!tpu.dma_semaphore, #tpu.memory_space<semaphore_mem>>) src(%arg20 : memref<40x128xf32, #tpu.memory_space<vmem>>) dst(%dma_wait3A_245 : memref<40x128xf32, #tpu.memory_space<vmem_shared>>)
      tpu.yield
    }) : () -> ()
    %add3A_152 = arith.constant 120 : i32
    %add3A_153 = arith.addi %mul3A_4, %add3A_152 : i32
    "tpu.region"() ({
      %run_scoped3A = tpu.sem_alloc : memref<!tpu.dma_semaphore, #tpu.memory_space<semaphore_mem>>
      %dma_start3A_238 = arith.constant 0 : i32
      %dma_start3A_239 = tpu.memref_slice %arg43[%add3A_153, %dma_start3A_238] : memref<10240x128xf32, #tpu.memory_space<vmem_shared>> -> memref<40x128xf32, #tpu.memory_space<vmem_shared>>
      %dma_start3A_240 = arith.constant 0 : i32
      %dma_start3A_241 = tpu.memref_slice %arg43[%add3A_153, %dma_start3A_240] : memref<10240x128xf32, #tpu.memory_space<vmem_shared>> -> memref<40x128xf32, #tpu.memory_space<vmem_shared>>
      tpu.enqueue_dma source(%arg20 : memref<40x128xf32, #tpu.memory_space<vmem>>) target(%dma_start3A_241 : memref<40x128xf32, #tpu.memory_space<vmem_shared>>) target_semaphore(%run_scoped3A : memref<!tpu.dma_semaphore, #tpu.memory_space<semaphore_mem>>)
      %dma_wait3A_242 = arith.constant 0 : i32
      %dma_wait3A_243 = tpu.memref_slice %arg43[%add3A_153, %dma_wait3A_242] : memref<10240x128xf32, #tpu.memory_space<vmem_shared>> -> memref<40x128xf32, #tpu.memory_space<vmem_shared>>
      %dma_wait3A_244 = arith.constant 0 : i32
      %dma_wait3A_245 = tpu.memref_slice %arg43[%add3A_153, %dma_wait3A_244] : memref<10240x128xf32, #tpu.memory_space<vmem_shared>> -> memref<40x128xf32, #tpu.memory_space<vmem_shared>>
      tpu.wait_dma2 semaphore(%run_scoped3A : memref<!tpu.dma_semaphore, #tpu.memory_space<semaphore_mem>>) src(%arg20 : memref<40x128xf32, #tpu.memory_space<vmem>>) dst(%dma_wait3A_245 : memref<40x128xf32, #tpu.memory_space<vmem_shared>>)
      tpu.yield
    }) : () -> ()
    %add3A_154 = arith.constant 160 : i32
    %add3A_155 = arith.addi %mul3A_4, %add3A_154 : i32
    "tpu.region"() ({
      %run_scoped3A = tpu.sem_alloc : memref<!tpu.dma_semaphore, #tpu.memory_space<semaphore_mem>>
      %dma_start3A_238 = arith.constant 0 : i32
      %dma_start3A_239 = tpu.memref_slice %arg43[%add3A_155, %dma_start3A_238] : memref<10240x128xf32, #tpu.memory_space<vmem_shared>> -> memref<40x128xf32, #tpu.memory_space<vmem_shared>>
      %dma_start3A_240 = arith.constant 0 : i32
      %dma_start3A_241 = tpu.memref_slice %arg43[%add3A_155, %dma_start3A_240] : memref<10240x128xf32, #tpu.memory_space<vmem_shared>> -> memref<40x128xf32, #tpu.memory_space<vmem_shared>>
      tpu.enqueue_dma source(%arg20 : memref<40x128xf32, #tpu.memory_space<vmem>>) target(%dma_start3A_241 : memref<40x128xf32, #tpu.memory_space<vmem_shared>>) target_semaphore(%run_scoped3A : memref<!tpu.dma_semaphore, #tpu.memory_space<semaphore_mem>>)
      %dma_wait3A_242 = arith.constant 0 : i32
      %dma_wait3A_243 = tpu.memref_slice %arg43[%add3A_155, %dma_wait3A_242] : memref<10240x128xf32, #tpu.memory_space<vmem_shared>> -> memref<40x128xf32, #tpu.memory_space<vmem_shared>>
      %dma_wait3A_244 = arith.constant 0 : i32
      %dma_wait3A_245 = tpu.memref_slice %arg43[%add3A_155, %dma_wait3A_244] : memref<10240x128xf32, #tpu.memory_space<vmem_shared>> -> memref<40x128xf32, #tpu.memory_space<vmem_shared>>
      tpu.wait_dma2 semaphore(%run_scoped3A : memref<!tpu.dma_semaphore, #tpu.memory_space<semaphore_mem>>) src(%arg20 : memref<40x128xf32, #tpu.memory_space<vmem>>) dst(%dma_wait3A_245 : memref<40x128xf32, #tpu.memory_space<vmem_shared>>)
      tpu.yield
    }) : () -> ()
    %add3A_156 = arith.constant 200 : i32
    %add3A_157 = arith.addi %mul3A_4, %add3A_156 : i32
    "tpu.region"() ({
      %run_scoped3A = tpu.sem_alloc : memref<!tpu.dma_semaphore, #tpu.memory_space<semaphore_mem>>
      %dma_start3A_238 = arith.constant 0 : i32
      %dma_start3A_239 = tpu.memref_slice %arg43[%add3A_157, %dma_start3A_238] : memref<10240x128xf32, #tpu.memory_space<vmem_shared>> -> memref<40x128xf32, #tpu.memory_space<vmem_shared>>
      %dma_start3A_240 = arith.constant 0 : i32
      %dma_start3A_241 = tpu.memref_slice %arg43[%add3A_157, %dma_start3A_240] : memref<10240x128xf32, #tpu.memory_space<vmem_shared>> -> memref<40x128xf32, #tpu.memory_space<vmem_shared>>
      tpu.enqueue_dma source(%arg20 : memref<40x128xf32, #tpu.memory_space<vmem>>) target(%dma_start3A_241 : memref<40x128xf32, #tpu.memory_space<vmem_shared>>) target_semaphore(%run_scoped3A : memref<!tpu.dma_semaphore, #tpu.memory_space<semaphore_mem>>)
      %dma_wait3A_242 = arith.constant 0 : i32
      %dma_wait3A_243 = tpu.memref_slice %arg43[%add3A_157, %dma_wait3A_242] : memref<10240x128xf32, #tpu.memory_space<vmem_shared>> -> memref<40x128xf32, #tpu.memory_space<vmem_shared>>
      %dma_wait3A_244 = arith.constant 0 : i32
      %dma_wait3A_245 = tpu.memref_slice %arg43[%add3A_157, %dma_wait3A_244] : memref<10240x128xf32, #tpu.memory_space<vmem_shared>> -> memref<40x128xf32, #tpu.memory_space<vmem_shared>>
      tpu.wait_dma2 semaphore(%run_scoped3A : memref<!tpu.dma_semaphore, #tpu.memory_space<semaphore_mem>>) src(%arg20 : memref<40x128xf32, #tpu.memory_space<vmem>>) dst(%dma_wait3A_245 : memref<40x128xf32, #tpu.memory_space<vmem_shared>>)
      tpu.yield
    }) : () -> ()
    %add3A_158 = arith.constant 240 : i32
    %add3A_159 = arith.addi %mul3A_4, %add3A_158 : i32
    "tpu.region"() ({
      %run_scoped3A = tpu.sem_alloc : memref<!tpu.dma_semaphore, #tpu.memory_space<semaphore_mem>>
      %dma_start3A_238 = arith.constant 0 : i32
      %dma_start3A_239 = tpu.memref_slice %arg43[%add3A_159, %dma_start3A_238] : memref<10240x128xf32, #tpu.memory_space<vmem_shared>> -> memref<40x128xf32, #tpu.memory_space<vmem_shared>>
      %dma_start3A_240 = arith.constant 0 : i32
      %dma_start3A_241 = tpu.memref_slice %arg43[%add3A_159, %dma_start3A_240] : memref<10240x128xf32, #tpu.memory_space<vmem_shared>> -> memref<40x128xf32, #tpu.memory_space<vmem_shared>>
      tpu.enqueue_dma source(%arg20 : memref<40x128xf32, #tpu.memory_space<vmem>>) target(%dma_start3A_241 : memref<40x128xf32, #tpu.memory_space<vmem_shared>>) target_semaphore(%run_scoped3A : memref<!tpu.dma_semaphore, #tpu.memory_space<semaphore_mem>>)
      %dma_wait3A_242 = arith.constant 0 : i32
      %dma_wait3A_243 = tpu.memref_slice %arg43[%add3A_159, %dma_wait3A_242] : memref<10240x128xf32, #tpu.memory_space<vmem_shared>> -> memref<40x128xf32, #tpu.memory_space<vmem_shared>>
      %dma_wait3A_244 = arith.constant 0 : i32
      %dma_wait3A_245 = tpu.memref_slice %arg43[%add3A_159, %dma_wait3A_244] : memref<10240x128xf32, #tpu.memory_space<vmem_shared>> -> memref<40x128xf32, #tpu.memory_space<vmem_shared>>
      tpu.wait_dma2 semaphore(%run_scoped3A : memref<!tpu.dma_semaphore, #tpu.memory_space<semaphore_mem>>) src(%arg20 : memref<40x128xf32, #tpu.memory_space<vmem>>) dst(%dma_wait3A_245 : memref<40x128xf32, #tpu.memory_space<vmem_shared>>)
      tpu.yield
    }) : () -> ()
    %add3A_160 = arith.constant 280 : i32
    %add3A_161 = arith.addi %mul3A_4, %add3A_160 : i32
    "tpu.region"() ({
      %run_scoped3A = tpu.sem_alloc : memref<!tpu.dma_semaphore, #tpu.memory_space<semaphore_mem>>
      %dma_start3A_238 = arith.constant 0 : i32
      %dma_start3A_239 = tpu.memref_slice %arg43[%add3A_161, %dma_start3A_238] : memref<10240x128xf32, #tpu.memory_space<vmem_shared>> -> memref<40x128xf32, #tpu.memory_space<vmem_shared>>
      %dma_start3A_240 = arith.constant 0 : i32
      %dma_start3A_241 = tpu.memref_slice %arg43[%add3A_161, %dma_start3A_240] : memref<10240x128xf32, #tpu.memory_space<vmem_shared>> -> memref<40x128xf32, #tpu.memory_space<vmem_shared>>
      tpu.enqueue_dma source(%arg20 : memref<40x128xf32, #tpu.memory_space<vmem>>) target(%dma_start3A_241 : memref<40x128xf32, #tpu.memory_space<vmem_shared>>) target_semaphore(%run_scoped3A : memref<!tpu.dma_semaphore, #tpu.memory_space<semaphore_mem>>)
      %dma_wait3A_242 = arith.constant 0 : i32
      %dma_wait3A_243 = tpu.memref_slice %arg43[%add3A_161, %dma_wait3A_242] : memref<10240x128xf32, #tpu.memory_space<vmem_shared>> -> memref<40x128xf32, #tpu.memory_space<vmem_shared>>
      %dma_wait3A_244 = arith.constant 0 : i32
      %dma_wait3A_245 = tpu.memref_slice %arg43[%add3A_161, %dma_wait3A_244] : memref<10240x128xf32, #tpu.memory_space<vmem_shared>> -> memref<40x128xf32, #tpu.memory_space<vmem_shared>>
      tpu.wait_dma2 semaphore(%run_scoped3A : memref<!tpu.dma_semaphore, #tpu.memory_space<semaphore_mem>>) src(%arg20 : memref<40x128xf32, #tpu.memory_space<vmem>>) dst(%dma_wait3A_245 : memref<40x128xf32, #tpu.memory_space<vmem_shared>>)
      tpu.yield
    }) : () -> ()
    %add3A_162 = arith.constant 320 : i32
    %add3A_163 = arith.addi %mul3A_4, %add3A_162 : i32
    "tpu.region"() ({
      %run_scoped3A = tpu.sem_alloc : memref<!tpu.dma_semaphore, #tpu.memory_space<semaphore_mem>>
      %dma_start3A_238 = arith.constant 0 : i32
      %dma_start3A_239 = tpu.memref_slice %arg43[%add3A_163, %dma_start3A_238] : memref<10240x128xf32, #tpu.memory_space<vmem_shared>> -> memref<40x128xf32, #tpu.memory_space<vmem_shared>>
      %dma_start3A_240 = arith.constant 0 : i32
      %dma_start3A_241 = tpu.memref_slice %arg43[%add3A_163, %dma_start3A_240] : memref<10240x128xf32, #tpu.memory_space<vmem_shared>> -> memref<40x128xf32, #tpu.memory_space<vmem_shared>>
      tpu.enqueue_dma source(%arg20 : memref<40x128xf32, #tpu.memory_space<vmem>>) target(%dma_start3A_241 : memref<40x128xf32, #tpu.memory_space<vmem_shared>>) target_semaphore(%run_scoped3A : memref<!tpu.dma_semaphore, #tpu.memory_space<semaphore_mem>>)
      %dma_wait3A_242 = arith.constant 0 : i32
      %dma_wait3A_243 = tpu.memref_slice %arg43[%add3A_163, %dma_wait3A_242] : memref<10240x128xf32, #tpu.memory_space<vmem_shared>> -> memref<40x128xf32, #tpu.memory_space<vmem_shared>>
      %dma_wait3A_244 = arith.constant 0 : i32
      %dma_wait3A_245 = tpu.memref_slice %arg43[%add3A_163, %dma_wait3A_244] : memref<10240x128xf32, #tpu.memory_space<vmem_shared>> -> memref<40x128xf32, #tpu.memory_space<vmem_shared>>
      tpu.wait_dma2 semaphore(%run_scoped3A : memref<!tpu.dma_semaphore, #tpu.memory_space<semaphore_mem>>) src(%arg20 : memref<40x128xf32, #tpu.memory_space<vmem>>) dst(%dma_wait3A_245 : memref<40x128xf32, #tpu.memory_space<vmem_shared>>)
      tpu.yield
    }) : () -> ()
    %add3A_164 = arith.constant 360 : i32
    %add3A_165 = arith.addi %mul3A_4, %add3A_164 : i32
    "tpu.region"() ({
      %run_scoped3A = tpu.sem_alloc : memref<!tpu.dma_semaphore, #tpu.memory_space<semaphore_mem>>
      %dma_start3A_238 = arith.constant 0 : i32
      %dma_start3A_239 = tpu.memref_slice %arg43[%add3A_165, %dma_start3A_238] : memref<10240x128xf32, #tpu.memory_space<vmem_shared>> -> memref<40x128xf32, #tpu.memory_space<vmem_shared>>
      %dma_start3A_240 = arith.constant 0 : i32
      %dma_start3A_241 = tpu.memref_slice %arg43[%add3A_165, %dma_start3A_240] : memref<10240x128xf32, #tpu.memory_space<vmem_shared>> -> memref<40x128xf32, #tpu.memory_space<vmem_shared>>
      tpu.enqueue_dma source(%arg20 : memref<40x128xf32, #tpu.memory_space<vmem>>) target(%dma_start3A_241 : memref<40x128xf32, #tpu.memory_space<vmem_shared>>) target_semaphore(%run_scoped3A : memref<!tpu.dma_semaphore, #tpu.memory_space<semaphore_mem>>)
      %dma_wait3A_242 = arith.constant 0 : i32
      %dma_wait3A_243 = tpu.memref_slice %arg43[%add3A_165, %dma_wait3A_242] : memref<10240x128xf32, #tpu.memory_space<vmem_shared>> -> memref<40x128xf32, #tpu.memory_space<vmem_shared>>
      %dma_wait3A_244 = arith.constant 0 : i32
      %dma_wait3A_245 = tpu.memref_slice %arg43[%add3A_165, %dma_wait3A_244] : memref<10240x128xf32, #tpu.memory_space<vmem_shared>> -> memref<40x128xf32, #tpu.memory_space<vmem_shared>>
      tpu.wait_dma2 semaphore(%run_scoped3A : memref<!tpu.dma_semaphore, #tpu.memory_space<semaphore_mem>>) src(%arg20 : memref<40x128xf32, #tpu.memory_space<vmem>>) dst(%dma_wait3A_245 : memref<40x128xf32, #tpu.memory_space<vmem_shared>>)
      tpu.yield
    }) : () -> ()
    %add3A_166 = arith.constant 400 : i32
    %add3A_167 = arith.addi %mul3A_4, %add3A_166 : i32
    "tpu.region"() ({
      %run_scoped3A = tpu.sem_alloc : memref<!tpu.dma_semaphore, #tpu.memory_space<semaphore_mem>>
      %dma_start3A_238 = arith.constant 0 : i32
      %dma_start3A_239 = tpu.memref_slice %arg43[%add3A_167, %dma_start3A_238] : memref<10240x128xf32, #tpu.memory_space<vmem_shared>> -> memref<40x128xf32, #tpu.memory_space<vmem_shared>>
      %dma_start3A_240 = arith.constant 0 : i32
      %dma_start3A_241 = tpu.memref_slice %arg43[%add3A_167, %dma_start3A_240] : memref<10240x128xf32, #tpu.memory_space<vmem_shared>> -> memref<40x128xf32, #tpu.memory_space<vmem_shared>>
      tpu.enqueue_dma source(%arg20 : memref<40x128xf32, #tpu.memory_space<vmem>>) target(%dma_start3A_241 : memref<40x128xf32, #tpu.memory_space<vmem_shared>>) target_semaphore(%run_scoped3A : memref<!tpu.dma_semaphore, #tpu.memory_space<semaphore_mem>>)
      %dma_wait3A_242 = arith.constant 0 : i32
      %dma_wait3A_243 = tpu.memref_slice %arg43[%add3A_167, %dma_wait3A_242] : memref<10240x128xf32, #tpu.memory_space<vmem_shared>> -> memref<40x128xf32, #tpu.memory_space<vmem_shared>>
      %dma_wait3A_244 = arith.constant 0 : i32
      %dma_wait3A_245 = tpu.memref_slice %arg43[%add3A_167, %dma_wait3A_244] : memref<10240x128xf32, #tpu.memory_space<vmem_shared>> -> memref<40x128xf32, #tpu.memory_space<vmem_shared>>
      tpu.wait_dma2 semaphore(%run_scoped3A : memref<!tpu.dma_semaphore, #tpu.memory_space<semaphore_mem>>) src(%arg20 : memref<40x128xf32, #tpu.memory_space<vmem>>) dst(%dma_wait3A_245 : memref<40x128xf32, #tpu.memory_space<vmem_shared>>)
      tpu.yield
    }) : () -> ()
    %add3A_168 = arith.constant 440 : i32
    %add3A_169 = arith.addi %mul3A_4, %add3A_168 : i32
    "tpu.region"() ({
      %run_scoped3A = tpu.sem_alloc : memref<!tpu.dma_semaphore, #tpu.memory_space<semaphore_mem>>
      %dma_start3A_238 = arith.constant 0 : i32
      %dma_start3A_239 = tpu.memref_slice %arg43[%add3A_169, %dma_start3A_238] : memref<10240x128xf32, #tpu.memory_space<vmem_shared>> -> memref<40x128xf32, #tpu.memory_space<vmem_shared>>
      %dma_start3A_240 = arith.constant 0 : i32
      %dma_start3A_241 = tpu.memref_slice %arg43[%add3A_169, %dma_start3A_240] : memref<10240x128xf32, #tpu.memory_space<vmem_shared>> -> memref<40x128xf32, #tpu.memory_space<vmem_shared>>
      tpu.enqueue_dma source(%arg20 : memref<40x128xf32, #tpu.memory_space<vmem>>) target(%dma_start3A_241 : memref<40x128xf32, #tpu.memory_space<vmem_shared>>) target_semaphore(%run_scoped3A : memref<!tpu.dma_semaphore, #tpu.memory_space<semaphore_mem>>)
      %dma_wait3A_242 = arith.constant 0 : i32
      %dma_wait3A_243 = tpu.memref_slice %arg43[%add3A_169, %dma_wait3A_242] : memref<10240x128xf32, #tpu.memory_space<vmem_shared>> -> memref<40x128xf32, #tpu.memory_space<vmem_shared>>
      %dma_wait3A_244 = arith.constant 0 : i32
      %dma_wait3A_245 = tpu.memref_slice %arg43[%add3A_169, %dma_wait3A_244] : memref<10240x128xf32, #tpu.memory_space<vmem_shared>> -> memref<40x128xf32, #tpu.memory_space<vmem_shared>>
      tpu.wait_dma2 semaphore(%run_scoped3A : memref<!tpu.dma_semaphore, #tpu.memory_space<semaphore_mem>>) src(%arg20 : memref<40x128xf32, #tpu.memory_space<vmem>>) dst(%dma_wait3A_245 : memref<40x128xf32, #tpu.memory_space<vmem_shared>>)
      tpu.yield
    }) : () -> ()
    %add3A_170 = arith.constant 480 : i32
    %add3A_171 = arith.addi %mul3A_4, %add3A_170 : i32
    "tpu.region"() ({
      %run_scoped3A = tpu.sem_alloc : memref<!tpu.dma_semaphore, #tpu.memory_space<semaphore_mem>>
      %dma_start3A_238 = arith.constant 0 : i32
      %dma_start3A_239 = tpu.memref_slice %arg43[%add3A_171, %dma_start3A_238] : memref<10240x128xf32, #tpu.memory_space<vmem_shared>> -> memref<40x128xf32, #tpu.memory_space<vmem_shared>>
      %dma_start3A_240 = arith.constant 0 : i32
      %dma_start3A_241 = tpu.memref_slice %arg43[%add3A_171, %dma_start3A_240] : memref<10240x128xf32, #tpu.memory_space<vmem_shared>> -> memref<40x128xf32, #tpu.memory_space<vmem_shared>>
      tpu.enqueue_dma source(%arg20 : memref<40x128xf32, #tpu.memory_space<vmem>>) target(%dma_start3A_241 : memref<40x128xf32, #tpu.memory_space<vmem_shared>>) target_semaphore(%run_scoped3A : memref<!tpu.dma_semaphore, #tpu.memory_space<semaphore_mem>>)
      %dma_wait3A_242 = arith.constant 0 : i32
      %dma_wait3A_243 = tpu.memref_slice %arg43[%add3A_171, %dma_wait3A_242] : memref<10240x128xf32, #tpu.memory_space<vmem_shared>> -> memref<40x128xf32, #tpu.memory_space<vmem_shared>>
      %dma_wait3A_244 = arith.constant 0 : i32
      %dma_wait3A_245 = tpu.memref_slice %arg43[%add3A_171, %dma_wait3A_244] : memref<10240x128xf32, #tpu.memory_space<vmem_shared>> -> memref<40x128xf32, #tpu.memory_space<vmem_shared>>
      tpu.wait_dma2 semaphore(%run_scoped3A : memref<!tpu.dma_semaphore, #tpu.memory_space<semaphore_mem>>) src(%arg20 : memref<40x128xf32, #tpu.memory_space<vmem>>) dst(%dma_wait3A_245 : memref<40x128xf32, #tpu.memory_space<vmem_shared>>)
      tpu.yield
    }) : () -> ()
    %add3A_172 = arith.constant 520 : i32
    %add3A_173 = arith.addi %mul3A_4, %add3A_172 : i32
    "tpu.region"() ({
      %run_scoped3A = tpu.sem_alloc : memref<!tpu.dma_semaphore, #tpu.memory_space<semaphore_mem>>
      %dma_start3A_238 = arith.constant 0 : i32
      %dma_start3A_239 = tpu.memref_slice %arg43[%add3A_173, %dma_start3A_238] : memref<10240x128xf32, #tpu.memory_space<vmem_shared>> -> memref<40x128xf32, #tpu.memory_space<vmem_shared>>
      %dma_start3A_240 = arith.constant 0 : i32
      %dma_start3A_241 = tpu.memref_slice %arg43[%add3A_173, %dma_start3A_240] : memref<10240x128xf32, #tpu.memory_space<vmem_shared>> -> memref<40x128xf32, #tpu.memory_space<vmem_shared>>
      tpu.enqueue_dma source(%arg20 : memref<40x128xf32, #tpu.memory_space<vmem>>) target(%dma_start3A_241 : memref<40x128xf32, #tpu.memory_space<vmem_shared>>) target_semaphore(%run_scoped3A : memref<!tpu.dma_semaphore, #tpu.memory_space<semaphore_mem>>)
      %dma_wait3A_242 = arith.constant 0 : i32
      %dma_wait3A_243 = tpu.memref_slice %arg43[%add3A_173, %dma_wait3A_242] : memref<10240x128xf32, #tpu.memory_space<vmem_shared>> -> memref<40x128xf32, #tpu.memory_space<vmem_shared>>
      %dma_wait3A_244 = arith.constant 0 : i32
      %dma_wait3A_245 = tpu.memref_slice %arg43[%add3A_173, %dma_wait3A_244] : memref<10240x128xf32, #tpu.memory_space<vmem_shared>> -> memref<40x128xf32, #tpu.memory_space<vmem_shared>>
      tpu.wait_dma2 semaphore(%run_scoped3A : memref<!tpu.dma_semaphore, #tpu.memory_space<semaphore_mem>>) src(%arg20 : memref<40x128xf32, #tpu.memory_space<vmem>>) dst(%dma_wait3A_245 : memref<40x128xf32, #tpu.memory_space<vmem_shared>>)
      tpu.yield
    }) : () -> ()
    %add3A_174 = arith.constant 560 : i32
    %add3A_175 = arith.addi %mul3A_4, %add3A_174 : i32
    "tpu.region"() ({
      %run_scoped3A = tpu.sem_alloc : memref<!tpu.dma_semaphore, #tpu.memory_space<semaphore_mem>>
      %dma_start3A_238 = arith.constant 0 : i32
      %dma_start3A_239 = tpu.memref_slice %arg43[%add3A_175, %dma_start3A_238] : memref<10240x128xf32, #tpu.memory_space<vmem_shared>> -> memref<40x128xf32, #tpu.memory_space<vmem_shared>>
      %dma_start3A_240 = arith.constant 0 : i32
      %dma_start3A_241 = tpu.memref_slice %arg43[%add3A_175, %dma_start3A_240] : memref<10240x128xf32, #tpu.memory_space<vmem_shared>> -> memref<40x128xf32, #tpu.memory_space<vmem_shared>>
      tpu.enqueue_dma source(%arg20 : memref<40x128xf32, #tpu.memory_space<vmem>>) target(%dma_start3A_241 : memref<40x128xf32, #tpu.memory_space<vmem_shared>>) target_semaphore(%run_scoped3A : memref<!tpu.dma_semaphore, #tpu.memory_space<semaphore_mem>>)
      %dma_wait3A_242 = arith.constant 0 : i32
      %dma_wait3A_243 = tpu.memref_slice %arg43[%add3A_175, %dma_wait3A_242] : memref<10240x128xf32, #tpu.memory_space<vmem_shared>> -> memref<40x128xf32, #tpu.memory_space<vmem_shared>>
      %dma_wait3A_244 = arith.constant 0 : i32
      %dma_wait3A_245 = tpu.memref_slice %arg43[%add3A_175, %dma_wait3A_244] : memref<10240x128xf32, #tpu.memory_space<vmem_shared>> -> memref<40x128xf32, #tpu.memory_space<vmem_shared>>
      tpu.wait_dma2 semaphore(%run_scoped3A : memref<!tpu.dma_semaphore, #tpu.memory_space<semaphore_mem>>) src(%arg20 : memref<40x128xf32, #tpu.memory_space<vmem>>) dst(%dma_wait3A_245 : memref<40x128xf32, #tpu.memory_space<vmem_shared>>)
      tpu.yield
    }) : () -> ()
    %add3A_176 = arith.constant 600 : i32
    %add3A_177 = arith.addi %mul3A_4, %add3A_176 : i32
    "tpu.region"() ({
      %run_scoped3A = tpu.sem_alloc : memref<!tpu.dma_semaphore, #tpu.memory_space<semaphore_mem>>
      %dma_start3A_238 = arith.constant 0 : i32
      %dma_start3A_239 = tpu.memref_slice %arg43[%add3A_177, %dma_start3A_238] : memref<10240x128xf32, #tpu.memory_space<vmem_shared>> -> memref<40x128xf32, #tpu.memory_space<vmem_shared>>
      %dma_start3A_240 = arith.constant 0 : i32
      %dma_start3A_241 = tpu.memref_slice %arg43[%add3A_177, %dma_start3A_240] : memref<10240x128xf32, #tpu.memory_space<vmem_shared>> -> memref<40x128xf32, #tpu.memory_space<vmem_shared>>
      tpu.enqueue_dma source(%arg20 : memref<40x128xf32, #tpu.memory_space<vmem>>) target(%dma_start3A_241 : memref<40x128xf32, #tpu.memory_space<vmem_shared>>) target_semaphore(%run_scoped3A : memref<!tpu.dma_semaphore, #tpu.memory_space<semaphore_mem>>)
      %dma_wait3A_242 = arith.constant 0 : i32
      %dma_wait3A_243 = tpu.memref_slice %arg43[%add3A_177, %dma_wait3A_242] : memref<10240x128xf32, #tpu.memory_space<vmem_shared>> -> memref<40x128xf32, #tpu.memory_space<vmem_shared>>
      %dma_wait3A_244 = arith.constant 0 : i32
      %dma_wait3A_245 = tpu.memref_slice %arg43[%add3A_177, %dma_wait3A_244] : memref<10240x128xf32, #tpu.memory_space<vmem_shared>> -> memref<40x128xf32, #tpu.memory_space<vmem_shared>>
      tpu.wait_dma2 semaphore(%run_scoped3A : memref<!tpu.dma_semaphore, #tpu.memory_space<semaphore_mem>>) src(%arg20 : memref<40x128xf32, #tpu.memory_space<vmem>>) dst(%dma_wait3A_245 : memref<40x128xf32, #tpu.memory_space<vmem_shared>>)
      tpu.yield
    }) : () -> ()
    %scan3A_178 = arith.constant 0 : i32
    %scan3A_179 = arith.constant 40 : i32
    %scan3A_180 = arith.addi %scan3A_178, %scan3A_179 : i32
    %scan3A_181 = arith.constant 1 : i32
    scf.for %scan3A_238 = %scan3A_178 to %scan3A_180 step %scan3A_181  : i32 {
      %mul3A_239 = arith.constant 1 : i32
      %mul3A_240 = arith.muli %scan3A_238, %mul3A_239 : i32
      %add3A_241 = arith.constant 0 : i32
      %add3A_242 = arith.addi %add3A_241, %mul3A_240 : i32
      %swap3A = arith.index_cast %add3A_242 : i32 to index
      %swap3A_243 = arith.constant 0 : index
      %swap3A_244 = tpu.vector_load %arg19[%swap3A, %swap3A_243] {strides = array<i32>} : memref<40x128xf32, #tpu.memory_space<vmem>>, vector<1x16xf32>,
      %swap3A_245 = vector.shape_cast %swap3A_244 : vector<1x16xf32> to vector<16xf32>
      %swap3A_246 = vector.shape_cast %broadcast_in_dim3A_10 : vector<16xf32> to vector<1x16xf32>
      tpu.vector_store %arg19[%swap3A, %swap3A_243], %swap3A_246 {strides = array<i32>} : memref<40x128xf32, #tpu.memory_space<vmem>>, vector<1x16xf32>,
      %swap3A_247 = arith.index_cast %add3A_242 : i32 to index
      %swap3A_248 = arith.constant 16 : index
      %swap3A_249 = tpu.vector_load %arg19[%swap3A_247, %swap3A_248] {strides = array<i32>} : memref<40x128xf32, #tpu.memory_space<vmem>>, vector<1x16xf32>,
      %swap3A_250 = vector.shape_cast %swap3A_249 : vector<1x16xf32> to vector<16xf32>
      %swap3A_251 = vector.shape_cast %broadcast_in_dim3A_10 : vector<16xf32> to vector<1x16xf32>
      tpu.vector_store %arg19[%swap3A_247, %swap3A_248], %swap3A_251 {strides = array<i32>} : memref<40x128xf32, #tpu.memory_space<vmem>>, vector<1x16xf32>,
      %swap3A_252 = arith.index_cast %add3A_242 : i32 to index
      %swap3A_253 = arith.constant 32 : index
      %swap3A_254 = tpu.vector_load %arg19[%swap3A_252, %swap3A_253] {strides = array<i32>} : memref<40x128xf32, #tpu.memory_space<vmem>>, vector<1x16xf32>,
      %swap3A_255 = vector.shape_cast %swap3A_254 : vector<1x16xf32> to vector<16xf32>
      %swap3A_256 = vector.shape_cast %broadcast_in_dim3A_10 : vector<16xf32> to vector<1x16xf32>
      tpu.vector_store %arg19[%swap3A_252, %swap3A_253], %swap3A_256 {strides = array<i32>} : memref<40x128xf32, #tpu.memory_space<vmem>>, vector<1x16xf32>,
      %swap3A_257 = arith.index_cast %add3A_242 : i32 to index
      %swap3A_258 = arith.constant 48 : index
      %swap3A_259 = tpu.vector_load %arg19[%swap3A_257, %swap3A_258] {strides = array<i32>} : memref<40x128xf32, #tpu.memory_space<vmem>>, vector<1x16xf32>,
      %swap3A_260 = vector.shape_cast %swap3A_259 : vector<1x16xf32> to vector<16xf32>
      %swap3A_261 = vector.shape_cast %broadcast_in_dim3A_10 : vector<16xf32> to vector<1x16xf32>
      tpu.vector_store %arg19[%swap3A_257, %swap3A_258], %swap3A_261 {strides = array<i32>} : memref<40x128xf32, #tpu.memory_space<vmem>>, vector<1x16xf32>,
      %swap3A_262 = arith.index_cast %add3A_242 : i32 to index
      %swap3A_263 = arith.constant 64 : index
      %swap3A_264 = tpu.vector_load %arg19[%swap3A_262, %swap3A_263] {strides = array<i32>} : memref<40x128xf32, #tpu.memory_space<vmem>>, vector<1x16xf32>,
      %swap3A_265 = vector.shape_cast %swap3A_264 : vector<1x16xf32> to vector<16xf32>
      %swap3A_266 = vector.shape_cast %broadcast_in_dim3A_10 : vector<16xf32> to vector<1x16xf32>
      tpu.vector_store %arg19[%swap3A_262, %swap3A_263], %swap3A_266 {strides = array<i32>} : memref<40x128xf32, #tpu.memory_space<vmem>>, vector<1x16xf32>,
      %swap3A_267 = arith.index_cast %add3A_242 : i32 to index
      %swap3A_268 = arith.constant 80 : index
      %swap3A_269 = tpu.vector_load %arg19[%swap3A_267, %swap3A_268] {strides = array<i32>} : memref<40x128xf32, #tpu.memory_space<vmem>>, vector<1x16xf32>,
      %swap3A_270 = vector.shape_cast %swap3A_269 : vector<1x16xf32> to vector<16xf32>
      %swap3A_271 = vector.shape_cast %broadcast_in_dim3A_10 : vector<16xf32> to vector<1x16xf32>
      tpu.vector_store %arg19[%swap3A_267, %swap3A_268], %swap3A_271 {strides = array<i32>} : memref<40x128xf32, #tpu.memory_space<vmem>>, vector<1x16xf32>,
      %swap3A_272 = arith.index_cast %add3A_242 : i32 to index
      %swap3A_273 = arith.constant 96 : index
      %swap3A_274 = tpu.vector_load %arg19[%swap3A_272, %swap3A_273] {strides = array<i32>} : memref<40x128xf32, #tpu.memory_space<vmem>>, vector<1x16xf32>,
      %swap3A_275 = vector.shape_cast %swap3A_274 : vector<1x16xf32> to vector<16xf32>
      %swap3A_276 = vector.shape_cast %broadcast_in_dim3A_10 : vector<16xf32> to vector<1x16xf32>
      tpu.vector_store %arg19[%swap3A_272, %swap3A_273], %swap3A_276 {strides = array<i32>} : memref<40x128xf32, #tpu.memory_space<vmem>>, vector<1x16xf32>,
      %swap3A_277 = arith.index_cast %add3A_242 : i32 to index
      %swap3A_278 = arith.constant 112 : index
      %swap3A_279 = tpu.vector_load %arg19[%swap3A_277, %swap3A_278] {strides = array<i32>} : memref<40x128xf32, #tpu.memory_space<vmem>>, vector<1x16xf32>,
      %swap3A_280 = vector.shape_cast %swap3A_279 : vector<1x16xf32> to vector<16xf32>
      %swap3A_281 = vector.shape_cast %broadcast_in_dim3A_10 : vector<16xf32> to vector<1x16xf32>
      tpu.vector_store %arg19[%swap3A_277, %swap3A_278], %swap3A_281 {strides = array<i32>} : memref<40x128xf32, #tpu.memory_space<vmem>>, vector<1x16xf32>,
    }
    %scan3A_182 = arith.constant 40 : i32
    %barrier3A_183 = arith.constant 0 : index
    tpu.barrier barrier_id(%barrier3A_183)
    %scan3A_184 = arith.constant 0 : i32
    %scan3A_185 = arith.constant 41 : i32
    %scan3A_186 = arith.addi %scan3A_184, %scan3A_185 : i32
    %scan3A_187 = arith.constant 1 : i32
    scf.for %scan3A_238 = %scan3A_184 to %scan3A_186 step %scan3A_187  : i32 {
      %mul3A_239 = arith.constant 1 : i32
      %mul3A_240 = arith.muli %scan3A_238, %mul3A_239 : i32
      %add3A_241 = arith.constant 0 : i32
      %add3A_242 = arith.addi %add3A_241, %mul3A_240 : i32
      %mul3A_243 = arith.constant 6 : i32
      %mul3A_244 = arith.muli %add3A_242, %mul3A_243 : i32
      %mul3A_245 = arith.constant 40 : i32
      %mul3A_246 = arith.muli %mul3A_244, %mul3A_245 : i32
      %add3A_247 = arith.addi %mul3A_2, %mul3A_246 : i32
      %add3A_248 = arith.constant 0 : i32
      %add3A_249 = arith.addi %add3A_247, %add3A_248 : i32
      %dma_start3A_250 = tpu.memref_slice %arg4[%add3A_249] : memref<320000xi32, #tpu.memory_space<hbm>> -> memref<40xi32, #tpu.memory_space<hbm>>
      %dma_start3A_251 = tpu.memref_slice %arg4[%add3A_249] : memref<320000xi32, #tpu.memory_space<hbm>> -> memref<40xi32, #tpu.memory_space<hbm>>
      tpu.enqueue_dma source(%dma_start3A_251 : memref<40xi32, #tpu.memory_space<hbm>>) target(%arg13 : memref<40xi32, #tpu.memory_space<vmem>>) target_semaphore(%arg25 : memref<!tpu.dma_semaphore, #tpu.memory_space<semaphore_mem>>)
      %add3A_252 = arith.constant 40 : i32
      %add3A_253 = arith.addi %add3A_247, %add3A_252 : i32
      %dma_start3A_254 = tpu.memref_slice %arg4[%add3A_253] : memref<320000xi32, #tpu.memory_space<hbm>> -> memref<40xi32, #tpu.memory_space<hbm>>
      %dma_start3A_255 = tpu.memref_slice %arg4[%add3A_253] : memref<320000xi32, #tpu.memory_space<hbm>> -> memref<40xi32, #tpu.memory_space<hbm>>
      tpu.enqueue_dma source(%dma_start3A_255 : memref<40xi32, #tpu.memory_space<hbm>>) target(%arg14 : memref<40xi32, #tpu.memory_space<vmem>>) target_semaphore(%arg26 : memref<!tpu.dma_semaphore, #tpu.memory_space<semaphore_mem>>)
      %add3A_256 = arith.constant 80 : i32
      %add3A_257 = arith.addi %add3A_247, %add3A_256 : i32
      %dma_start3A_258 = tpu.memref_slice %arg4[%add3A_257] : memref<320000xi32, #tpu.memory_space<hbm>> -> memref<40xi32, #tpu.memory_space<hbm>>
      %dma_start3A_259 = tpu.memref_slice %arg4[%add3A_257] : memref<320000xi32, #tpu.memory_space<hbm>> -> memref<40xi32, #tpu.memory_space<hbm>>
      tpu.enqueue_dma source(%dma_start3A_259 : memref<40xi32, #tpu.memory_space<hbm>>) target(%arg15 : memref<40xi32, #tpu.memory_space<vmem>>) target_semaphore(%arg27 : memref<!tpu.dma_semaphore, #tpu.memory_space<semaphore_mem>>)
      %add3A_260 = arith.constant 120 : i32
      %add3A_261 = arith.addi %add3A_247, %add3A_260 : i32
      %dma_start3A_262 = tpu.memref_slice %arg4[%add3A_261] : memref<320000xi32, #tpu.memory_space<hbm>> -> memref<40xi32, #tpu.memory_space<hbm>>
      %dma_start3A_263 = tpu.memref_slice %arg4[%add3A_261] : memref<320000xi32, #tpu.memory_space<hbm>> -> memref<40xi32, #tpu.memory_space<hbm>>
      tpu.enqueue_dma source(%dma_start3A_263 : memref<40xi32, #tpu.memory_space<hbm>>) target(%arg16 : memref<40xi32, #tpu.memory_space<vmem>>) target_semaphore(%arg28 : memref<!tpu.dma_semaphore, #tpu.memory_space<semaphore_mem>>)
      %add3A_264 = arith.constant 160 : i32
      %add3A_265 = arith.addi %add3A_247, %add3A_264 : i32
      %dma_start3A_266 = tpu.memref_slice %arg4[%add3A_265] : memref<320000xi32, #tpu.memory_space<hbm>> -> memref<40xi32, #tpu.memory_space<hbm>>
      %dma_start3A_267 = tpu.memref_slice %arg4[%add3A_265] : memref<320000xi32, #tpu.memory_space<hbm>> -> memref<40xi32, #tpu.memory_space<hbm>>
      tpu.enqueue_dma source(%dma_start3A_267 : memref<40xi32, #tpu.memory_space<hbm>>) target(%arg17 : memref<40xi32, #tpu.memory_space<vmem>>) target_semaphore(%arg29 : memref<!tpu.dma_semaphore, #tpu.memory_space<semaphore_mem>>)
      %add3A_268 = arith.constant 200 : i32
      %add3A_269 = arith.addi %add3A_247, %add3A_268 : i32
      %dma_start3A_270 = tpu.memref_slice %arg4[%add3A_269] : memref<320000xi32, #tpu.memory_space<hbm>> -> memref<40xi32, #tpu.memory_space<hbm>>
      %dma_start3A_271 = tpu.memref_slice %arg4[%add3A_269] : memref<320000xi32, #tpu.memory_space<hbm>> -> memref<40xi32, #tpu.memory_space<hbm>>
      tpu.enqueue_dma source(%dma_start3A_271 : memref<40xi32, #tpu.memory_space<hbm>>) target(%arg18 : memref<40xi32, #tpu.memory_space<vmem>>) target_semaphore(%arg30 : memref<!tpu.dma_semaphore, #tpu.memory_space<semaphore_mem>>)
      %dma_wait3A_272 = tpu.memref_slice %arg4[%add3A_249] : memref<320000xi32, #tpu.memory_space<hbm>> -> memref<40xi32, #tpu.memory_space<hbm>>
      %dma_wait3A_273 = tpu.memref_slice %arg4[%add3A_249] : memref<320000xi32, #tpu.memory_space<hbm>> -> memref<40xi32, #tpu.memory_space<hbm>>
      tpu.wait_dma2 semaphore(%arg25 : memref<!tpu.dma_semaphore, #tpu.memory_space<semaphore_mem>>) src(%dma_wait3A_273 : memref<40xi32, #tpu.memory_space<hbm>>) dst(%arg13 : memref<40xi32, #tpu.memory_space<vmem>>)
      %dma_start3A_274 = arith.constant 0 : i32
      %dma_start3A_275 = arith.constant 0 : i32
      %dma_start3A_276 = tpu.memref_slice %arg43[%dma_start3A_274, %dma_start3A_275] : memref<10240x128xf32, #tpu.memory_space<vmem_shared>> -> memref<10240x128xf32, #tpu.memory_space<vmem_shared>>
      tpu.enqueue_indirect_dma source(%arg19 : memref<40x128xf32, #tpu.memory_space<vmem>>) target(%dma_start3A_276 : memref<10240x128xf32, #tpu.memory_space<vmem_shared>>) offsets(%arg13 : memref<40xi32, #tpu.memory_space<vmem>>) semaphore(%arg37 : memref<!tpu.dma_semaphore, #tpu.memory_space<semaphore_mem>>) {add = true}
      %dma_wait3A_277 = tpu.memref_slice %arg4[%add3A_253] : memref<320000xi32, #tpu.memory_space<hbm>> -> memref<40xi32, #tpu.memory_space<hbm>>
      %dma_wait3A_278 = tpu.memref_slice %arg4[%add3A_253] : memref<320000xi32, #tpu.memory_space<hbm>> -> memref<40xi32, #tpu.memory_space<hbm>>
      tpu.wait_dma2 semaphore(%arg26 : memref<!tpu.dma_semaphore, #tpu.memory_space<semaphore_mem>>) src(%dma_wait3A_278 : memref<40xi32, #tpu.memory_space<hbm>>) dst(%arg14 : memref<40xi32, #tpu.memory_space<vmem>>)
      %dma_start3A_279 = arith.constant 0 : i32
      %dma_start3A_280 = arith.constant 0 : i32
      %dma_start3A_281 = tpu.memref_slice %arg43[%dma_start3A_279, %dma_start3A_280] : memref<10240x128xf32, #tpu.memory_space<vmem_shared>> -> memref<10240x128xf32, #tpu.memory_space<vmem_shared>>
      tpu.enqueue_indirect_dma source(%arg19 : memref<40x128xf32, #tpu.memory_space<vmem>>) target(%dma_start3A_281 : memref<10240x128xf32, #tpu.memory_space<vmem_shared>>) offsets(%arg14 : memref<40xi32, #tpu.memory_space<vmem>>) semaphore(%arg38 : memref<!tpu.dma_semaphore, #tpu.memory_space<semaphore_mem>>) {add = true}
      %dma_wait3A_282 = tpu.memref_slice %arg4[%add3A_257] : memref<320000xi32, #tpu.memory_space<hbm>> -> memref<40xi32, #tpu.memory_space<hbm>>
      %dma_wait3A_283 = tpu.memref_slice %arg4[%add3A_257] : memref<320000xi32, #tpu.memory_space<hbm>> -> memref<40xi32, #tpu.memory_space<hbm>>
      tpu.wait_dma2 semaphore(%arg27 : memref<!tpu.dma_semaphore, #tpu.memory_space<semaphore_mem>>) src(%dma_wait3A_283 : memref<40xi32, #tpu.memory_space<hbm>>) dst(%arg15 : memref<40xi32, #tpu.memory_space<vmem>>)
      %dma_start3A_284 = arith.constant 0 : i32
      %dma_start3A_285 = arith.constant 0 : i32
      %dma_start3A_286 = tpu.memref_slice %arg43[%dma_start3A_284, %dma_start3A_285] : memref<10240x128xf32, #tpu.memory_space<vmem_shared>> -> memref<10240x128xf32, #tpu.memory_space<vmem_shared>>
      tpu.enqueue_indirect_dma source(%arg19 : memref<40x128xf32, #tpu.memory_space<vmem>>) target(%dma_start3A_286 : memref<10240x128xf32, #tpu.memory_space<vmem_shared>>) offsets(%arg15 : memref<40xi32, #tpu.memory_space<vmem>>) semaphore(%arg39 : memref<!tpu.dma_semaphore, #tpu.memory_space<semaphore_mem>>) {add = true}
      %dma_wait3A_287 = tpu.memref_slice %arg4[%add3A_261] : memref<320000xi32, #tpu.memory_space<hbm>> -> memref<40xi32, #tpu.memory_space<hbm>>
      %dma_wait3A_288 = tpu.memref_slice %arg4[%add3A_261] : memref<320000xi32, #tpu.memory_space<hbm>> -> memref<40xi32, #tpu.memory_space<hbm>>
      tpu.wait_dma2 semaphore(%arg28 : memref<!tpu.dma_semaphore, #tpu.memory_space<semaphore_mem>>) src(%dma_wait3A_288 : memref<40xi32, #tpu.memory_space<hbm>>) dst(%arg16 : memref<40xi32, #tpu.memory_space<vmem>>)
      %dma_start3A_289 = arith.constant 0 : i32
      %dma_start3A_290 = arith.constant 0 : i32
      %dma_start3A_291 = tpu.memref_slice %arg43[%dma_start3A_289, %dma_start3A_290] : memref<10240x128xf32, #tpu.memory_space<vmem_shared>> -> memref<10240x128xf32, #tpu.memory_space<vmem_shared>>
      tpu.enqueue_indirect_dma source(%arg19 : memref<40x128xf32, #tpu.memory_space<vmem>>) target(%dma_start3A_291 : memref<10240x128xf32, #tpu.memory_space<vmem_shared>>) offsets(%arg16 : memref<40xi32, #tpu.memory_space<vmem>>) semaphore(%arg40 : memref<!tpu.dma_semaphore, #tpu.memory_space<semaphore_mem>>) {add = true}
      %dma_wait3A_292 = tpu.memref_slice %arg4[%add3A_265] : memref<320000xi32, #tpu.memory_space<hbm>> -> memref<40xi32, #tpu.memory_space<hbm>>
      %dma_wait3A_293 = tpu.memref_slice %arg4[%add3A_265] : memref<320000xi32, #tpu.memory_space<hbm>> -> memref<40xi32, #tpu.memory_space<hbm>>
      tpu.wait_dma2 semaphore(%arg29 : memref<!tpu.dma_semaphore, #tpu.memory_space<semaphore_mem>>) src(%dma_wait3A_293 : memref<40xi32, #tpu.memory_space<hbm>>) dst(%arg17 : memref<40xi32, #tpu.memory_space<vmem>>)
      %dma_start3A_294 = arith.constant 0 : i32
      %dma_start3A_295 = arith.constant 0 : i32
      %dma_start3A_296 = tpu.memref_slice %arg43[%dma_start3A_294, %dma_start3A_295] : memref<10240x128xf32, #tpu.memory_space<vmem_shared>> -> memref<10240x128xf32, #tpu.memory_space<vmem_shared>>
      tpu.enqueue_indirect_dma source(%arg19 : memref<40x128xf32, #tpu.memory_space<vmem>>) target(%dma_start3A_296 : memref<10240x128xf32, #tpu.memory_space<vmem_shared>>) offsets(%arg17 : memref<40xi32, #tpu.memory_space<vmem>>) semaphore(%arg41 : memref<!tpu.dma_semaphore, #tpu.memory_space<semaphore_mem>>) {add = true}
      %dma_wait3A_297 = tpu.memref_slice %arg4[%add3A_269] : memref<320000xi32, #tpu.memory_space<hbm>> -> memref<40xi32, #tpu.memory_space<hbm>>
      %dma_wait3A_298 = tpu.memref_slice %arg4[%add3A_269] : memref<320000xi32, #tpu.memory_space<hbm>> -> memref<40xi32, #tpu.memory_space<hbm>>
      tpu.wait_dma2 semaphore(%arg30 : memref<!tpu.dma_semaphore, #tpu.memory_space<semaphore_mem>>) src(%dma_wait3A_298 : memref<40xi32, #tpu.memory_space<hbm>>) dst(%arg18 : memref<40xi32, #tpu.memory_space<vmem>>)
      %dma_start3A_299 = arith.constant 0 : i32
      %dma_start3A_300 = arith.constant 0 : i32
      %dma_start3A_301 = tpu.memref_slice %arg43[%dma_start3A_299, %dma_start3A_300] : memref<10240x128xf32, #tpu.memory_space<vmem_shared>> -> memref<10240x128xf32, #tpu.memory_space<vmem_shared>>
      tpu.enqueue_indirect_dma source(%arg19 : memref<40x128xf32, #tpu.memory_space<vmem>>) target(%dma_start3A_301 : memref<10240x128xf32, #tpu.memory_space<vmem_shared>>) offsets(%arg18 : memref<40xi32, #tpu.memory_space<vmem>>) semaphore(%arg42 : memref<!tpu.dma_semaphore, #tpu.memory_space<semaphore_mem>>) {add = true}
      %dma_wait3A_302 = arith.constant 0 : i32
      %dma_wait3A_303 = arith.constant 0 : i32
      %dma_wait3A_304 = tpu.memref_slice %arg43[%dma_wait3A_302, %dma_wait3A_303] : memref<10240x128xf32, #tpu.memory_space<vmem_shared>> -> memref<10240x128xf32, #tpu.memory_space<vmem_shared>>
      tpu.wait_indirect_dma semaphore(%arg37 : memref<!tpu.dma_semaphore, #tpu.memory_space<semaphore_mem>>) src(%arg19 : memref<40x128xf32, #tpu.memory_space<vmem>>) dst(%dma_wait3A_304 : memref<10240x128xf32, #tpu.memory_space<vmem_shared>>)
      %dma_wait3A_305 = arith.constant 0 : i32
      %dma_wait3A_306 = arith.constant 0 : i32
      %dma_wait3A_307 = tpu.memref_slice %arg43[%dma_wait3A_305, %dma_wait3A_306] : memref<10240x128xf32, #tpu.memory_space<vmem_shared>> -> memref<10240x128xf32, #tpu.memory_space<vmem_shared>>
      tpu.wait_indirect_dma semaphore(%arg38 : memref<!tpu.dma_semaphore, #tpu.memory_space<semaphore_mem>>) src(%arg19 : memref<40x128xf32, #tpu.memory_space<vmem>>) dst(%dma_wait3A_307 : memref<10240x128xf32, #tpu.memory_space<vmem_shared>>)
      %dma_wait3A_308 = arith.constant 0 : i32
      %dma_wait3A_309 = arith.constant 0 : i32
      %dma_wait3A_310 = tpu.memref_slice %arg43[%dma_wait3A_308, %dma_wait3A_309] : memref<10240x128xf32, #tpu.memory_space<vmem_shared>> -> memref<10240x128xf32, #tpu.memory_space<vmem_shared>>
      tpu.wait_indirect_dma semaphore(%arg39 : memref<!tpu.dma_semaphore, #tpu.memory_space<semaphore_mem>>) src(%arg19 : memref<40x128xf32, #tpu.memory_space<vmem>>) dst(%dma_wait3A_310 : memref<10240x128xf32, #tpu.memory_space<vmem_shared>>)
      %dma_wait3A_311 = arith.constant 0 : i32
      %dma_wait3A_312 = arith.constant 0 : i32
      %dma_wait3A_313 = tpu.memref_slice %arg43[%dma_wait3A_311, %dma_wait3A_312] : memref<10240x128xf32, #tpu.memory_space<vmem_shared>> -> memref<10240x128xf32, #tpu.memory_space<vmem_shared>>
      tpu.wait_indirect_dma semaphore(%arg40 : memref<!tpu.dma_semaphore, #tpu.memory_space<semaphore_mem>>) src(%arg19 : memref<40x128xf32, #tpu.memory_space<vmem>>) dst(%dma_wait3A_313 : memref<10240x128xf32, #tpu.memory_space<vmem_shared>>)
      %dma_wait3A_314 = arith.constant 0 : i32
      %dma_wait3A_315 = arith.constant 0 : i32
      %dma_wait3A_316 = tpu.memref_slice %arg43[%dma_wait3A_314, %dma_wait3A_315] : memref<10240x128xf32, #tpu.memory_space<vmem_shared>> -> memref<10240x128xf32, #tpu.memory_space<vmem_shared>>
      tpu.wait_indirect_dma semaphore(%arg41 : memref<!tpu.dma_semaphore, #tpu.memory_space<semaphore_mem>>) src(%arg19 : memref<40x128xf32, #tpu.memory_space<vmem>>) dst(%dma_wait3A_316 : memref<10240x128xf32, #tpu.memory_space<vmem_shared>>)
      %dma_wait3A_317 = arith.constant 0 : i32
      %dma_wait3A_318 = arith.constant 0 : i32
      %dma_wait3A_319 = tpu.memref_slice %arg43[%dma_wait3A_317, %dma_wait3A_318] : memref<10240x128xf32, #tpu.memory_space<vmem_shared>> -> memref<10240x128xf32, #tpu.memory_space<vmem_shared>>
      tpu.wait_indirect_dma semaphore(%arg42 : memref<!tpu.dma_semaphore, #tpu.memory_space<semaphore_mem>>) src(%arg19 : memref<40x128xf32, #tpu.memory_space<vmem>>) dst(%dma_wait3A_319 : memref<10240x128xf32, #tpu.memory_space<vmem_shared>>)
    }
    %scan3A_188 = arith.constant 41 : i32
    %add3A_189 = arith.constant 0 : i32
    %add3A_190 = arith.addi %add3A_53, %add3A_189 : i32
    %dma_start3A_191 = tpu.memref_slice %arg4[%add3A_190] : memref<320000xi32, #tpu.memory_space<hbm>> -> memref<40xi32, #tpu.memory_space<hbm>>
    %dma_start3A_192 = tpu.memref_slice %arg4[%add3A_190] : memref<320000xi32, #tpu.memory_space<hbm>> -> memref<40xi32, #tpu.memory_space<hbm>>
    tpu.enqueue_dma source(%dma_start3A_192 : memref<40xi32, #tpu.memory_space<hbm>>) target(%arg13 : memref<40xi32, #tpu.memory_space<vmem>>) target_semaphore(%arg25 : memref<!tpu.dma_semaphore, #tpu.memory_space<semaphore_mem>>)
    %add3A_193 = arith.constant 40 : i32
    %add3A_194 = arith.addi %add3A_53, %add3A_193 : i32
    %dma_start3A_195 = tpu.memref_slice %arg4[%add3A_194] : memref<320000xi32, #tpu.memory_space<hbm>> -> memref<40xi32, #tpu.memory_space<hbm>>
    %dma_start3A_196 = tpu.memref_slice %arg4[%add3A_194] : memref<320000xi32, #tpu.memory_space<hbm>> -> memref<40xi32, #tpu.memory_space<hbm>>
    tpu.enqueue_dma source(%dma_start3A_196 : memref<40xi32, #tpu.memory_space<hbm>>) target(%arg14 : memref<40xi32, #tpu.memory_space<vmem>>) target_semaphore(%arg26 : memref<!tpu.dma_semaphore, #tpu.memory_space<semaphore_mem>>)
    %add3A_197 = arith.constant 80 : i32
    %add3A_198 = arith.addi %add3A_53, %add3A_197 : i32
    %dma_start3A_199 = tpu.memref_slice %arg4[%add3A_198] : memref<320000xi32, #tpu.memory_space<hbm>> -> memref<40xi32, #tpu.memory_space<hbm>>
    %dma_start3A_200 = tpu.memref_slice %arg4[%add3A_198] : memref<320000xi32, #tpu.memory_space<hbm>> -> memref<40xi32, #tpu.memory_space<hbm>>
    tpu.enqueue_dma source(%dma_start3A_200 : memref<40xi32, #tpu.memory_space<hbm>>) target(%arg15 : memref<40xi32, #tpu.memory_space<vmem>>) target_semaphore(%arg27 : memref<!tpu.dma_semaphore, #tpu.memory_space<semaphore_mem>>)
    %add3A_201 = arith.constant 120 : i32
    %add3A_202 = arith.addi %add3A_53, %add3A_201 : i32
    %dma_start3A_203 = tpu.memref_slice %arg4[%add3A_202] : memref<320000xi32, #tpu.memory_space<hbm>> -> memref<40xi32, #tpu.memory_space<hbm>>
    %dma_start3A_204 = tpu.memref_slice %arg4[%add3A_202] : memref<320000xi32, #tpu.memory_space<hbm>> -> memref<40xi32, #tpu.memory_space<hbm>>
    tpu.enqueue_dma source(%dma_start3A_204 : memref<40xi32, #tpu.memory_space<hbm>>) target(%arg16 : memref<40xi32, #tpu.memory_space<vmem>>) target_semaphore(%arg28 : memref<!tpu.dma_semaphore, #tpu.memory_space<semaphore_mem>>)
    %dma_wait3A_205 = tpu.memref_slice %arg4[%add3A_190] : memref<320000xi32, #tpu.memory_space<hbm>> -> memref<40xi32, #tpu.memory_space<hbm>>
    %dma_wait3A_206 = tpu.memref_slice %arg4[%add3A_190] : memref<320000xi32, #tpu.memory_space<hbm>> -> memref<40xi32, #tpu.memory_space<hbm>>
    tpu.wait_dma2 semaphore(%arg25 : memref<!tpu.dma_semaphore, #tpu.memory_space<semaphore_mem>>) src(%dma_wait3A_206 : memref<40xi32, #tpu.memory_space<hbm>>) dst(%arg13 : memref<40xi32, #tpu.memory_space<vmem>>)
    %dma_start3A_207 = arith.constant 0 : i32
    %dma_start3A_208 = arith.constant 0 : i32
    %dma_start3A_209 = tpu.memref_slice %arg43[%dma_start3A_207, %dma_start3A_208] : memref<10240x128xf32, #tpu.memory_space<vmem_shared>> -> memref<10240x128xf32, #tpu.memory_space<vmem_shared>>
    tpu.enqueue_indirect_dma source(%arg19 : memref<40x128xf32, #tpu.memory_space<vmem>>) target(%dma_start3A_209 : memref<10240x128xf32, #tpu.memory_space<vmem_shared>>) offsets(%arg13 : memref<40xi32, #tpu.memory_space<vmem>>) semaphore(%arg37 : memref<!tpu.dma_semaphore, #tpu.memory_space<semaphore_mem>>) {add = true}
    %dma_wait3A_210 = tpu.memref_slice %arg4[%add3A_194] : memref<320000xi32, #tpu.memory_space<hbm>> -> memref<40xi32, #tpu.memory_space<hbm>>
    %dma_wait3A_211 = tpu.memref_slice %arg4[%add3A_194] : memref<320000xi32, #tpu.memory_space<hbm>> -> memref<40xi32, #tpu.memory_space<hbm>>
    tpu.wait_dma2 semaphore(%arg26 : memref<!tpu.dma_semaphore, #tpu.memory_space<semaphore_mem>>) src(%dma_wait3A_211 : memref<40xi32, #tpu.memory_space<hbm>>) dst(%arg14 : memref<40xi32, #tpu.memory_space<vmem>>)
    %dma_start3A_212 = arith.constant 0 : i32
    %dma_start3A_213 = arith.constant 0 : i32
    %dma_start3A_214 = tpu.memref_slice %arg43[%dma_start3A_212, %dma_start3A_213] : memref<10240x128xf32, #tpu.memory_space<vmem_shared>> -> memref<10240x128xf32, #tpu.memory_space<vmem_shared>>
    tpu.enqueue_indirect_dma source(%arg19 : memref<40x128xf32, #tpu.memory_space<vmem>>) target(%dma_start3A_214 : memref<10240x128xf32, #tpu.memory_space<vmem_shared>>) offsets(%arg14 : memref<40xi32, #tpu.memory_space<vmem>>) semaphore(%arg38 : memref<!tpu.dma_semaphore, #tpu.memory_space<semaphore_mem>>) {add = true}
    %dma_wait3A_215 = tpu.memref_slice %arg4[%add3A_198] : memref<320000xi32, #tpu.memory_space<hbm>> -> memref<40xi32, #tpu.memory_space<hbm>>
    %dma_wait3A_216 = tpu.memref_slice %arg4[%add3A_198] : memref<320000xi32, #tpu.memory_space<hbm>> -> memref<40xi32, #tpu.memory_space<hbm>>
    tpu.wait_dma2 semaphore(%arg27 : memref<!tpu.dma_semaphore, #tpu.memory_space<semaphore_mem>>) src(%dma_wait3A_216 : memref<40xi32, #tpu.memory_space<hbm>>) dst(%arg15 : memref<40xi32, #tpu.memory_space<vmem>>)
    %dma_start3A_217 = arith.constant 0 : i32
    %dma_start3A_218 = arith.constant 0 : i32
    %dma_start3A_219 = tpu.memref_slice %arg43[%dma_start3A_217, %dma_start3A_218] : memref<10240x128xf32, #tpu.memory_space<vmem_shared>> -> memref<10240x128xf32, #tpu.memory_space<vmem_shared>>
    tpu.enqueue_indirect_dma source(%arg19 : memref<40x128xf32, #tpu.memory_space<vmem>>) target(%dma_start3A_219 : memref<10240x128xf32, #tpu.memory_space<vmem_shared>>) offsets(%arg15 : memref<40xi32, #tpu.memory_space<vmem>>) semaphore(%arg39 : memref<!tpu.dma_semaphore, #tpu.memory_space<semaphore_mem>>) {add = true}
    %dma_wait3A_220 = tpu.memref_slice %arg4[%add3A_202] : memref<320000xi32, #tpu.memory_space<hbm>> -> memref<40xi32, #tpu.memory_space<hbm>>
    %dma_wait3A_221 = tpu.memref_slice %arg4[%add3A_202] : memref<320000xi32, #tpu.memory_space<hbm>> -> memref<40xi32, #tpu.memory_space<hbm>>
    tpu.wait_dma2 semaphore(%arg28 : memref<!tpu.dma_semaphore, #tpu.memory_space<semaphore_mem>>) src(%dma_wait3A_221 : memref<40xi32, #tpu.memory_space<hbm>>) dst(%arg16 : memref<40xi32, #tpu.memory_space<vmem>>)
    %dma_start3A_222 = arith.constant 0 : i32
    %dma_start3A_223 = arith.constant 0 : i32
    %dma_start3A_224 = tpu.memref_slice %arg43[%dma_start3A_222, %dma_start3A_223] : memref<10240x128xf32, #tpu.memory_space<vmem_shared>> -> memref<10240x128xf32, #tpu.memory_space<vmem_shared>>
    tpu.enqueue_indirect_dma source(%arg19 : memref<40x128xf32, #tpu.memory_space<vmem>>) target(%dma_start3A_224 : memref<10240x128xf32, #tpu.memory_space<vmem_shared>>) offsets(%arg16 : memref<40xi32, #tpu.memory_space<vmem>>) semaphore(%arg40 : memref<!tpu.dma_semaphore, #tpu.memory_space<semaphore_mem>>) {add = true}
    %dma_wait3A_225 = arith.constant 0 : i32
    %dma_wait3A_226 = arith.constant 0 : i32
    %dma_wait3A_227 = tpu.memref_slice %arg43[%dma_wait3A_225, %dma_wait3A_226] : memref<10240x128xf32, #tpu.memory_space<vmem_shared>> -> memref<10240x128xf32, #tpu.memory_space<vmem_shared>>
    tpu.wait_indirect_dma semaphore(%arg37 : memref<!tpu.dma_semaphore, #tpu.memory_space<semaphore_mem>>) src(%arg19 : memref<40x128xf32, #tpu.memory_space<vmem>>) dst(%dma_wait3A_227 : memref<10240x128xf32, #tpu.memory_space<vmem_shared>>)
    %dma_wait3A_228 = arith.constant 0 : i32
    %dma_wait3A_229 = arith.constant 0 : i32
    %dma_wait3A_230 = tpu.memref_slice %arg43[%dma_wait3A_228, %dma_wait3A_229] : memref<10240x128xf32, #tpu.memory_space<vmem_shared>> -> memref<10240x128xf32, #tpu.memory_space<vmem_shared>>
    tpu.wait_indirect_dma semaphore(%arg38 : memref<!tpu.dma_semaphore, #tpu.memory_space<semaphore_mem>>) src(%arg19 : memref<40x128xf32, #tpu.memory_space<vmem>>) dst(%dma_wait3A_230 : memref<10240x128xf32, #tpu.memory_space<vmem_shared>>)
    %dma_wait3A_231 = arith.constant 0 : i32
    %dma_wait3A_232 = arith.constant 0 : i32
    %dma_wait3A_233 = tpu.memref_slice %arg43[%dma_wait3A_231, %dma_wait3A_232] : memref<10240x128xf32, #tpu.memory_space<vmem_shared>> -> memref<10240x128xf32, #tpu.memory_space<vmem_shared>>
    tpu.wait_indirect_dma semaphore(%arg39 : memref<!tpu.dma_semaphore, #tpu.memory_space<semaphore_mem>>) src(%arg19 : memref<40x128xf32, #tpu.memory_space<vmem>>) dst(%dma_wait3A_233 : memref<10240x128xf32, #tpu.memory_space<vmem_shared>>)
    %dma_wait3A_234 = arith.constant 0 : i32
    %dma_wait3A_235 = arith.constant 0 : i32
    %dma_wait3A_236 = tpu.memref_slice %arg43[%dma_wait3A_234, %dma_wait3A_235] : memref<10240x128xf32, #tpu.memory_space<vmem_shared>> -> memref<10240x128xf32, #tpu.memory_space<vmem_shared>>
    tpu.wait_indirect_dma semaphore(%arg40 : memref<!tpu.dma_semaphore, #tpu.memory_space<semaphore_mem>>) src(%arg19 : memref<40x128xf32, #tpu.memory_space<vmem>>) dst(%dma_wait3A_236 : memref<10240x128xf32, #tpu.memory_space<vmem_shared>>)
    %barrier3A_237 = arith.constant 0 : index
    tpu.barrier barrier_id(%barrier3A_237)
    "tpu.region"() ({
      %run_scoped3A = tpu.sem_alloc : memref<!tpu.dma_semaphore, #tpu.memory_space<semaphore_mem>>
      %dma_start3A_238 = arith.constant 0 : i32
      %dma_start3A_239 = tpu.memref_slice %arg6[%add3A_7, %dma_start3A_238] : memref<20480x128xf32, #tpu.memory_space<hbm>> -> memref<640x128xf32, #tpu.memory_space<hbm>>
      %dma_start3A_240 = arith.constant 0 : i32
      %dma_start3A_241 = tpu.memref_slice %arg43[%mul3A_4, %dma_start3A_240] : memref<10240x128xf32, #tpu.memory_space<vmem_shared>> -> memref<640x128xf32, #tpu.memory_space<vmem_shared>>
      tpu.enqueue_dma source(%dma_start3A_241 : memref<640x128xf32, #tpu.memory_space<vmem_shared>>) target(%dma_start3A_239 : memref<640x128xf32, #tpu.memory_space<hbm>>) target_semaphore(%run_scoped3A : memref<!tpu.dma_semaphore, #tpu.memory_space<semaphore_mem>>)
      %dma_wait3A_242 = arith.constant 0 : i32
      %dma_wait3A_243 = tpu.memref_slice %arg6[%add3A_7, %dma_wait3A_242] : memref<20480x128xf32, #tpu.memory_space<hbm>> -> memref<640x128xf32, #tpu.memory_space<hbm>>
      %dma_wait3A_244 = arith.constant 0 : i32
      %dma_wait3A_245 = tpu.memref_slice %arg43[%mul3A_4, %dma_wait3A_244] : memref<10240x128xf32, #tpu.memory_space<vmem_shared>> -> memref<640x128xf32, #tpu.memory_space<vmem_shared>>
      tpu.wait_dma2 semaphore(%run_scoped3A : memref<!tpu.dma_semaphore, #tpu.memory_space<semaphore_mem>>) src(%dma_wait3A_245 : memref<640x128xf32, #tpu.memory_space<vmem_shared>>) dst(%dma_wait3A_243 : memref<640x128xf32, #tpu.memory_space<hbm>>)
      tpu.yield
    }) : () -> ()
    return
  }
}

module attributes {stable_mosaic.version = 14 : i64} {
  func.func @_tc_body(%arg0: i32, %arg1: memref<1024x128xf32, #tpu.memory_space<vmem>>, %arg2: memref<2x1024x128xf32, #tpu.memory_space<vmem>>, %arg3: memref<2x1024x128xf32, #tpu.memory_space<vmem>>, %arg4: memref<128x128xf32, #tpu.memory_space<vmem>>, %arg5: memref<1x128xf32, #tpu.memory_space<vmem>>, %arg6: memref<128x128xf32, #tpu.memory_space<vmem>>, %arg7: memref<1x128xf32, #tpu.memory_space<vmem>>, %arg8: memref<1x128xf32, #tpu.memory_space<vmem>>, %arg9: memref<1x128xf32, #tpu.memory_space<vmem>>, %arg10: memref<1x128xf32, #tpu.memory_space<vmem>>, %arg11: memref<1024x128xf32, #tpu.memory_space<vmem>>) attributes {dimension_semantics = [#tpu.dimension_semantics<arbitrary>], iteration_bounds = array<i64: 10>, scalar_prefetch = 0 : i64, scratch_operands = 0 : i64, tpu.core_type = #tpu.core_type<tc>, window_params = [{transform_indices = @transform_0, window_bounds = array<i64: 1024, 128>}, {transform_indices = @transform_1, window_bounds = array<i64: 2, 1024, 128>}, {transform_indices = @transform_2, window_bounds = array<i64: 2, 1024, 128>}, {pipeline_mode = #tpu.pipeline_mode<synchronous>, transform_indices = @transform_3, window_bounds = array<i64: 128, 128>}, {pipeline_mode = #tpu.pipeline_mode<synchronous>, transform_indices = @transform_4, window_bounds = array<i64: 1, 128>}, {pipeline_mode = #tpu.pipeline_mode<synchronous>, transform_indices = @transform_5, window_bounds = array<i64: 128, 128>}, {pipeline_mode = #tpu.pipeline_mode<synchronous>, transform_indices = @transform_6, window_bounds = array<i64: 1, 128>}, {pipeline_mode = #tpu.pipeline_mode<synchronous>, transform_indices = @transform_7, window_bounds = array<i64: 1, 128>}, {pipeline_mode = #tpu.pipeline_mode<synchronous>, transform_indices = @transform_8, window_bounds = array<i64: 1, 128>}, {pipeline_mode = #tpu.pipeline_mode<synchronous>, transform_indices = @transform_9, window_bounds = array<i64: 1, 128>}, {transform_indices = @transform_10, window_bounds = array<i64: 1024, 128>}]} {
    %get3A = arith.constant 0 : index
    %get3A_0 = arith.constant 0 : index
    %get3A_1 = arith.constant 0 : index
    %get3A_2 = vector.load %arg3[%get3A, %get3A_0, %get3A_1] : memref<2x1024x128xf32, #tpu.memory_space<vmem>>, vector<1x1024x1xf32>
    %get3A_3 = vector.shape_cast %get3A_2 : vector<1x1024x1xf32> to vector<1024x1xf32>
    %get3A_4 = arith.constant 1 : index
    %get3A_5 = arith.constant 0 : index
    %get3A_6 = arith.constant 0 : index
    %get3A_7 = vector.load %arg3[%get3A_4, %get3A_5, %get3A_6] : memref<2x1024x128xf32, #tpu.memory_space<vmem>>, vector<1x1024x1xf32>
    %get3A_8 = vector.shape_cast %get3A_7 : vector<1x1024x1xf32> to vector<1024x1xf32>
    %add3A = arith.addf %get3A_3, %get3A_8 : vector<1024x1xf32>
    %max3A = arith.constant 1.000000e+00 : f32
    %max3A_9 = vector.broadcast %max3A : f32 to vector<1024x1xf32>
    %max3A_10 = arith.maximumf %add3A, %max3A_9 : vector<1024x1xf32>
    %get3A_11 = arith.constant 0 : index
    %get3A_12 = arith.constant 0 : index
    %get3A_13 = arith.constant 0 : index
    %get3A_14 = vector.load %arg2[%get3A_11, %get3A_12, %get3A_13] : memref<2x1024x128xf32, #tpu.memory_space<vmem>>, vector<1x1024x128xf32>
    %get3A_15 = vector.shape_cast %get3A_14 : vector<1x1024x128xf32> to vector<1024x128xf32>
    %get3A_16 = arith.constant 1 : index
    %get3A_17 = arith.constant 0 : index
    %get3A_18 = arith.constant 0 : index
    %get3A_19 = vector.load %arg2[%get3A_16, %get3A_17, %get3A_18] : memref<2x1024x128xf32, #tpu.memory_space<vmem>>, vector<1x1024x128xf32>
    %get3A_20 = vector.shape_cast %get3A_19 : vector<1x1024x128xf32> to vector<1024x128xf32>
    %add3A_21 = arith.addf %get3A_15, %get3A_20 : vector<1024x128xf32>
    %div3A = vector.broadcast %max3A_10 : vector<1024x1xf32> to vector<1024x128xf32>
    %div3A_22 = arith.divf %add3A_21, %div3A : vector<1024x128xf32>
    %get3A_23 = arith.constant 0 : index
    %get3A_24 = arith.constant 0 : index
    %get3A_25 = vector.load %arg1[%get3A_23, %get3A_24] : memref<1024x128xf32, #tpu.memory_space<vmem>>, vector<1024x128xf32>
    %get3A_26 = arith.constant 0 : index
    %get3A_27 = arith.constant 0 : index
    %get3A_28 = vector.load %arg4[%get3A_26, %get3A_27] : memref<128x128xf32, #tpu.memory_space<vmem>>, vector<128x128xf32>
    %dot_general3A = arith.constant dense<0.000000e+00> : vector<1024x128xf32>
    %dot_general3A_29 = tpu.matmul %div3A_22, %get3A_28, %dot_general3A {dimension_numbers = #tpu.dot_dimension_numbers<[1], [1], [0], [0], [0, 0, 1, 0], [], []>, transpose_lhs_hint = false} : vector<1024x128xf32>, vector<128x128xf32>, vector<1024x128xf32> -> vector<1024x128xf32>
    %get3A_30 = arith.constant 0 : index
    %get3A_31 = arith.constant 0 : index
    %get3A_32 = vector.load %arg5[%get3A_30, %get3A_31] : memref<1x128xf32, #tpu.memory_space<vmem>>, vector<1x128xf32>
    %add3A_33 = vector.broadcast %get3A_32 : vector<1x128xf32> to vector<1024x128xf32>
    %add3A_34 = arith.addf %dot_general3A_29, %add3A_33 : vector<1024x128xf32>
    %get3A_35 = arith.constant 0 : index
    %get3A_36 = arith.constant 0 : index
    %get3A_37 = vector.load %arg6[%get3A_35, %get3A_36] : memref<128x128xf32, #tpu.memory_space<vmem>>, vector<128x128xf32>
    %dot_general3A_38 = arith.constant dense<0.000000e+00> : vector<1024x128xf32>
    %dot_general3A_39 = tpu.matmul %get3A_25, %get3A_37, %dot_general3A_38 {dimension_numbers = #tpu.dot_dimension_numbers<[1], [1], [0], [0], [0, 0, 1, 0], [], []>, transpose_lhs_hint = false} : vector<1024x128xf32>, vector<128x128xf32>, vector<1024x128xf32> -> vector<1024x128xf32>
    %add3A_40 = arith.addf %add3A_34, %dot_general3A_39 : vector<1024x128xf32>
    %get3A_41 = arith.constant 0 : index
    %get3A_42 = arith.constant 0 : index
    %get3A_43 = vector.load %arg7[%get3A_41, %get3A_42] : memref<1x128xf32, #tpu.memory_space<vmem>>, vector<1x128xf32>
    %get3A_44 = arith.constant 0 : index
    %get3A_45 = arith.constant 0 : index
    %get3A_46 = vector.load %arg10[%get3A_44, %get3A_45] : memref<1x128xf32, #tpu.memory_space<vmem>>, vector<1x128xf32>
    %add3A_47 = arith.constant 9.99999974E-6 : f32
    %add3A_48 = vector.broadcast %add3A_47 : f32 to vector<1x128xf32>
    %add3A_49 = arith.addf %get3A_46, %add3A_48 : vector<1x128xf32>
    %rsqrt3A = math.rsqrt %add3A_49 : vector<1x128xf32>
    %mul3A = arith.mulf %get3A_43, %rsqrt3A : vector<1x128xf32>
    %get3A_50 = arith.constant 0 : index
    %get3A_51 = arith.constant 0 : index
    %get3A_52 = vector.load %arg8[%get3A_50, %get3A_51] : memref<1x128xf32, #tpu.memory_space<vmem>>, vector<1x128xf32>
    %get3A_53 = arith.constant 0 : index
    %get3A_54 = arith.constant 0 : index
    %get3A_55 = vector.load %arg9[%get3A_53, %get3A_54] : memref<1x128xf32, #tpu.memory_space<vmem>>, vector<1x128xf32>
    %mul3A_56 = arith.mulf %get3A_55, %mul3A : vector<1x128xf32>
    %sub3A = arith.subf %get3A_52, %mul3A_56 : vector<1x128xf32>
    %mul3A_57 = vector.broadcast %mul3A : vector<1x128xf32> to vector<1024x128xf32>
    %mul3A_58 = arith.mulf %add3A_40, %mul3A_57 : vector<1024x128xf32>
    %add3A_59 = vector.broadcast %sub3A : vector<1x128xf32> to vector<1024x128xf32>
    %add3A_60 = arith.addf %mul3A_58, %add3A_59 : vector<1024x128xf32>
    %max3A_61 = arith.constant 0.000000e+00 : f32
    %max3A_62 = vector.broadcast %max3A_61 : f32 to vector<1024x128xf32>
    %max3A_63 = arith.maximumf %add3A_60, %max3A_62 : vector<1024x128xf32>
    %add3A_64 = arith.addf %max3A_63, %get3A_25 : vector<1024x128xf32>
    %swap3A = arith.constant 0 : index
    %swap3A_65 = arith.constant 0 : index
    %swap3A_66 = vector.load %arg11[%swap3A, %swap3A_65] : memref<1024x128xf32, #tpu.memory_space<vmem>>, vector<1024x128xf32>
    tpu.vector_store %arg11[%swap3A, %swap3A_65], %add3A_64 {strides = array<i32>} : memref<1024x128xf32, #tpu.memory_space<vmem>>, vector<1024x128xf32>,
    return
  }
  func.func @transform_0(%arg0: i32) -> (i32, i32) {
    %c0_i32 = arith.constant 0 : i32
    %c0_i32_0 = arith.constant 0 : i32
    return %arg0, %c0_i32 : i32, i32
  }
  func.func @transform_1(%arg0: i32) -> (i32, i32, i32) {
    %c0_i32 = arith.constant 0 : i32
    %c0_i32_0 = arith.constant 0 : i32
    %c0_i32_1 = arith.constant 0 : i32
    return %c0_i32, %arg0, %c0_i32_0 : i32, i32, i32
  }
  func.func @transform_2(%arg0: i32) -> (i32, i32, i32) {
    %c0_i32 = arith.constant 0 : i32
    %c0_i32_0 = arith.constant 0 : i32
    %c0_i32_1 = arith.constant 0 : i32
    return %c0_i32, %arg0, %c0_i32_0 : i32, i32, i32
  }
  func.func @transform_3(%arg0: i32) -> (i32, i32) {
    %c0_i32 = arith.constant 0 : i32
    %c0_i32_0 = arith.constant 0 : i32
    %c0_i32_1 = arith.constant 0 : i32
    return %c0_i32, %c0_i32_0 : i32, i32
  }
  func.func @transform_4(%arg0: i32) -> (i32, i32) {
    %c0_i32 = arith.constant 0 : i32
    %c0_i32_0 = arith.constant 0 : i32
    %c0_i32_1 = arith.constant 0 : i32
    return %c0_i32, %c0_i32_0 : i32, i32
  }
  func.func @transform_5(%arg0: i32) -> (i32, i32) {
    %c0_i32 = arith.constant 0 : i32
    %c0_i32_0 = arith.constant 0 : i32
    %c0_i32_1 = arith.constant 0 : i32
    return %c0_i32, %c0_i32_0 : i32, i32
  }
  func.func @transform_6(%arg0: i32) -> (i32, i32) {
    %c0_i32 = arith.constant 0 : i32
    %c0_i32_0 = arith.constant 0 : i32
    %c0_i32_1 = arith.constant 0 : i32
    return %c0_i32, %c0_i32_0 : i32, i32
  }
  func.func @transform_7(%arg0: i32) -> (i32, i32) {
    %c0_i32 = arith.constant 0 : i32
    %c0_i32_0 = arith.constant 0 : i32
    %c0_i32_1 = arith.constant 0 : i32
    return %c0_i32, %c0_i32_0 : i32, i32
  }
  func.func @transform_8(%arg0: i32) -> (i32, i32) {
    %c0_i32 = arith.constant 0 : i32
    %c0_i32_0 = arith.constant 0 : i32
    %c0_i32_1 = arith.constant 0 : i32
    return %c0_i32, %c0_i32_0 : i32, i32
  }
  func.func @transform_9(%arg0: i32) -> (i32, i32) {
    %c0_i32 = arith.constant 0 : i32
    %c0_i32_0 = arith.constant 0 : i32
    %c0_i32_1 = arith.constant 0 : i32
    return %c0_i32, %c0_i32_0 : i32, i32
  }
  func.func @transform_10(%arg0: i32) -> (i32, i32) {
    %c0_i32 = arith.constant 0 : i32
    %c0_i32_0 = arith.constant 0 : i32
    return %arg0, %c0_i32 : i32, i32
  }
}

</mosaic_0001>

<sc_bundles>
// kernel: kernel.4.cloned.1.call-start
scs
__scs_entry_jumppad:
0x0: {  	(pc) =	sbr.rel $0x88, $3  }
0x1: {  	(tag) =	ssettag $0x0;
	lr =	simm.s32 $0x1  }
0x2: {  	[smem:$0x3F98] =	sst lr;
	_ =	strace $0xD0000000  }
0x3: {  	_ = 	snop  }
0x4: {  	_ = 	snop  }
0x5: {  	_ = 	snop  }
0x6: {  	_ = 	snop  }
0x7: {  	_ = 	snop  }
__scs_overlays_trampoline_lowered:
0x8: {  	[smem:$0x3FA7] =	sst s0  }
0x9: {  	[smem:$0x3FA8] =	sst s1  }
0xa: {  	[smem:$0x3FA9] =	sst s2  }
0xb: {  	[smem:$0x3FAA] =	sst s3  }
0xc: {  	[smem:$0x3FAB] =	sst s4  }
0xd: {  	[smem:$0x3FAC] =	sst s5  }
0xe: {  	[smem:$0x3FAD] =	sst s6  }
0xf: {  	[smem:$0x3FAE] =	sst s7  }
0x10: {  	[smem:$0x3FAF] =	sst s8  }
0x11: {  	[smem:$0x3FB0] =	sst s9;
	s0 =	simm.s32 @!p0 $0x0  }
0x12: {  	s1 =	sld [smem:$0x3F96];
	s0 =	simm.s32 @p0 $0x1  }
0x13: {  	[smem:$0x3FB1] =	sst s0;
	s0 =	simm.s32 @!p1 $0x0  }
0x14: {  	s2 =	sld [smem:$0x3F95];
	s0 =	simm.s32 @p1 $0x1  }
0x15: {  	[smem:$0x3FB2] =	sst s0;
	s0 =	simm.s32 @!p2 $0x0  }
0x16: {  	s3 =	sld [smem:$0x3FDB];
	s0 =	simm.s32 @p2 $0x1  }
0x17: {  	s4 =	simm.s32 $0x1BF5;
	[smem:$0x3FB4] =	sst s0  }
0x18: {  	s0 =	sld [smem:$0x3F97];
	_ =	swait.ge [sflag:s4], $0x0  }
0x19: {  	s7 =	sld [smem:$0x3F98]  }
0x1a: {  	s8 =	sadd.s32 $0xFFFFE003, lr  }
0x1b: {  	s9 =	sadd.s32 $0xFFFFFEF7, lr;
	s5 =	simm.s32 $0xFFFFFFFF;
	p2 =	slt.u32 s8, $0xFFFFF086  }
0x1c: {  	p1 =	slt.u32 s9, $0xF7A;
	s5 =	simm.s32 @!p2 $0x0  }
0x1d: {  	s5 =	simm.s32 @p1 $0x1;
	p0 =	seq.s32 s7, s2  }
0x1e: {  	s7 =	smul.u32 @!p0 $0xF7A, s2;
	p2 =	seq.s32 @!p0 s5, $0x0  }
0x1f: {  	s9 =	smul.u32 $0xF7A, s1;
	s8 =	simm.s32 @!p0 $0x1BF5;
	p2 =	por !p2, p0  }
0x20: {  	[sflag:s8] =	ssyncset.s32 @!p0 $0xFFFFF086;
	s6 =	sadd.s32 @!p0 s3, s7;
	s7 =	simm.s32 @!p0 $0x108  }
0x21: {  	s3 =	sadd.s32 s3, s9;
	s6 =	sadd.s32 @!p0 $0x88, s6;
	s7 =	simm.s32 @p2 $0x1082  }
0x22: {  	[simem:s7], [sflag:s8] =	dma.local @!p0 [hbm:s6], $0xF7A  }
0x23: {  	s9 =	sor.u32 $0xD0000000, s2;
	s6 =	simm.s32 $0x108;
	_ =	swait.ge @!p0 [sflag:s8], $0x0  }
0x24: {  	s3 =	sadd.s32 $0x88, s3;
	s6 =	simm.s32 @!p1 $0x1082;
	[sflag:s4] =	ssyncset.s32 $0xFFFFF086  }
0x25: {  	[simem:s6], [sflag:s4] =	dma.local [hbm:s3], $0xF7A  }
0x26: {  	[smem:$0x3F98] =	sst s1;
	(tag) =	ssettag s2;
	_ =	strace s9  }
0x27: {  	s1 =	sld [smem:$0x3FA8]  }
0x28: {  	s2 =	sld [smem:$0x3FA9]  }
0x29: {  	s4 =	sld [smem:$0x3FAB]  }
0x2a: {  	p0 =	seq.s32 s5, $0x0;
	s5 =	sld [smem:$0x3FAC]  }
0x2b: {  	s6 =	sld [smem:$0x3FAD]  }
0x2c: {  	s7 =	sld [smem:$0x3FAE]  }
0x2d: {  	s3 =	simm.s32 $0x108;
	s8 =	sld [smem:$0x3FAF]  }
0x2e: {  	s3 =	simm.s32 @!p0 $0x1082;
	s9 =	sld [smem:$0x3FB0]  }
0x2f: {  	lr =	sadd.s32 s0, s3;
	s0 =	sld [smem:$0x3FA7]  }
0x30: {  	s3 =	sld [smem:$0x3FAA]  }
0x31: {  	[smem:$0x3FB3] =	sst s10  }
0x32: {  	s10 =	sld [smem:$0x3FB1];
	_ =	sdelay $0x3  }
0x33: {  	p0 =	seq.s32 s10, $0x1;
	s10 =	sld [smem:$0x3FB3];
	_ =	sdelay $0x3  }
0x34: {  	[smem:$0x3FB3] =	sst s10  }
0x35: {  	s10 =	sld [smem:$0x3FB2];
	_ =	sdelay $0x3  }
0x36: {  	p1 =	seq.s32 s10, $0x1;
	s10 =	sld [smem:$0x3FB3];
	_ =	sdelay $0x3  }
0x37: {  	[smem:$0x3FB3] =	sst s10  }
0x38: {  	s10 =	sld [smem:$0x3FB4]  }
0x39: {  	_ = 	snop;
	(pc) =	sbr.ind lr, $3  }
0x3a: {  	_ = 	snop  }
0x3b: {  	_ = 	snop  }
0x3c: {  	p2 =	seq.s32 s10, $0x1;
	s10 =	sld [smem:$0x3FB3]  }
0x3d: {  	_ =	shalt  }
0x3e: {  	_ =	shalt  }
0x3f: {  	_ =	shalt  }
0x40: {  	_ =	shalt  }
0x41: {  	_ =	shalt  }
0x42: {  	_ =	shalt  }
0x43: {  	_ =	shalt  }
0x44: {  	_ =	shalt  }
0x45: {  	_ =	shalt  }
0x46: {  	_ =	shalt  }
0x47: {  	_ =	shalt  }
0x48: {  	_ =	shalt  }
0x49: {  	_ =	shalt  }
0x4a: {  	_ =	shalt  }
0x4b: {  	_ =	shalt  }
0x4c: {  	_ =	shalt  }
0x4d: {  	_ =	shalt  }
0x4e: {  	_ =	shalt  }
0x4f: {  	_ =	shalt  }
0x50: {  	_ =	shalt  }
0x51: {  	_ =	shalt  }
0x52: {  	_ =	shalt  }
0x53: {  	_ =	shalt  }
0x54: {  	_ =	shalt  }
0x55: {  	_ =	shalt  }
0x56: {  	_ =	shalt  }
0x57: {  	_ =	shalt  }
0x58: {  	_ =	shalt  }
0x59: {  	_ =	shalt  }
0x5a: {  	_ =	shalt  }
0x5b: {  	_ =	shalt  }
0x5c: {  	_ =	shalt  }
0x5d: {  	_ =	shalt  }
0x5e: {  	_ =	shalt  }
0x5f: {  	_ =	shalt  }
0x60: {  	_ =	shalt  }
0x61: {  	_ =	shalt  }
0x62: {  	_ =	shalt  }
0x63: {  	_ =	shalt  }
0x64: {  	_ =	shalt  }
0x65: {  	_ =	shalt  }
0x66: {  	_ =	shalt  }
0x67: {  	_ =	shalt  }
0x68: {  	_ =	shalt  }
0x69: {  	_ =	shalt  }
0x6a: {  	_ =	shalt  }
0x6b: {  	_ =	shalt  }
0x6c: {  	_ =	shalt  }
0x6d: {  	_ =	shalt  }
0x6e: {  	_ =	shalt  }
0x6f: {  	_ =	shalt  }
0x70: {  	_ =	shalt  }
0x71: {  	_ =	shalt  }
0x72: {  	_ =	shalt  }
0x73: {  	_ =	shalt  }
0x74: {  	_ =	shalt  }
0x75: {  	_ =	shalt  }
0x76: {  	_ =	shalt  }
0x77: {  	_ =	shalt  }
0x78: {  	_ =	shalt  }
0x79: {  	_ =	shalt  }
0x7a: {  	_ =	shalt  }
0x7b: {  	_ =	shalt  }
0x7c: {  	_ =	shalt  }
0x7d: {  	_ =	shalt  }
0x7e: {  	_ =	shalt  }
0x7f: {  	_ =	shalt  }
0x80: {  	_ =	shalt  }
0x81: {  	_ =	shalt  }
0x82: {  	_ =	shalt  }
0x83: {  	_ =	shalt  }
0x84: {  	_ =	shalt  }
0x85: {  	_ =	shalt  }
0x86: {  	_ =	shalt  }
0x87: {  	_ =	shalt  }
.Lfunc_end0:
.L_simem_size_0:
called_computation_lowered:
.L_overlay_start_0:
0x88: {  	s2 =	sld [smem:$0x3FD9]  }
0x89: {  	s3 =	sld [smem:$0x3FFE];
	_ =	sdelay $0x1  }
0x8a: {  	s1 =	srdreg.scid  }
0x8b: {  	s0 =	sand.u32 $0x1, s1  }
0x8c: {  	s17 =	sshll.u32 s0, $0xA;
	s2 =	sadd.s32 s3, s2  }
0x8d: {  	s2 =	sadd.s32 s2, s17  }
0x8e: {  	[smem:$0x3FBF] =	sst s2  }
0x8f: {  	_ = 	snop  }
0x90: {  	s2 =	sld [smem:$0x3FC9]  }
0x91: {  	s18 =	sld [smem:$0x3FD0];
	(tm) =	ssettm $0x1  }
0x92: {  	s4 =	sld [smem:$0x3FFB];
	_ =	sdelay $0x3  }
0x93: {  	_ =	strace s4  }
0x94: {  	s4 =	sld [smem:$0x3FFC];
	_ =	sdelay $0x3  }
0x95: {  	_ =	strace s4  }
0x96: {  	s4 =	sld [smem:$0x3FFD];
	_ =	sdelay $0x3  }
0x97: {  	_ =	strace s4  }
0x98: {  	_ =	strace $0x8FFFFFFF  }
0x99: {  	s19 =	sld [smem:$0x3FDB];
	_ =	sdelay $0x1  }
0x9a: {  	s5 =	simm.s32 $_scs_section_size  }
0x9b: {  	s6 =	simm.s32 $_size__tile_overlayer_lowered;
	s7 =	simm.s32 $_tile_overlayer_lowered  }
0x9c: {  	s22 =	simm.s32 $0x1BFF;
	s21 =	sshll.u32 s7, $0x1;
	s4 =	sadd.s32 s5, s19  }
0x9d: {  	s8 =	simm.s32 $0x0;
	s20 =	sshll.u32 s6, $0x1;
	s6 =	sadd.s32 s21, s4  }
0x9e: {  	[timem:s8], [sflag:s22] =	dma.local [hbm:s6], s20  }
0x9f: {  	_ =	swait.ge [sflag:s22], s20  }
0xa0: {  	s5 =	ssub.s32 $0x0, s20;
	[sflag:s22] =	ssyncset.done $0x0  }
0xa1: {  	[sflag:s22] =	ssyncadd.s32 s5;
	_ =	sdelay $0x1  }
0xa2: {  	s23 =	simm.s32 $0x1B8B  }
0xa3: {  	_ =	swait.ge [sflag:s23], $0x1  }
0xa4: {  	[sflag:s23] =	ssyncset.done $0x0  }
0xa5: {  	s25 =	simm.s32 $0x1B8E;
	s24 =	sld [smem:$0x3FFE];
	[sflag:s23] =	ssyncadd.s32 $0xFFFFFFFF  }
0xa6: {  	s26 =	simm.s32 $execute0_lowered;
	[smem:$0x3FD2] =	sst s25  }
0xa7: {  	s6 =	sshll.u32 s26, $0x1;
	_ =	strace $0x80000046;
	[dreg:$0x1] =	wrdreg $0xFFFFFFFF  }
0xa8: {  	s28 =	simm.s32 $_size_execute0_lowered;
	s4 =	sadd.s32 s4, s6;
	[dreg:$0x0] =	wrdreg $0x0  }
0xa9: {  	s6 =	sshll.u32 s28, $0x1;
	[dreg:$0x2] =	wrdreg s4  }
0xaa: {  	[dreg:$0x3] =	wrdreg s6  }
0xab: {  	[dreg:$0x4] =	wrdreg $0xC0  }
0xac: {  	_ =	task [dreg:s8], $0x5FFFF  }
0xad: {  	[dreg:$0x1] =	wrdreg $0xFFFFFFFF  }
0xae: {  	[dreg:$0x0] =	wrdreg $0x60  }
0xaf: {  	[dreg:$0x2] =	wrdreg s2  }
0xb0: {  	[dreg:$0x3] =	wrdreg s24  }
0xb1: {  	[dreg:$0x4] =	wrdreg s18  }
0xb2: {  	[dreg:$0x5] =	wrdreg $0x7E000  }
0xb3: {  	[dreg:$0x6] =	wrdreg $0x9  }
0xb4: {  	_ =	task.clear_ibuf [dreg:s8], $0x7FFFF;
	_ =	strace $0x90000046  }
0xb5: {  	s29 =	simm.s32 $0x9;
	_ =	strace $0x80000048  }
0xb6: {  	_ =	swait.ge [sflag:s29], $0x1  }
0xb7: {  	[sflag:s29] =	ssyncadd.s32 $0xFFFFFFFF  }
0xb8: {  	_ =	strace $0x90000048  }
0xb9: {  	_ =	sfence  }
0xba: {  	s30 =	sld [smem:$0x0];
	_ =	sdelay $0x2  }
0xbb: {  	s31 =	sshll.u32 s1, $0xD;
	s1 =	sshrl.u32 s1, $0x2  }
0xbc: {  	s3 =	sand.u32 $0x4000, s31;
	s1 =	sadd.s32 s1, s30  }
0xbd: {  	s0 =	sor.u32 s3, s0;
	s1 =	sshll.u32 s1, $0x11  }
0xbe: {  	s0 =	sor.u32 s1, s0  }
0xbf: {  	s0 =	sadd.s32 $0x8F2B, s0  }
0xc0: {  	[sflag:s0] =	ssyncadd.remote.s32 $0x1  }
0xc1: {  	_ =	sfence.sel $0xFFFF  }
0xc2: {  	[dreg:$0x0] =	wrdreg $0xFFFFFFFF;
	(pc) =	sbr.abs _section_cstart, $3  }
0xc3: {  	[dreg:$0x1] =	wrdreg $0xFFFFFFFF  }
0xc4: {  	_ =	task.clear_ibuf [dreg:s8], $0x2FFFF;
	_ =	strace $0x9FFFFFFF  }
0xc5: {  	(tm) =	ssettm $0x7FFFFFFF  }
tec
execute0_lowered:
.L_overlay_start_1:
0x0: {  	(tag) =	ssettag $0x1  }
0x1: {  	s25 =	rddreg [dreg:$0x0]  }
0x2: {  	s2 =	rddreg [dreg:$0x1]  }
0x3: {  	s0 =	rddreg [dreg:$0x2];
	s12 =	stileid.u32  }
0x4: {  	s4 =	srdreg.scid;
	s6 =	smul.u32 $0x280, s12  }
0x5: {  	s3 =	rddreg [dreg:$0x3];
	s5 =	sand.u32 $0x1, s4;
	s21 =	smul.u32 $0x50000, s12  }
0x6: {  	s4 =	simm.s32 $0x0;
	s8 =	sadd.s32 $0x1800, s2;
	s7 =	smul.u32 $0x2800, s5  }
0x7: {  	[smem:$0x7FF] =	sst s4;
	s9 =	sshll.u32 s5, $0x4;
	s10 =	ssub.s32 $0x2, s5  }
0x8: {  	s5 =	smul.u32 $0x27100, s5;
	_ =	strace $0x80000047;
	s9 =	sor.u32 s12, s9  }
0x9: {  	s12 =	smul.u32 $0x2710, s12;
	s6 =	sadd.s32 s6, s7;
	s7 =	sshrl.u32 s21, $0x2  }
0xa: {  	s11 =	sshrl.u32 s10, $0x1;
	s9 =	smul.u32 $0x2710, s9;
	s16 =	sadd.s32 s7, s3  }
0xb: {  	s6 =	sshll.u32 s6, $0x4;
	s5 =	sadd.s32 s12, s5;
	s7 =	sadd.s32 $0x1400, s16  }
0xc: {  	s22 =	sadd.s32 $0x2800, s16;
	s23 =	sshrl.u32 s9, $0x3;
	[dreg:$0x11] =	wrdreg s16  }
0xd: {  	s26 =	sadd.s32 $0x2698, s9;
	s1 =	sshrl.u32 s5, $0x3;
	[dreg:$0x12] =	wrdreg s7  }
0xe: {  	s18 =	sadd.s32 $0xA0, s5;
	s12 =	sadd.s32 $0x8C00, s16;
	[dreg:$0x13] =	wrdreg s22  }
0xf: {  	s24 =	sadd.s32 $0x4CE, s23;
	s15 =	sadd.s32 s1, s8;
	[smem:$0x7F5] =	sst s12  }
0x10: {  	s29 =	sshrl.u32 s26, $0x3;
	s26 =	sadd.s32 $0x3C00, s16;
	[dreg:$0x5] =	wrdreg s15  }
0x11: {  	s19 =	sshrl.u32 s18, $0x3;
	s18 =	sadd.s32 s1, s0;
	[dreg:$0x1c] =	wrdreg s26  }
0x12: {  	s2 =	sadd.s32 s6, s2;
	s13 =	sadd.s32 s8, s24;
	[dreg:$0x10] =	wrdreg s18  }
0x13: {  	s6 =	ssub.s32 s10, s11;
	s10 =	sadd.s32 s0, s24;
	[dreg:$0x14] =	wrdreg s13  }
0x14: {  	s7 =	sadd.s32 $0x4D8, s23;
	s11 =	sadd.s32 s8, s29;
	[dreg:$0x15] =	wrdreg s10  }
0x15: {  	s9 =	sadd.s32 $0x26E8, s9;
	s14 =	sadd.s32 s8, s7;
	[dreg:$0x16] =	wrdreg s11  }
0x16: {  	s23 =	sshrl.u32 s9, $0x3;
	s7 =	sadd.s32 s0, s7;
	[dreg:$0x18] =	wrdreg s14  }
0x17: {  	s9 =	sadd.s32 s8, s23;
	[dreg:$0x19] =	wrdreg s7  }
0x18: {  	s10 =	sadd.s32 s0, s29;
	[dreg:$0x1a] =	wrdreg s9  }
0x19: {  	s14 =	sadd.s32 s19, s8;
	[dreg:$0x17] =	wrdreg s10  }
0x1a: {  	s7 =	sadd.s32 s0, s23;
	[dreg:$0x7] =	wrdreg s14  }
0x1b: {  	s29 =	sadd.s32 $0xB600, s2;
	[dreg:$0x1b] =	wrdreg s7  }
0x1c: {  	s15 =	sadd.s32 $0x50, s5;
	s23 =	sadd.s32 $0x10400, s16;
	[dreg:$0x1d] =	wrdreg s29  }
0x1d: {  	s15 =	sshrl.u32 s15, $0x3;
	s9 =	sadd.s32 s19, s0;
	[smem:$0x7FB] =	sst s23  }
0x1e: {  	s28 =	simm.s32 $0x80;
	s22 =	sadd.s32 s15, s8;
	[dreg:$0xb] =	wrdreg s9  }
0x1f: {  	s20 =	sadd.s32 $0x78, s5;
	s7 =	smax.u32 s6, $0x1;
	[dreg:$0x9] =	wrdreg s22  }
0x20: {  	s13 =	sadd.s32 $0xC8, s5;
	s10 =	sadd.s32 $0x6400, s16;
	[dreg:$0x1f] =	wrdreg s7  }
0x21: {  	s11 =	sshrl.u32 s13, $0x3;
	s14 =	sadd.s32 $0xB400, s16;
	[smem:$0x7F3] =	sst s10  }
0x22: {  	s13 =	sshrl.u32 s20, $0x3;
	s20 =	sadd.s32 $0xDC00, s16;
	[smem:$0x7F7] =	sst s14  }
0x23: {  	s30 =	simm.s32 $0x380;
	s29 =	sadd.s32 $0x12C00, s16;
	[smem:$0x7F9] =	sst s20  }
0x24: {  	s5 =	sadd.s32 $0x28, s5;
	s17 =	sadd.s32 s11, s8;
	[smem:$0x7FD] =	sst s29  }
0x25: {  	s5 =	sshrl.u32 s5, $0x3;
	s21 =	sadd.s32 s13, s8;
	[dreg:$0x6] =	wrdreg s17  }
0x26: {  	s31 =	simm.s32 $0x1;
	s24 =	sadd.s32 s5, s8;
	[dreg:$0x8] =	wrdreg s21  }
0x27: {  	s1 =	sadd.s32 s5, s0;
	s5 =	sadd.s32 $0x5B600, s2;
	[dreg:$0xa] =	wrdreg s24  }
0x28: {  	s12 =	simm.s32 $0x280;
	s8 =	sadd.s32 $0x5000, s16;
	[dreg:$0x1e] =	wrdreg s5  }
0x29: {  	s19 =	sadd.s32 s13, s0;
	s13 =	sadd.s32 $0xA000, s16;
	[smem:$0x7F2] =	sst s8  }
0x2a: {  	s22 =	sadd.s32 $0xF000, s16;
	s20 =	simm.s32 $0x1A00;
	[smem:$0x7F6] =	sst s13  }
0x2b: {  	s2 =	simm.s32 $0x28;
	s10 =	simm.s32 $0x3;
	[smem:$0x7FA] =	sst s22  }
0x2c: {  	s14 =	simm.s32 $0x4;
	s7 =	simm.s32 $0x6;
	[dreg:$0xc] =	wrdreg s19  }
0x2d: {  	s17 =	sadd.s32 s11, s0;
	s11 =	sadd.s32 $0x7800, s16;
	[dreg:$0xe] =	wrdreg s1  }
0x2e: {  	s21 =	sadd.s32 s15, s0;
	s15 =	sadd.s32 $0xC800, s16;
	[smem:$0x7F4] =	sst s11  }
0x2f: {  	s24 =	sadd.s32 $0x11800, s16;
	s13 =	simm.s32 $0x13;
	[smem:$0x7F8] =	sst s15  }
0x30: {  	s22 =	simm.s32 $0x200;
	s0 =	simm.s32 $0x600;
	[smem:$0x7FC] =	sst s24  }
0x31: {  	s8 =	simm.s32 $0x2;
	s5 =	simm.s32 $0x5;
	[dreg:$0xd] =	wrdreg s21  }
0x32: {  	v0 =	vimm.f32 $0.0e+00;
	v1 =	vimm.f32 $1.000000000e+00;
	s15 =	simm.s32 $0x300;
	s11 =	simm.s32 $0x0;
	[dreg:$0xf] =	wrdreg s17  }
.LBB2_1:
0x33: {  	s6 =	smov.u32 s21;
	s21 =	smov.u32 s9;
	s9 =	smov.u32 s1  }
0x34: {  	[smem:$0x7F1] =	sst s11;
	s23 =	simm.s32 $0x0;
	s24 =	simm.s32 $0x200  }
.LBB2_2:
0x35: {  	p0 =	sne.s32 s24, $0x4E00;
	[tilespmem:s23+$0x1A70] =	vst v0  }
0x36: {  	[tilespmem:s23+$0x1A00] =	vst v0  }
0x37: {  	[tilespmem:s23+$0x1A10] =	vst v0  }
.Ltmp0:
0x38: {  	[tilespmem:s23+$0x1A20] =	vst v0;
	(pc) =	sbr.rel @p0 .LBB2_2-.Ltmp0, $4  }
0x39: {  	[tilespmem:s23+$0x1A30] =	vst v0  }
0x3a: {  	[tilespmem:s23+$0x1A40] =	vst v0  }
0x3b: {  	[tilespmem:s23+$0x1A50] =	vst v0  }
0x3c: {  	[tilespmem:s23+$0x1A60] =	vst v0;
	s23 =	sshra.s32 s24, $0x2;
	s24 =	sadd.s32 $0x200, s24  }
0x3d: {  	[tilespmem:s23+$0x1A70] =	vst v0  }
0x3e: {  	[tilespmem:s23+$0x1A00] =	vst v0  }
0x3f: {  	[tilespmem:s23+$0x1A10] =	vst v0  }
0x40: {  	[tilespmem:s23+$0x1A20] =	vst v0  }
0x41: {  	[tilespmem:s23+$0x1A30] =	vst v0  }
0x42: {  	[tilespmem:s23+$0x1A40] =	vst v0  }
0x43: {  	[tilespmem:s23+$0x1A50] =	vst v0  }
0x44: {  	[tilespmem:s23+$0x1A60] =	vst v0;
	s16 =	rddreg [dreg:$0x11]  }
0x45: {  	[spmem:s16] =	stream.linear.scatter [tilespmem:s20], [sflag:$0x13], $0x1400, $0x38;
	[tilespmem:$0x1BE00] =	vst v63  }
0x46: {  	_ =	swait.ge [sflag:s13], $0x1400  }
0x47: {  	[sflag:s13] =	ssyncset.done $0x0  }
0x48: {  	s11 =	rddreg [dreg:$0x12];
	[sflag:s13] =	ssyncadd.s32 $0xFFFFEC00  }
0x49: {  	[spmem:s11] =	stream.linear.scatter [tilespmem:s20], [sflag:$0x13], $0x1400, $0x38;
	[tilespmem:$0x1BE00] =	vst v63  }
0x4a: {  	_ =	swait.ge [sflag:s13], $0x1400  }
0x4b: {  	[sflag:s13] =	ssyncset.done $0x0  }
0x4c: {  	s23 =	rddreg [dreg:$0x13];
	[sflag:s13] =	ssyncadd.s32 $0xFFFFEC00  }
0x4d: {  	[spmem:s23] =	stream.linear.scatter [tilespmem:s20], [sflag:$0x13], $0x1400, $0x38;
	[tilespmem:$0x1BE00] =	vst v63  }
0x4e: {  	_ =	swait.ge [sflag:s13], $0x1400  }
0x4f: {  	[sflag:s13] =	ssyncset.done $0x0  }
0x50: {  	[sflag:s13] =	ssyncadd.s32 $0xFFFFEC00  }
0x51: {  	[spmem:s26] =	stream.linear.scatter [tilespmem:s20], [sflag:$0x13], $0x1400, $0x38;
	[tilespmem:$0x1BE00] =	vst v63  }
0x52: {  	_ =	swait.ge [sflag:s13], $0x1400  }
0x53: {  	s24 =	sld [smem:$0x7F2]  }
0x54: {  	[sflag:s13] =	ssyncset.done $0x0  }
0x55: {  	s1 =	simm.s32 $0x13;
	[sflag:s13] =	ssyncadd.s32 $0xFFFFEC00  }
0x56: {  	[spmem:s24] =	stream.linear.scatter [tilespmem:s20], [sflag:$0x13], $0x1400, $0x38;
	[tilespmem:$0x1BE00] =	vst v63  }
0x57: {  	_ =	swait.ge [sflag:s1], $0x1400  }
0x58: {  	s26 =	sld [smem:$0x7F3]  }
0x59: {  	[sflag:s1] =	ssyncset.done $0x0  }
0x5a: {  	[sflag:s1] =	ssyncadd.s32 $0xFFFFEC00  }
0x5b: {  	[spmem:s26] =	stream.linear.scatter [tilespmem:s20], [sflag:$0x13], $0x1400, $0x38;
	[tilespmem:$0x1BE00] =	vst v63  }
0x5c: {  	_ =	swait.ge [sflag:s1], $0x1400  }
0x5d: {  	s11 =	sld [smem:$0x7F4]  }
0x5e: {  	[sflag:s1] =	ssyncset.done $0x0  }
0x5f: {  	[sflag:s1] =	ssyncadd.s32 $0xFFFFEC00  }
0x60: {  	[spmem:s11] =	stream.linear.scatter [tilespmem:s20], [sflag:$0x13], $0x1400, $0x38;
	[tilespmem:$0x1BE00] =	vst v63  }
0x61: {  	_ =	swait.ge [sflag:s1], $0x1400  }
0x62: {  	s16 =	sld [smem:$0x7F5]  }
0x63: {  	[sflag:s1] =	ssyncset.done $0x0  }
0x64: {  	[sflag:s1] =	ssyncadd.s32 $0xFFFFEC00  }
0x65: {  	[spmem:s16] =	stream.linear.scatter [tilespmem:s20], [sflag:$0x13], $0x1400, $0x38;
	[tilespmem:$0x1BE00] =	vst v63  }
0x66: {  	_ =	swait.ge [sflag:s1], $0x1400  }
0x67: {  	s23 =	sld [smem:$0x7F6]  }
0x68: {  	[sflag:s1] =	ssyncset.done $0x0  }
0x69: {  	[sflag:s1] =	ssyncadd.s32 $0xFFFFEC00  }
0x6a: {  	[spmem:s23] =	stream.linear.scatter [tilespmem:s20], [sflag:$0x13], $0x1400, $0x38;
	[tilespmem:$0x1BE00] =	vst v63  }
0x6b: {  	_ =	swait.ge [sflag:s1], $0x1400  }
0x6c: {  	s24 =	sld [smem:$0x7F7]  }
0x6d: {  	[sflag:s1] =	ssyncset.done $0x0  }
0x6e: {  	[sflag:s1] =	ssyncadd.s32 $0xFFFFEC00  }
0x6f: {  	[spmem:s24] =	stream.linear.scatter [tilespmem:s20], [sflag:$0x13], $0x1400, $0x38;
	[tilespmem:$0x1BE00] =	vst v63  }
0x70: {  	_ =	swait.ge [sflag:s1], $0x1400  }
0x71: {  	s26 =	sld [smem:$0x7F8]  }
0x72: {  	[sflag:s1] =	ssyncset.done $0x0  }
0x73: {  	[sflag:s1] =	ssyncadd.s32 $0xFFFFEC00  }
0x74: {  	[spmem:s26] =	stream.linear.scatter [tilespmem:s20], [sflag:$0x13], $0x1400, $0x38;
	[tilespmem:$0x1BE00] =	vst v63  }
0x75: {  	_ =	swait.ge [sflag:s1], $0x1400  }
0x76: {  	s11 =	sld [smem:$0x7F9]  }
0x77: {  	[sflag:s1] =	ssyncset.done $0x0  }
0x78: {  	[sflag:s1] =	ssyncadd.s32 $0xFFFFEC00  }
0x79: {  	[spmem:s11] =	stream.linear.scatter [tilespmem:s20], [sflag:$0x13], $0x1400, $0x38;
	[tilespmem:$0x1BE00] =	vst v63  }
0x7a: {  	_ =	swait.ge [sflag:s1], $0x1400  }
0x7b: {  	s16 =	sld [smem:$0x7FA]  }
0x7c: {  	[sflag:s1] =	ssyncset.done $0x0  }
0x7d: {  	[sflag:s1] =	ssyncadd.s32 $0xFFFFEC00  }
0x7e: {  	[spmem:s16] =	stream.linear.scatter [tilespmem:s20], [sflag:$0x13], $0x1400, $0x38;
	[tilespmem:$0x1BE00] =	vst v63  }
0x7f: {  	_ =	swait.ge [sflag:s1], $0x1400  }
0x80: {  	s23 =	sld [smem:$0x7FB]  }
0x81: {  	[sflag:s1] =	ssyncset.done $0x0  }
0x82: {  	[sflag:s1] =	ssyncadd.s32 $0xFFFFEC00  }
0x83: {  	[spmem:s23] =	stream.linear.scatter [tilespmem:s20], [sflag:$0x13], $0x1400, $0x38;
	[tilespmem:$0x1BE00] =	vst v63  }
0x84: {  	_ =	swait.ge [sflag:s1], $0x1400  }
0x85: {  	s24 =	sld [smem:$0x7FC]  }
0x86: {  	[sflag:s1] =	ssyncset.done $0x0  }
0x87: {  	[sflag:s1] =	ssyncadd.s32 $0xFFFFEC00  }
0x88: {  	[spmem:s24] =	stream.linear.scatter [tilespmem:s20], [sflag:$0x13], $0x1400, $0x38;
	[tilespmem:$0x1BE00] =	vst v63  }
0x89: {  	_ =	swait.ge [sflag:s1], $0x1400  }
0x8a: {  	s26 =	sld [smem:$0x7FD]  }
0x8b: {  	[sflag:s1] =	ssyncset.done $0x0  }
0x8c: {  	[sflag:s1] =	ssyncadd.s32 $0xFFFFEC00  }
0x8d: {  	[spmem:s26] =	stream.linear.scatter [tilespmem:s20], [sflag:$0x13], $0x1400, $0x38;
	[tilespmem:$0x1BE00] =	vst v63  }
0x8e: {  	_ =	swait.ge [sflag:s1], $0x1400  }
0x8f: {  	[sflag:s1] =	ssyncset.done $0x0  }
0x90: {  	[sflag:s1] =	ssyncadd.s32 $0xFFFFEC00  }
0x91: {  	[bflag:$0x0] =	sbarrier.arrive $0xFFFF  }
0x92: {  	s11 =	rddreg [dreg:$0x5]  }
0x93: {  	s16 =	sadd.s32 $0x0, s11  }
0x94: {  	[tilespmem:s4], [sflag:$0x1] =	stream.linear.gather [hbm4b:s16+s4], $0x28, $0x38;
	[tilespmem:$0x1BE00] =	vst v63  }
0x95: {  	s24 =	sadd.s32 $0x0, s18;
	s13 =	rddreg [dreg:$0xa]  }
0x96: {  	[tilespmem:s15], [sflag:$0x1] =	stream.linear.gather [hbm4b:s24+s4], $0x28, $0x38;
	[tilespmem:$0x1BE00] =	vst v63  }
0x97: {  	s26 =	sadd.s32 $0x0, s13  }
0x98: {  	[tilespmem:s28], [sflag:$0x2] =	stream.linear.gather [hbm4b:s26+s4], $0x28, $0x38;
	[tilespmem:$0x1BE00] =	vst v63  }
0x99: {  	s9 =	sadd.s32 $0x0, s9;
	s1 =	rddreg [dreg:$0x9]  }
0x9a: {  	[tilespmem:s30], [sflag:$0x2] =	stream.linear.gather [hbm4b:s9+s4], $0x28, $0x38;
	[tilespmem:$0x1BE00] =	vst v63  }
0x9b: {  	s11 =	sadd.s32 $0x0, s1;
	s24 =	simm.s32 $0x100  }
0x9c: {  	[tilespmem:s24], [sflag:$0x3] =	stream.linear.gather [hbm4b:s11+s4], $0x28, $0x38;
	[tilespmem:$0x1BE00] =	vst v63  }
0x9d: {  	s18 =	sadd.s32 $0x0, s6;
	s13 =	rddreg [dreg:$0x8];
	s11 =	simm.s32 $0x400  }
0x9e: {  	[tilespmem:s11], [sflag:$0x3] =	stream.linear.gather [hbm4b:s18+s4], $0x28, $0x38;
	[tilespmem:$0x1BE00] =	vst v63  }
0x9f: {  	s1 =	simm.s32 $0x180;
	s26 =	sadd.s32 $0x0, s13  }
0xa0: {  	[tilespmem:s1], [sflag:$0x4] =	stream.linear.gather [hbm4b:s26+s4], $0x28, $0x38;
	[tilespmem:$0x1BE00] =	vst v63  }
0xa1: {  	s29 =	simm.s32 $0x480;
	s6 =	rddreg [dreg:$0x7];
	s9 =	sadd.s32 $0x0, s19  }
0xa2: {  	[tilespmem:s29], [sflag:$0x4] =	stream.linear.gather [hbm4b:s9+s4], $0x28, $0x38;
	[tilespmem:$0x1BE00] =	vst v63  }
0xa3: {  	s13 =	sadd.s32 $0x0, s6  }
0xa4: {  	[tilespmem:s22], [sflag:$0x5] =	stream.linear.gather [hbm4b:s13+s4], $0x28, $0x38;
	[tilespmem:$0x1BE00] =	vst v63  }
0xa5: {  	s19 =	sadd.s32 $0x0, s21;
	s18 =	rddreg [dreg:$0x6];
	s26 =	simm.s32 $0x500  }
0xa6: {  	[tilespmem:s26], [sflag:$0x5] =	stream.linear.gather [hbm4b:s19+s4], $0x28, $0x38;
	[tilespmem:$0x1BE00] =	vst v63  }
0xa7: {  	s21 =	sadd.s32 $0x0, s18  }
0xa8: {  	[tilespmem:s12], [sflag:$0x6] =	stream.linear.gather [hbm4b:s21+s4], $0x28, $0x38;
	[tilespmem:$0x1BE00] =	vst v63  }
0xa9: {  	s23 =	sadd.s32 $0x0, s17;
	s13 =	simm.s32 $0x580  }
0xaa: {  	[tilespmem:s13], [sflag:$0x6] =	stream.linear.gather [hbm4b:s23+s4], $0x28, $0x38;
	[tilespmem:$0x1BE00] =	vst v63  }
0xab: {  	_ =	swait.ge [sflag:s31], $0x28  }
0xac: {  	[sflag:s31] =	ssyncset.done $0x0  }
0xad: {  	[sflag:s31] =	ssyncadd.s32 $0xFFFFFFD8  }
0xae: {  	_ =	swait.ge [sflag:s31], $0x28  }
0xaf: {  	[sflag:s31] =	ssyncset.done $0x0  }
0xb0: {  	[sflag:s31] =	ssyncadd.s32 $0xFFFFFFD8  }
0xb1: {  	[tilespmem:s0], [sflag:$0x7] =	stream.indirect.gather [hbm4b:s25+s2], $0x80, s4, s2, $0xb8;
	[tilespmem:$0x1BE00] =	vst v63  }
0xb2: {  	_ =	swait.ge [sflag:s8], $0x28  }
0xb3: {  	[sflag:s8] =	ssyncset.done $0x0  }
0xb4: {  	[sflag:s8] =	ssyncadd.s32 $0xFFFFFFD8  }
0xb5: {  	_ =	swait.ge [sflag:s8], $0x28  }
0xb6: {  	[sflag:s8] =	ssyncset.done $0x0  }
0xb7: {  	[sflag:s8] =	ssyncadd.s32 $0xFFFFFFD8  }
0xb8: {  	[tilespmem:s20], [sflag:$0x8] =	stream.indirect.gather [hbm4b:s25+s2], $0x80, s28, s2, $0xb8;
	[tilespmem:$0x1BE00] =	vst v63  }
0xb9: {  	_ =	swait.ge [sflag:s10], $0x28  }
0xba: {  	[sflag:s10] =	ssyncset.done $0x0  }
0xbb: {  	[sflag:s10] =	ssyncadd.s32 $0xFFFFFFD8  }
0xbc: {  	_ =	swait.ge [sflag:s10], $0x28  }
0xbd: {  	[sflag:s10] =	ssyncset.done $0x0  }
0xbe: {  	s28 =	simm.s32 $0x2E00;
	[sflag:s10] =	ssyncadd.s32 $0xFFFFFFD8  }
0xbf: {  	[tilespmem:s28], [sflag:$0x9] =	stream.indirect.gather [hbm4b:s25+s2], $0x80, s24, s2, $0xb8;
	[tilespmem:$0x1BE00] =	vst v63  }
0xc0: {  	_ =	swait.ge [sflag:s14], $0x28  }
0xc1: {  	[sflag:s14] =	ssyncset.done $0x0  }
0xc2: {  	[sflag:s14] =	ssyncadd.s32 $0xFFFFFFD8  }
0xc3: {  	_ =	swait.ge [sflag:s14], $0x28  }
0xc4: {  	[sflag:s14] =	ssyncset.done $0x0  }
0xc5: {  	s6 =	simm.s32 $0x4200;
	[sflag:s14] =	ssyncadd.s32 $0xFFFFFFD8  }
0xc6: {  	[tilespmem:s6], [sflag:$0xA] =	stream.indirect.gather [hbm4b:s25+s2], $0x80, s1, s2, $0xb8;
	[tilespmem:$0x1BE00] =	vst v63  }
0xc7: {  	_ =	swait.ge [sflag:s5], $0x28  }
0xc8: {  	[sflag:s5] =	ssyncset.done $0x0  }
0xc9: {  	[sflag:s5] =	ssyncadd.s32 $0xFFFFFFD8  }
0xca: {  	_ =	swait.ge [sflag:s5], $0x28  }
0xcb: {  	[sflag:s5] =	ssyncset.done $0x0  }
0xcc: {  	s9 =	simm.s32 $0x5600;
	[sflag:s5] =	ssyncadd.s32 $0xFFFFFFD8  }
0xcd: {  	[tilespmem:s9], [sflag:$0xB] =	stream.indirect.gather [hbm4b:s25+s2], $0x80, s22, s2, $0xb8;
	[tilespmem:$0x1BE00] =	vst v63  }
0xce: {  	_ =	swait.ge [sflag:s7], $0x28  }
0xcf: {  	[sflag:s7] =	ssyncset.done $0x0  }
0xd0: {  	[sflag:s7] =	ssyncadd.s32 $0xFFFFFFD8  }
0xd1: {  	_ =	swait.ge [sflag:s7], $0x28  }
0xd2: {  	[sflag:s7] =	ssyncset.done $0x0  }
0xd3: {  	s17 =	simm.s32 $0x6A00;
	s18 =	simm.s32 $0x7;
	[sflag:s7] =	ssyncadd.s32 $0xFFFFFFD8  }
0xd4: {  	[tilespmem:s17], [sflag:$0xC] =	stream.indirect.gather [hbm4b:s25+s2], $0x80, s12, s2, $0xb8;
	[tilespmem:$0x1BE00] =	vst v63  }
0xd5: {  	_ =	swait.ge [sflag:s18], $0x1400  }
0xd6: {  	[sflag:s18] =	ssyncset.done $0x0  }
0xd7: {  	s19 =	simm.s32 $0x8;
	[sflag:s18] =	ssyncadd.s32 $0xFFFFEC00  }
0xd8: {  	[spmem:s3] =	stream.indirect.scatter.add.f32 [tilespmem:s0], [sflag:$0xD], $0x80, s15, s2, $0xb8;
	[tilespmem:$0x1BE00] =	vst v63  }
0xd9: {  	_ =	swait.ge [sflag:s19], $0x1400  }
0xda: {  	[sflag:s19] =	ssyncset.done $0x0  }
0xdb: {  	[sflag:s19] =	ssyncadd.s32 $0xFFFFEC00  }
0xdc: {  	[spmem:s3] =	stream.indirect.scatter.add.f32 [tilespmem:s20], [sflag:$0xE], $0x80, s30, s2, $0xb8;
	[tilespmem:$0x1BE00] =	vst v63  }
0xdd: {  	s20 =	simm.s32 $0x9  }
0xde: {  	_ =	swait.ge [sflag:s20], $0x1400  }
0xdf: {  	[sflag:s20] =	ssyncset.done $0x0  }
0xe0: {  	s21 =	simm.s32 $0xA;
	[sflag:s20] =	ssyncadd.s32 $0xFFFFEC00  }
0xe1: {  	[spmem:s3] =	stream.indirect.scatter.add.f32 [tilespmem:s28], [sflag:$0xF], $0x80, s11, s2, $0xb8;
	[tilespmem:$0x1BE00] =	vst v63  }
0xe2: {  	_ =	swait.ge [sflag:s21], $0x1400  }
0xe3: {  	[sflag:s21] =	ssyncset.done $0x0  }
0xe4: {  	s15 =	simm.s32 $0xB;
	[sflag:s21] =	ssyncadd.s32 $0xFFFFEC00  }
0xe5: {  	[spmem:s3] =	stream.indirect.scatter.add.f32 [tilespmem:s6], [sflag:$0x10], $0x80, s29, s2, $0xb8;
	[tilespmem:$0x1BE00] =	vst v63  }
0xe6: {  	_ =	swait.ge [sflag:s15], $0x1400  }
0xe7: {  	[sflag:s15] =	ssyncset.done $0x0  }
0xe8: {  	s29 =	simm.s32 $0xC;
	[sflag:s15] =	ssyncadd.s32 $0xFFFFEC00  }
0xe9: {  	[spmem:s3] =	stream.indirect.scatter.add.f32 [tilespmem:s9], [sflag:$0x11], $0x80, s26, s2, $0xb8;
	[tilespmem:$0x1BE00] =	vst v63  }
0xea: {  	_ =	swait.ge [sflag:s29], $0x1400  }
0xeb: {  	[sflag:s29] =	ssyncset.done $0x0  }
0xec: {  	s1 =	smov.u32 s25;
	s25 =	simm.s32 $0xD;
	[sflag:s29] =	ssyncadd.s32 $0xFFFFEC00  }
0xed: {  	[spmem:s3] =	stream.indirect.scatter.add.f32 [tilespmem:s17], [sflag:$0x12], $0x80, s13, s2, $0xb8;
	[tilespmem:$0x1BE00] =	vst v63  }
0xee: {  	_ =	swait.ge [sflag:s25], $0x1400  }
0xef: {  	[sflag:s25] =	ssyncset.done $0x0  }
0xf0: {  	s26 =	simm.s32 $0xE;
	[sflag:s25] =	ssyncadd.s32 $0xFFFFEC00  }
0xf1: {  	_ =	swait.ge [sflag:s26], $0x1400  }
0xf2: {  	[sflag:s26] =	ssyncset.done $0x0  }
0xf3: {  	s28 =	simm.s32 $0xF;
	[sflag:s26] =	ssyncadd.s32 $0xFFFFEC00  }
0xf4: {  	_ =	swait.ge [sflag:s28], $0x1400  }
0xf5: {  	[sflag:s28] =	ssyncset.done $0x0  }
0xf6: {  	s30 =	simm.s32 $0x10;
	[sflag:s28] =	ssyncadd.s32 $0xFFFFEC00  }
0xf7: {  	_ =	swait.ge [sflag:s30], $0x1400  }
0xf8: {  	[sflag:s30] =	ssyncset.done $0x0  }
0xf9: {  	s11 =	simm.s32 $0x11;
	[sflag:s30] =	ssyncadd.s32 $0xFFFFEC00  }
0xfa: {  	_ =	swait.ge [sflag:s11], $0x1400  }
0xfb: {  	[sflag:s11] =	ssyncset.done $0x0  }
0xfc: {  	s25 =	simm.s32 $0x12;
	[sflag:s11] =	ssyncadd.s32 $0xFFFFEC00  }
0xfd: {  	s23 =	simm.s32 $0x3C;
	_ =	swait.ge [sflag:s25], $0x1400  }
0xfe: {  	s24 =	simm.s32 $0x1E;
	s16 =	rddreg [dreg:$0x5];
	[sflag:s25] =	ssyncset.done $0x0  }
.LBB2_4:
0xff: {  	[sflag:s25] =	ssyncadd.s32 $0xFFFFEC00  }
0x100: {  	s17 =	smov.u32 s23;
	s16 =	sadd.s32 s24, s16;
	s6 =	rddreg [dreg:$0x10]  }
0x101: {  	[tilespmem:s4], [sflag:$0x1] =	stream.linear.gather [hbm4b:s16+s4], $0x28, $0x38;
	[tilespmem:$0x1BE00] =	vst v63  }
0x102: {  	s18 =	rddreg [dreg:$0xa];
	s21 =	simm.s32 $0x300;
	s22 =	sadd.s32 s24, s6  }
0x103: {  	[tilespmem:s21], [sflag:$0x1] =	stream.linear.gather [hbm4b:s22+s4], $0x28, $0x38;
	[tilespmem:$0x1BE00] =	vst v63  }
0x104: {  	s9 =	rddreg [dreg:$0xe];
	s26 =	sadd.s32 s24, s18;
	s6 =	simm.s32 $0x80  }
0x105: {  	[tilespmem:s6], [sflag:$0x2] =	stream.linear.gather [hbm4b:s26+s4], $0x28, $0x38;
	[tilespmem:$0x1BE00] =	vst v63  }
0x106: {  	s28 =	rddreg [dreg:$0x9];
	s20 =	simm.s32 $0x380;
	s30 =	sadd.s32 s24, s9  }
0x107: {  	[tilespmem:s20], [sflag:$0x2] =	stream.linear.gather [hbm4b:s30+s4], $0x28, $0x38;
	[tilespmem:$0x1BE00] =	vst v63  }
0x108: {  	s13 =	simm.s32 $0x100;
	s9 =	sadd.s32 s24, s28;
	s16 =	rddreg [dreg:$0xd]  }
0x109: {  	[tilespmem:s13], [sflag:$0x3] =	stream.linear.gather [hbm4b:s9+s4], $0x28, $0x38;
	[tilespmem:$0x1BE00] =	vst v63  }
0x10a: {  	s12 =	rddreg [dreg:$0x8];
	s28 =	simm.s32 $0x400;
	s19 =	sadd.s32 s24, s16  }
0x10b: {  	[tilespmem:s28], [sflag:$0x3] =	stream.linear.gather [hbm4b:s19+s4], $0x28, $0x38;
	[tilespmem:$0x1BE00] =	vst v63  }
0x10c: {  	s22 =	sadd.s32 s24, s12;
	s12 =	simm.s32 $0x180;
	s30 =	rddreg [dreg:$0xc]  }
0x10d: {  	[tilespmem:s12], [sflag:$0x4] =	stream.linear.gather [hbm4b:s22+s4], $0x28, $0x38;
	[tilespmem:$0x1BE00] =	vst v63  }
0x10e: {  	s26 =	rddreg [dreg:$0x7];
	s9 =	sadd.s32 s24, s30;
	s30 =	simm.s32 $0x480  }
0x10f: {  	[tilespmem:s30], [sflag:$0x4] =	stream.linear.gather [hbm4b:s9+s4], $0x28, $0x38;
	[tilespmem:$0x1BE00] =	vst v63  }
0x110: {  	s18 =	sadd.s32 s24, s26;
	s26 =	rddreg [dreg:$0xb];
	s22 =	simm.s32 $0x200  }
0x111: {  	[tilespmem:s22], [sflag:$0x5] =	stream.linear.gather [hbm4b:s18+s4], $0x28, $0x38;
	[tilespmem:$0x1BE00] =	vst v63  }
0x112: {  	s19 =	rddreg [dreg:$0x6];
	s9 =	sadd.s32 s24, s26;
	s26 =	simm.s32 $0x500  }
0x113: {  	[tilespmem:s26], [sflag:$0x5] =	stream.linear.gather [hbm4b:s9+s4], $0x28, $0x38;
	[tilespmem:$0x1BE00] =	vst v63  }
0x114: {  	s18 =	sadd.s32 s24, s19;
	s19 =	rddreg [dreg:$0xf];
	s9 =	simm.s32 $0x280  }
0x115: {  	[tilespmem:s9], [sflag:$0x6] =	stream.linear.gather [hbm4b:s18+s4], $0x28, $0x38;
	[tilespmem:$0x1BE00] =	vst v63  }
0x116: {  	s16 =	sadd.s32 s24, s19;
	s24 =	smov.u32 s17;
	s17 =	simm.s32 $0x580  }
0x117: {  	[tilespmem:s17], [sflag:$0x6] =	stream.linear.gather [hbm4b:s16+s4], $0x28, $0x38;
	[tilespmem:$0x1BE00] =	vst v63  }
0x118: {  	_ =	swait.ge [sflag:s31], $0x28  }
0x119: {  	[sflag:s31] =	ssyncset.done $0x0  }
0x11a: {  	[sflag:s31] =	ssyncadd.s32 $0xFFFFFFD8  }
0x11b: {  	_ =	swait.ge [sflag:s31], $0x28  }
0x11c: {  	[sflag:s31] =	ssyncset.done $0x0  }
0x11d: {  	[sflag:s31] =	ssyncadd.s32 $0xFFFFFFD8  }
0x11e: {  	[tilespmem:s0], [sflag:$0x7] =	stream.indirect.gather [hbm4b:s1+s2], $0x80, s4, s2, $0xb8;
	[tilespmem:$0x1BE00] =	vst v63  }
0x11f: {  	_ =	swait.ge [sflag:s8], $0x28  }
0x120: {  	[sflag:s8] =	ssyncset.done $0x0  }
0x121: {  	[sflag:s8] =	ssyncadd.s32 $0xFFFFFFD8  }
0x122: {  	_ =	swait.ge [sflag:s8], $0x28  }
0x123: {  	[sflag:s8] =	ssyncset.done $0x0  }
0x124: {  	s18 =	simm.s32 $0x1A00;
	[sflag:s8] =	ssyncadd.s32 $0xFFFFFFD8  }
0x125: {  	[tilespmem:s18], [sflag:$0x8] =	stream.indirect.gather [hbm4b:s1+s2], $0x80, s6, s2, $0xb8;
	[tilespmem:$0x1BE00] =	vst v63  }
0x126: {  	_ =	swait.ge [sflag:s10], $0x28  }
0x127: {  	[sflag:s10] =	ssyncset.done $0x0  }
0x128: {  	[sflag:s10] =	ssyncadd.s32 $0xFFFFFFD8  }
0x129: {  	_ =	swait.ge [sflag:s10], $0x28  }
0x12a: {  	[sflag:s10] =	ssyncset.done $0x0  }
0x12b: {  	s16 =	simm.s32 $0x2E00;
	[sflag:s10] =	ssyncadd.s32 $0xFFFFFFD8  }
0x12c: {  	[tilespmem:s16], [sflag:$0x9] =	stream.indirect.gather [hbm4b:s1+s2], $0x80, s13, s2, $0xb8;
	[tilespmem:$0x1BE00] =	vst v63  }
0x12d: {  	_ =	swait.ge [sflag:s14], $0x28  }
0x12e: {  	[sflag:s14] =	ssyncset.done $0x0  }
0x12f: {  	[sflag:s14] =	ssyncadd.s32 $0xFFFFFFD8  }
0x130: {  	_ =	swait.ge [sflag:s14], $0x28  }
0x131: {  	[sflag:s14] =	ssyncset.done $0x0  }
0x132: {  	s13 =	simm.s32 $0x4200;
	[sflag:s14] =	ssyncadd.s32 $0xFFFFFFD8  }
0x133: {  	[tilespmem:s13], [sflag:$0xA] =	stream.indirect.gather [hbm4b:s1+s2], $0x80, s12, s2, $0xb8;
	[tilespmem:$0x1BE00] =	vst v63  }
0x134: {  	_ =	swait.ge [sflag:s5], $0x28  }
0x135: {  	[sflag:s5] =	ssyncset.done $0x0  }
0x136: {  	[sflag:s5] =	ssyncadd.s32 $0xFFFFFFD8  }
0x137: {  	_ =	swait.ge [sflag:s5], $0x28  }
0x138: {  	[sflag:s5] =	ssyncset.done $0x0  }
0x139: {  	s19 =	simm.s32 $0x5600;
	[sflag:s5] =	ssyncadd.s32 $0xFFFFFFD8  }
0x13a: {  	[tilespmem:s19], [sflag:$0xB] =	stream.indirect.gather [hbm4b:s1+s2], $0x80, s22, s2, $0xb8;
	[tilespmem:$0x1BE00] =	vst v63  }
0x13b: {  	_ =	swait.ge [sflag:s7], $0x28  }
0x13c: {  	[sflag:s7] =	ssyncset.done $0x0  }
0x13d: {  	[sflag:s7] =	ssyncadd.s32 $0xFFFFFFD8  }
0x13e: {  	_ =	swait.ge [sflag:s7], $0x28  }
0x13f: {  	[sflag:s7] =	ssyncset.done $0x0  }
0x140: {  	s0 =	simm.s32 $0x6A00;
	s22 =	simm.s32 $0x7;
	[sflag:s7] =	ssyncadd.s32 $0xFFFFFFD8  }
0x141: {  	[tilespmem:s0], [sflag:$0xC] =	stream.indirect.gather [hbm4b:s1+s2], $0x80, s9, s2, $0xb8;
	[tilespmem:$0x1BE00] =	vst v63  }
0x142: {  	_ =	swait.ge [sflag:s22], $0x1400  }
0x143: {  	[sflag:s22] =	ssyncset.done $0x0  }
0x144: {  	s6 =	simm.s32 $0x600;
	s9 =	simm.s32 $0x8;
	[sflag:s22] =	ssyncadd.s32 $0xFFFFEC00  }
0x145: {  	[spmem:s3] =	stream.indirect.scatter.add.f32 [tilespmem:s6], [sflag:$0xD], $0x80, s21, s2, $0xb8;
	[tilespmem:$0x1BE00] =	vst v63  }
0x146: {  	_ =	swait.ge [sflag:s9], $0x1400  }
0x147: {  	[sflag:s9] =	ssyncset.done $0x0  }
0x148: {  	[sflag:s9] =	ssyncadd.s32 $0xFFFFEC00  }
0x149: {  	[spmem:s3] =	stream.indirect.scatter.add.f32 [tilespmem:s18], [sflag:$0xE], $0x80, s20, s2, $0xb8;
	[tilespmem:$0x1BE00] =	vst v63  }
0x14a: {  	s20 =	simm.s32 $0x9  }
0x14b: {  	_ =	swait.ge [sflag:s20], $0x1400  }
0x14c: {  	[sflag:s20] =	ssyncset.done $0x0  }
0x14d: {  	s21 =	simm.s32 $0xA;
	[sflag:s20] =	ssyncadd.s32 $0xFFFFEC00  }
0x14e: {  	[spmem:s3] =	stream.indirect.scatter.add.f32 [tilespmem:s16], [sflag:$0xF], $0x80, s28, s2, $0xb8;
	[tilespmem:$0x1BE00] =	vst v63  }
0x14f: {  	_ =	swait.ge [sflag:s21], $0x1400  }
0x150: {  	[sflag:s21] =	ssyncset.done $0x0  }
0x151: {  	[sflag:s21] =	ssyncadd.s32 $0xFFFFEC00  }
0x152: {  	[spmem:s3] =	stream.indirect.scatter.add.f32 [tilespmem:s13], [sflag:$0x10], $0x80, s30, s2, $0xb8;
	[tilespmem:$0x1BE00] =	vst v63  }
0x153: {  	_ =	swait.ge [sflag:s15], $0x1400  }
0x154: {  	[sflag:s15] =	ssyncset.done $0x0  }
0x155: {  	[sflag:s15] =	ssyncadd.s32 $0xFFFFEC00  }
0x156: {  	[spmem:s3] =	stream.indirect.scatter.add.f32 [tilespmem:s19], [sflag:$0x11], $0x80, s26, s2, $0xb8;
	[tilespmem:$0x1BE00] =	vst v63  }
0x157: {  	_ =	swait.ge [sflag:s29], $0x1400  }
0x158: {  	[sflag:s29] =	ssyncset.done $0x0  }
0x159: {  	s22 =	simm.s32 $0xD;
	[sflag:s29] =	ssyncadd.s32 $0xFFFFEC00  }
0x15a: {  	[spmem:s3] =	stream.indirect.scatter.add.f32 [tilespmem:s0], [sflag:$0x12], $0x80, s17, s2, $0xb8;
	[tilespmem:$0x1BE00] =	vst v63  }
0x15b: {  	_ =	swait.ge [sflag:s22], $0x1400  }
0x15c: {  	[sflag:s22] =	ssyncset.done $0x0  }
0x15d: {  	s26 =	simm.s32 $0xE;
	[sflag:s22] =	ssyncadd.s32 $0xFFFFEC00  }
0x15e: {  	_ =	swait.ge [sflag:s26], $0x1400  }
0x15f: {  	[sflag:s26] =	ssyncset.done $0x0  }
0x160: {  	s28 =	simm.s32 $0xF;
	[sflag:s26] =	ssyncadd.s32 $0xFFFFEC00  }
0x161: {  	_ =	swait.ge [sflag:s28], $0x1400  }
0x162: {  	[sflag:s28] =	ssyncset.done $0x0  }
0x163: {  	s30 =	simm.s32 $0x10;
	[sflag:s28] =	ssyncadd.s32 $0xFFFFEC00  }
0x164: {  	_ =	swait.ge [sflag:s30], $0x1400  }
0x165: {  	[sflag:s30] =	ssyncset.done $0x0  }
0x166: {  	p0 =	sne.s32 s23, $0x4B0;
	[sflag:s30] =	ssyncadd.s32 $0xFFFFEC00  }
.Ltmp1:
0x167: {  	_ =	swait.ge [sflag:s11], $0x1400;
	(pc) =	sbr.rel @p0 .LBB2_4-.Ltmp1, $4  }
0x168: {  	[sflag:s11] =	ssyncset.done $0x0  }
0x169: {  	[sflag:s11] =	ssyncadd.s32 $0xFFFFEC00  }
0x16a: {  	s23 =	sadd.s32 $0x1E, s23;
	_ =	swait.ge [sflag:s25], $0x1400  }
0x16b: {  	s0 =	simm.s32 $0x600;
	s16 =	rddreg [dreg:$0x5];
	[sflag:s25] =	ssyncset.done $0x0  }
0x16c: {  	[sflag:s25] =	ssyncadd.s32 $0xFFFFEC00;
	s16 =	sadd.s32 s24, s16;
	s6 =	rddreg [dreg:$0x10]  }
0x16d: {  	[tilespmem:s4], [sflag:$0x1] =	stream.linear.gather [hbm4b:s16+s4], $0x28, $0x38;
	[tilespmem:$0x1BE00] =	vst v63  }
0x16e: {  	s17 =	rddreg [dreg:$0xa];
	s19 =	simm.s32 $0x300;
	s18 =	sadd.s32 s24, s6  }
0x16f: {  	[tilespmem:s19], [sflag:$0x1] =	stream.linear.gather [hbm4b:s18+s4], $0x28, $0x38;
	[tilespmem:$0x1BE00] =	vst v63  }
0x170: {  	s12 =	simm.s32 $0x80;
	s22 =	rddreg [dreg:$0xe];
	s20 =	sadd.s32 s24, s17  }
0x171: {  	[tilespmem:s12], [sflag:$0x2] =	stream.linear.gather [hbm4b:s20+s4], $0x28, $0x38;
	[tilespmem:$0x1BE00] =	vst v63  }
0x172: {  	s21 =	rddreg [dreg:$0x9];
	s28 =	simm.s32 $0x380;
	s26 =	sadd.s32 s24, s22  }
0x173: {  	[tilespmem:s28], [sflag:$0x2] =	stream.linear.gather [hbm4b:s26+s4], $0x28, $0x38;
	[tilespmem:$0x1BE00] =	vst v63  }
0x174: {  	s9 =	simm.s32 $0x100;
	s6 =	sadd.s32 s24, s21;
	s18 =	rddreg [dreg:$0xd]  }
0x175: {  	[tilespmem:s9], [sflag:$0x3] =	stream.linear.gather [hbm4b:s6+s4], $0x28, $0x38;
	[tilespmem:$0x1BE00] =	vst v63  }
0x176: {  	s13 =	rddreg [dreg:$0x8];
	s30 =	simm.s32 $0x400;
	s19 =	sadd.s32 s24, s18  }
0x177: {  	[tilespmem:s30], [sflag:$0x3] =	stream.linear.gather [hbm4b:s19+s4], $0x28, $0x38;
	[tilespmem:$0x1BE00] =	vst v63  }
0x178: {  	s18 =	simm.s32 $0x180;
	s20 =	sadd.s32 s24, s13;
	s26 =	rddreg [dreg:$0xc]  }
0x179: {  	[tilespmem:s18], [sflag:$0x4] =	stream.linear.gather [hbm4b:s20+s4], $0x28, $0x38;
	[tilespmem:$0x1BE00] =	vst v63  }
0x17a: {  	s21 =	rddreg [dreg:$0x7];
	s22 =	simm.s32 $0x480;
	s13 =	sadd.s32 s24, s26  }
0x17b: {  	[tilespmem:s22], [sflag:$0x4] =	stream.linear.gather [hbm4b:s13+s4], $0x28, $0x38;
	[tilespmem:$0x1BE00] =	vst v63  }
0x17c: {  	s26 =	rddreg [dreg:$0xb];
	s19 =	sadd.s32 s24, s21;
	s21 =	simm.s32 $0x200  }
0x17d: {  	[tilespmem:s21], [sflag:$0x5] =	stream.linear.gather [hbm4b:s19+s4], $0x28, $0x38;
	[tilespmem:$0x1BE00] =	vst v63  }
0x17e: {  	s6 =	sadd.s32 s24, s26;
	s26 =	simm.s32 $0x500;
	s20 =	rddreg [dreg:$0x6]  }
0x17f: {  	[tilespmem:s26], [sflag:$0x5] =	stream.linear.gather [hbm4b:s6+s4], $0x28, $0x38;
	[tilespmem:$0x1BE00] =	vst v63  }
0x180: {  	s17 =	rddreg [dreg:$0xf];
	s13 =	sadd.s32 s24, s20;
	s20 =	simm.s32 $0x280  }
0x181: {  	[tilespmem:s20], [sflag:$0x6] =	stream.linear.gather [hbm4b:s13+s4], $0x28, $0x38;
	[tilespmem:$0x1BE00] =	vst v63  }
0x182: {  	s19 =	sadd.s32 s24, s17;
	s17 =	simm.s32 $0x580  }
0x183: {  	[tilespmem:s17], [sflag:$0x6] =	stream.linear.gather [hbm4b:s19+s4], $0x28, $0x38;
	[tilespmem:$0x1BE00] =	vst v63  }
0x184: {  	_ =	swait.ge [sflag:s31], $0x28  }
0x185: {  	[sflag:s31] =	ssyncset.done $0x0  }
0x186: {  	[sflag:s31] =	ssyncadd.s32 $0xFFFFFFD8  }
0x187: {  	_ =	swait.ge [sflag:s31], $0x28  }
0x188: {  	[sflag:s31] =	ssyncset.done $0x0  }
0x189: {  	[sflag:s31] =	ssyncadd.s32 $0xFFFFFFD8  }
0x18a: {  	[tilespmem:s0], [sflag:$0x7] =	stream.indirect.gather [hbm4b:s1+s2], $0x80, s4, s2, $0xb8;
	[tilespmem:$0x1BE00] =	vst v63  }
0x18b: {  	_ =	swait.ge [sflag:s8], $0x28  }
0x18c: {  	[sflag:s8] =	ssyncset.done $0x0  }
0x18d: {  	[sflag:s8] =	ssyncadd.s32 $0xFFFFFFD8  }
0x18e: {  	_ =	swait.ge [sflag:s8], $0x28  }
0x18f: {  	[sflag:s8] =	ssyncset.done $0x0  }
0x190: {  	s6 =	simm.s32 $0x1A00;
	[sflag:s8] =	ssyncadd.s32 $0xFFFFFFD8  }
0x191: {  	[tilespmem:s6], [sflag:$0x8] =	stream.indirect.gather [hbm4b:s1+s2], $0x80, s12, s2, $0xb8;
	[tilespmem:$0x1BE00] =	vst v63  }
0x192: {  	_ =	swait.ge [sflag:s10], $0x28  }
0x193: {  	[sflag:s10] =	ssyncset.done $0x0  }
0x194: {  	[sflag:s10] =	ssyncadd.s32 $0xFFFFFFD8  }
0x195: {  	_ =	swait.ge [sflag:s10], $0x28  }
0x196: {  	[sflag:s10] =	ssyncset.done $0x0  }
0x197: {  	s13 =	simm.s32 $0x2E00;
	[sflag:s10] =	ssyncadd.s32 $0xFFFFFFD8  }
0x198: {  	[tilespmem:s13], [sflag:$0x9] =	stream.indirect.gather [hbm4b:s1+s2], $0x80, s9, s2, $0xb8;
	[tilespmem:$0x1BE00] =	vst v63  }
0x199: {  	_ =	swait.ge [sflag:s14], $0x28  }
0x19a: {  	[sflag:s14] =	ssyncset.done $0x0  }
0x19b: {  	[sflag:s14] =	ssyncadd.s32 $0xFFFFFFD8  }
0x19c: {  	_ =	swait.ge [sflag:s14], $0x28  }
0x19d: {  	[sflag:s14] =	ssyncset.done $0x0  }
0x19e: {  	s19 =	simm.s32 $0x4200;
	[sflag:s14] =	ssyncadd.s32 $0xFFFFFFD8  }
0x19f: {  	[tilespmem:s19], [sflag:$0xA] =	stream.indirect.gather [hbm4b:s1+s2], $0x80, s18, s2, $0xb8;
	[tilespmem:$0x1BE00] =	vst v63  }
0x1a0: {  	_ =	swait.ge [sflag:s5], $0x28  }
0x1a1: {  	[sflag:s5] =	ssyncset.done $0x0  }
0x1a2: {  	[sflag:s5] =	ssyncadd.s32 $0xFFFFFFD8  }
0x1a3: {  	_ =	swait.ge [sflag:s5], $0x28  }
0x1a4: {  	[sflag:s5] =	ssyncset.done $0x0  }
0x1a5: {  	s16 =	simm.s32 $0x5600;
	[sflag:s5] =	ssyncadd.s32 $0xFFFFFFD8  }
0x1a6: {  	[tilespmem:s16], [sflag:$0xB] =	stream.indirect.gather [hbm4b:s1+s2], $0x80, s21, s2, $0xb8;
	[tilespmem:$0x1BE00] =	vst v63  }
0x1a7: {  	_ =	swait.ge [sflag:s7], $0x28  }
0x1a8: {  	[sflag:s7] =	ssyncset.done $0x0  }
0x1a9: {  	[sflag:s7] =	ssyncadd.s32 $0xFFFFFFD8  }
0x1aa: {  	_ =	swait.ge [sflag:s7], $0x28  }
0x1ab: {  	[sflag:s7] =	ssyncset.done $0x0  }
0x1ac: {  	s0 =	simm.s32 $0x6A00;
	[sflag:s7] =	ssyncadd.s32 $0xFFFFFFD8  }
0x1ad: {  	[tilespmem:s0], [sflag:$0xC] =	stream.indirect.gather [hbm4b:s1+s2], $0x80, s20, s2, $0xb8;
	[tilespmem:$0x1BE00] =	vst v63  }
0x1ae: {  	s20 =	simm.s32 $0x7  }
0x1af: {  	_ =	swait.ge [sflag:s20], $0x1400  }
0x1b0: {  	s23 =	simm.s32 $0x300;
	[sflag:s20] =	ssyncset.done $0x0  }
0x1b1: {  	s24 =	simm.s32 $0x600;
	s21 =	simm.s32 $0x8;
	[sflag:s20] =	ssyncadd.s32 $0xFFFFEC00  }
0x1b2: {  	[spmem:s3] =	stream.indirect.scatter.add.f32 [tilespmem:s24], [sflag:$0xD], $0x80, s23, s2, $0xb8;
	[tilespmem:$0x1BE00] =	vst v63  }
0x1b3: {  	_ =	swait.ge [sflag:s21], $0x1400  }
0x1b4: {  	[sflag:s21] =	ssyncset.done $0x0  }
0x1b5: {  	s28 =	simm.s32 $0x380;
	s23 =	simm.s32 $0x9;
	[sflag:s21] =	ssyncadd.s32 $0xFFFFEC00  }
0x1b6: {  	[spmem:s3] =	stream.indirect.scatter.add.f32 [tilespmem:s6], [sflag:$0xE], $0x80, s28, s2, $0xb8;
	[tilespmem:$0x1BE00] =	vst v63  }
0x1b7: {  	_ =	swait.ge [sflag:s23], $0x1400  }
0x1b8: {  	[sflag:s23] =	ssyncset.done $0x0  }
0x1b9: {  	s24 =	simm.s32 $0xA;
	[sflag:s23] =	ssyncadd.s32 $0xFFFFEC00  }
0x1ba: {  	[spmem:s3] =	stream.indirect.scatter.add.f32 [tilespmem:s13], [sflag:$0xF], $0x80, s30, s2, $0xb8;
	[tilespmem:$0x1BE00] =	vst v63  }
0x1bb: {  	_ =	swait.ge [sflag:s24], $0x1400  }
0x1bc: {  	[sflag:s24] =	ssyncset.done $0x0  }
0x1bd: {  	[sflag:s24] =	ssyncadd.s32 $0xFFFFEC00  }
0x1be: {  	[spmem:s3] =	stream.indirect.scatter.add.f32 [tilespmem:s19], [sflag:$0x10], $0x80, s22, s2, $0xb8;
	[tilespmem:$0x1BE00] =	vst v63  }
0x1bf: {  	_ =	swait.ge [sflag:s15], $0x1400  }
0x1c0: {  	[sflag:s15] =	ssyncset.done $0x0  }
0x1c1: {  	[sflag:s15] =	ssyncadd.s32 $0xFFFFEC00  }
0x1c2: {  	[spmem:s3] =	stream.indirect.scatter.add.f32 [tilespmem:s16], [sflag:$0x11], $0x80, s26, s2, $0xb8;
	[tilespmem:$0x1BE00] =	vst v63  }
0x1c3: {  	_ =	swait.ge [sflag:s29], $0x1400  }
0x1c4: {  	[sflag:s29] =	ssyncset.done $0x0  }
0x1c5: {  	s26 =	simm.s32 $0xD;
	[sflag:s29] =	ssyncadd.s32 $0xFFFFEC00  }
0x1c6: {  	[spmem:s3] =	stream.indirect.scatter.add.f32 [tilespmem:s0], [sflag:$0x12], $0x80, s17, s2, $0xb8;
	[tilespmem:$0x1BE00] =	vst v63  }
0x1c7: {  	_ =	swait.ge [sflag:s26], $0x1400  }
0x1c8: {  	[sflag:s26] =	ssyncset.done $0x0  }
0x1c9: {  	s15 =	simm.s32 $0xE;
	[sflag:s26] =	ssyncadd.s32 $0xFFFFEC00  }
0x1ca: {  	_ =	swait.ge [sflag:s15], $0x1400  }
0x1cb: {  	[sflag:s15] =	ssyncset.done $0x0  }
0x1cc: {  	s29 =	simm.s32 $0xF;
	[sflag:s15] =	ssyncadd.s32 $0xFFFFEC00  }
0x1cd: {  	_ =	swait.ge [sflag:s29], $0x1400  }
0x1ce: {  	[sflag:s29] =	ssyncset.done $0x0  }
0x1cf: {  	s28 =	simm.s32 $0x10;
	[sflag:s29] =	ssyncadd.s32 $0xFFFFEC00  }
0x1d0: {  	_ =	swait.ge [sflag:s28], $0x1400  }
0x1d1: {  	[sflag:s28] =	ssyncset.done $0x0  }
0x1d2: {  	[sflag:s28] =	ssyncadd.s32 $0xFFFFEC00  }
0x1d3: {  	_ =	swait.ge [sflag:s11], $0x1400  }
0x1d4: {  	[sflag:s11] =	ssyncset.done $0x0  }
0x1d5: {  	[sflag:s11] =	ssyncadd.s32 $0xFFFFEC00  }
0x1d6: {  	_ =	swait.ge [sflag:s25], $0x1400  }
0x1d7: {  	[sflag:s25] =	ssyncset.done $0x0  }
0x1d8: {  	s16 =	simm.s32 $0x0;
	s11 =	rddreg [dreg:$0x14];
	[sflag:s25] =	ssyncadd.s32 $0xFFFFEC00  }
0x1d9: {  	[tilespmem:s16], [sflag:$0x1] =	stream.linear.gather [hbm4b:s11+s16], $0x28, $0x38;
	[tilespmem:$0x1BE00] =	vst v63  }
0x1da: {  	s25 =	rddreg [dreg:$0x15];
	s11 =	simm.s32 $0x300  }
0x1db: {  	[tilespmem:s11], [sflag:$0x1] =	stream.linear.gather [hbm4b:s25+s16], $0x28, $0x38;
	[tilespmem:$0x1BE00] =	vst v63  }
0x1dc: {  	s25 =	rddreg [dreg:$0x16]  }
0x1dd: {  	[tilespmem:s12], [sflag:$0x2] =	stream.linear.gather [hbm4b:s25+s16], $0x28, $0x38;
	[tilespmem:$0x1BE00] =	vst v63  }
0x1de: {  	s17 =	rddreg [dreg:$0x17];
	s25 =	simm.s32 $0x380  }
0x1df: {  	[tilespmem:s25], [sflag:$0x2] =	stream.linear.gather [hbm4b:s17+s16], $0x28, $0x38;
	[tilespmem:$0x1BE00] =	vst v63  }
0x1e0: {  	s17 =	rddreg [dreg:$0x18]  }
0x1e1: {  	[tilespmem:s9], [sflag:$0x3] =	stream.linear.gather [hbm4b:s17+s16], $0x28, $0x38;
	[tilespmem:$0x1BE00] =	vst v63  }
0x1e2: {  	s17 =	rddreg [dreg:$0x19]  }
0x1e3: {  	[tilespmem:s30], [sflag:$0x3] =	stream.linear.gather [hbm4b:s17+s16], $0x28, $0x38;
	[tilespmem:$0x1BE00] =	vst v63  }
0x1e4: {  	s17 =	rddreg [dreg:$0x1a]  }
0x1e5: {  	[tilespmem:s18], [sflag:$0x4] =	stream.linear.gather [hbm4b:s17+s16], $0x28, $0x38;
	[tilespmem:$0x1BE00] =	vst v63  }
0x1e6: {  	s17 =	rddreg [dreg:$0x1b]  }
0x1e7: {  	[tilespmem:s22], [sflag:$0x4] =	stream.linear.gather [hbm4b:s17+s16], $0x28, $0x38;
	[tilespmem:$0x1BE00] =	vst v63  }
0x1e8: {  	_ =	swait.ge [sflag:s31], $0x28  }
0x1e9: {  	[sflag:s31] =	ssyncset.done $0x0  }
0x1ea: {  	[sflag:s31] =	ssyncadd.s32 $0xFFFFFFD8  }
0x1eb: {  	_ =	swait.ge [sflag:s31], $0x28  }
0x1ec: {  	[sflag:s31] =	ssyncset.done $0x0  }
0x1ed: {  	s0 =	simm.s32 $0x600;
	[sflag:s31] =	ssyncadd.s32 $0xFFFFFFD8  }
0x1ee: {  	[tilespmem:s0], [sflag:$0x7] =	stream.indirect.gather [hbm4b:s1+s2], $0x80, s16, s2, $0xb8;
	[tilespmem:$0x1BE00] =	vst v63  }
0x1ef: {  	_ =	swait.ge [sflag:s8], $0x28  }
0x1f0: {  	[sflag:s8] =	ssyncset.done $0x0  }
0x1f1: {  	[sflag:s8] =	ssyncadd.s32 $0xFFFFFFD8  }
0x1f2: {  	_ =	swait.ge [sflag:s8], $0x28  }
0x1f3: {  	[sflag:s8] =	ssyncset.done $0x0  }
0x1f4: {  	[sflag:s8] =	ssyncadd.s32 $0xFFFFFFD8  }
0x1f5: {  	[tilespmem:s6], [sflag:$0x8] =	stream.indirect.gather [hbm4b:s1+s2], $0x80, s12, s2, $0xb8;
	[tilespmem:$0x1BE00] =	vst v63  }
0x1f6: {  	_ =	swait.ge [sflag:s10], $0x28  }
0x1f7: {  	[sflag:s10] =	ssyncset.done $0x0  }
0x1f8: {  	[sflag:s10] =	ssyncadd.s32 $0xFFFFFFD8  }
0x1f9: {  	_ =	swait.ge [sflag:s10], $0x28  }
0x1fa: {  	[sflag:s10] =	ssyncset.done $0x0  }
0x1fb: {  	[sflag:s10] =	ssyncadd.s32 $0xFFFFFFD8  }
0x1fc: {  	[tilespmem:s13], [sflag:$0x9] =	stream.indirect.gather [hbm4b:s1+s2], $0x80, s9, s2, $0xb8;
	[tilespmem:$0x1BE00] =	vst v63  }
0x1fd: {  	_ =	swait.ge [sflag:s14], $0x28  }
0x1fe: {  	[sflag:s14] =	ssyncset.done $0x0  }
0x1ff: {  	[sflag:s14] =	ssyncadd.s32 $0xFFFFFFD8  }
0x200: {  	_ =	swait.ge [sflag:s14], $0x28  }
0x201: {  	[sflag:s14] =	ssyncset.done $0x0  }
0x202: {  	[sflag:s14] =	ssyncadd.s32 $0xFFFFFFD8  }
0x203: {  	[tilespmem:s19], [sflag:$0xA] =	stream.indirect.gather [hbm4b:s1+s2], $0x80, s18, s2, $0xb8;
	[tilespmem:$0x1BE00] =	vst v63  }
0x204: {  	_ =	swait.ge [sflag:s20], $0x1400  }
0x205: {  	[sflag:s20] =	ssyncset.done $0x0  }
0x206: {  	[sflag:s20] =	ssyncadd.s32 $0xFFFFEC00  }
0x207: {  	[spmem:s3] =	stream.indirect.scatter.add.f32 [tilespmem:s0], [sflag:$0xD], $0x80, s11, s2, $0xb8;
	[tilespmem:$0x1BE00] =	vst v63  }
0x208: {  	_ =	swait.ge [sflag:s21], $0x1400  }
0x209: {  	[sflag:s21] =	ssyncset.done $0x0  }
0x20a: {  	[sflag:s21] =	ssyncadd.s32 $0xFFFFEC00  }
0x20b: {  	[spmem:s3] =	stream.indirect.scatter.add.f32 [tilespmem:s6], [sflag:$0xE], $0x80, s25, s2, $0xb8;
	[tilespmem:$0x1BE00] =	vst v63  }
0x20c: {  	_ =	swait.ge [sflag:s23], $0x1400  }
0x20d: {  	[sflag:s23] =	ssyncset.done $0x0  }
0x20e: {  	[sflag:s23] =	ssyncadd.s32 $0xFFFFEC00  }
0x20f: {  	[spmem:s3] =	stream.indirect.scatter.add.f32 [tilespmem:s13], [sflag:$0xF], $0x80, s30, s2, $0xb8;
	[tilespmem:$0x1BE00] =	vst v63  }
0x210: {  	_ =	swait.ge [sflag:s24], $0x1400  }
0x211: {  	[sflag:s24] =	ssyncset.done $0x0  }
0x212: {  	[sflag:s24] =	ssyncadd.s32 $0xFFFFEC00  }
0x213: {  	[spmem:s3] =	stream.indirect.scatter.add.f32 [tilespmem:s19], [sflag:$0x10], $0x80, s22, s2, $0xb8;
	[tilespmem:$0x1BE00] =	vst v63  }
0x214: {  	_ =	swait.ge [sflag:s26], $0x1400  }
0x215: {  	[sflag:s26] =	ssyncset.done $0x0  }
0x216: {  	[sflag:s26] =	ssyncadd.s32 $0xFFFFEC00  }
0x217: {  	_ =	swait.ge [sflag:s15], $0x1400  }
0x218: {  	[sflag:s15] =	ssyncset.done $0x0  }
0x219: {  	[sflag:s15] =	ssyncadd.s32 $0xFFFFEC00  }
0x21a: {  	_ =	swait.ge [sflag:s29], $0x1400  }
0x21b: {  	[sflag:s29] =	ssyncset.done $0x0  }
0x21c: {  	[sflag:s29] =	ssyncadd.s32 $0xFFFFEC00  }
0x21d: {  	_ =	swait.ge [sflag:s28], $0x1400  }
0x21e: {  	[sflag:s28] =	ssyncset.done $0x0  }
0x21f: {  	s17 =	simm.s32 $0x580;
	[sflag:s28] =	ssyncadd.s32 $0xFFFFEC00  }
0x220: {  	s12 =	simm.s32 $0xE;
	s23 =	stileid.u32;
	[bflag:$0x0] =	sbarrier.arrive $0xFFFF  }
0x221: {  	s9 =	simm.s32 $0x1A00;
	s16 =	sshll.u32 s23, $0x6;
	s25 =	rddreg [dreg:$0x11]  }
0x222: {  	s1 =	simm.s32 $0x13;
	s24 =	sor.u32 $0x1C13, s16;
	s28 =	rddreg [dreg:$0x1d]  }
0x223: {  	s11 =	simm.s32 $0xD;
	[smem:$0x7EF] =	sst s24;
	s26 =	sshrl.u32 s25, $0x3  }
0x224: {  	s23 =	simm.s32 $0x0;
	s30 =	simm.s32 $0x380;
	[smem:$0x7F0] =	sst s26  }
0x225: {  	[hbm:s28], [sflag:s24] =	dma.local [spmem:s26], $0x2800  }
0x226: {  	s15 =	simm.s32 $0xF;
	s29 =	simm.s32 $0x12;
	_ =	swait.ge [sflag:s1], $0x2800  }
0x227: {  	s25 =	simm.s32 $0x10;
	s24 =	simm.s32 $0x200;
	[sflag:s1] =	ssyncset.done $0x0  }
0x228: {  	s26 =	simm.s32 $0x11;
	s18 =	rddreg [dreg:$0x10];
	[sflag:s1] =	ssyncadd.s32 $0xFFFFD800  }
.LBB2_6:
0x229: {  	p0 =	sne.s32 s24, $0x4E00;
	[tilespmem:s23+$0x1A70] =	vst v0  }
0x22a: {  	[tilespmem:s23+$0x1A00] =	vst v0  }
0x22b: {  	[tilespmem:s23+$0x1A10] =	vst v0  }
.Ltmp2:
0x22c: {  	[tilespmem:s23+$0x1A20] =	vst v0;
	(pc) =	sbr.rel @p0 .LBB2_6-.Ltmp2, $4  }
0x22d: {  	[tilespmem:s23+$0x1A30] =	vst v0  }
0x22e: {  	[tilespmem:s23+$0x1A40] =	vst v0  }
0x22f: {  	[tilespmem:s23+$0x1A50] =	vst v0  }
0x230: {  	[tilespmem:s23+$0x1A60] =	vst v0;
	s23 =	sshra.s32 s24, $0x2;
	s24 =	sadd.s32 $0x200, s24  }
0x231: {  	[tilespmem:s23+$0x1A70] =	vst v0  }
0x232: {  	[tilespmem:s23+$0x1A00] =	vst v0  }
0x233: {  	[tilespmem:s23+$0x1A10] =	vst v0  }
0x234: {  	[tilespmem:s23+$0x1A20] =	vst v0  }
0x235: {  	[tilespmem:s23+$0x1A30] =	vst v0  }
0x236: {  	[tilespmem:s23+$0x1A40] =	vst v0  }
0x237: {  	[tilespmem:s23+$0x1A50] =	vst v0  }
0x238: {  	[tilespmem:s23+$0x1A60] =	vst v0;
	s16 =	rddreg [dreg:$0x11]  }
0x239: {  	[spmem:s16] =	stream.linear.scatter [tilespmem:s9], [sflag:$0x13], $0x1400, $0x38;
	[tilespmem:$0x1BE00] =	vst v63  }
0x23a: {  	_ =	swait.ge [sflag:s1], $0x1400  }
0x23b: {  	[sflag:s1] =	ssyncset.done $0x0  }
0x23c: {  	s21 =	rddreg [dreg:$0x12];
	[sflag:s1] =	ssyncadd.s32 $0xFFFFEC00  }
0x23d: {  	[spmem:s21] =	stream.linear.scatter [tilespmem:s9], [sflag:$0x13], $0x1400, $0x38;
	[tilespmem:$0x1BE00] =	vst v63  }
0x23e: {  	_ =	swait.ge [sflag:s1], $0x1400  }
0x23f: {  	[sflag:s1] =	ssyncset.done $0x0  }
0x240: {  	s22 =	rddreg [dreg:$0x13];
	[sflag:s1] =	ssyncadd.s32 $0xFFFFEC00  }
0x241: {  	[spmem:s22] =	stream.linear.scatter [tilespmem:s9], [sflag:$0x13], $0x1400, $0x38;
	[tilespmem:$0x1BE00] =	vst v63  }
0x242: {  	_ =	swait.ge [sflag:s1], $0x1400  }
0x243: {  	[sflag:s1] =	ssyncset.done $0x0  }
0x244: {  	s6 =	rddreg [dreg:$0x1c];
	[sflag:s1] =	ssyncadd.s32 $0xFFFFEC00  }
0x245: {  	[spmem:s6] =	stream.linear.scatter [tilespmem:s9], [sflag:$0x13], $0x1400, $0x38;
	[tilespmem:$0x1BE00] =	vst v63  }
0x246: {  	_ =	swait.ge [sflag:s1], $0x1400  }
0x247: {  	s23 =	sld [smem:$0x7F2]  }
0x248: {  	[sflag:s1] =	ssyncset.done $0x0  }
0x249: {  	[sflag:s1] =	ssyncadd.s32 $0xFFFFEC00  }
0x24a: {  	[spmem:s23] =	stream.linear.scatter [tilespmem:s9], [sflag:$0x13], $0x1400, $0x38;
	[tilespmem:$0x1BE00] =	vst v63  }
0x24b: {  	_ =	swait.ge [sflag:s1], $0x1400  }
0x24c: {  	s24 =	sld [smem:$0x7F3]  }
0x24d: {  	[sflag:s1] =	ssyncset.done $0x0  }
0x24e: {  	[sflag:s1] =	ssyncadd.s32 $0xFFFFEC00  }
0x24f: {  	[spmem:s24] =	stream.linear.scatter [tilespmem:s9], [sflag:$0x13], $0x1400, $0x38;
	[tilespmem:$0x1BE00] =	vst v63  }
0x250: {  	_ =	swait.ge [sflag:s1], $0x1400  }
0x251: {  	s28 =	sld [smem:$0x7F4]  }
0x252: {  	[sflag:s1] =	ssyncset.done $0x0  }
0x253: {  	[sflag:s1] =	ssyncadd.s32 $0xFFFFEC00  }
0x254: {  	[spmem:s28] =	stream.linear.scatter [tilespmem:s9], [sflag:$0x13], $0x1400, $0x38;
	[tilespmem:$0x1BE00] =	vst v63  }
0x255: {  	_ =	swait.ge [sflag:s1], $0x1400  }
0x256: {  	s13 =	sld [smem:$0x7F5]  }
0x257: {  	[sflag:s1] =	ssyncset.done $0x0  }
0x258: {  	[sflag:s1] =	ssyncadd.s32 $0xFFFFEC00  }
0x259: {  	[spmem:s13] =	stream.linear.scatter [tilespmem:s9], [sflag:$0x13], $0x1400, $0x38;
	[tilespmem:$0x1BE00] =	vst v63  }
0x25a: {  	_ =	swait.ge [sflag:s1], $0x1400  }
0x25b: {  	s16 =	sld [smem:$0x7F6]  }
0x25c: {  	[sflag:s1] =	ssyncset.done $0x0  }
0x25d: {  	[sflag:s1] =	ssyncadd.s32 $0xFFFFEC00  }
0x25e: {  	[spmem:s16] =	stream.linear.scatter [tilespmem:s9], [sflag:$0x13], $0x1400, $0x38;
	[tilespmem:$0x1BE00] =	vst v63  }
0x25f: {  	_ =	swait.ge [sflag:s1], $0x1400  }
0x260: {  	s19 =	sld [smem:$0x7F7]  }
0x261: {  	[sflag:s1] =	ssyncset.done $0x0  }
0x262: {  	[sflag:s1] =	ssyncadd.s32 $0xFFFFEC00  }
0x263: {  	[spmem:s19] =	stream.linear.scatter [tilespmem:s9], [sflag:$0x13], $0x1400, $0x38;
	[tilespmem:$0x1BE00] =	vst v63  }
0x264: {  	_ =	swait.ge [sflag:s1], $0x1400  }
0x265: {  	s20 =	sld [smem:$0x7F8]  }
0x266: {  	[sflag:s1] =	ssyncset.done $0x0  }
0x267: {  	[sflag:s1] =	ssyncadd.s32 $0xFFFFEC00  }
0x268: {  	[spmem:s20] =	stream.linear.scatter [tilespmem:s9], [sflag:$0x13], $0x1400, $0x38;
	[tilespmem:$0x1BE00] =	vst v63  }
0x269: {  	_ =	swait.ge [sflag:s1], $0x1400  }
0x26a: {  	s21 =	sld [smem:$0x7F9]  }
0x26b: {  	[sflag:s1] =	ssyncset.done $0x0  }
0x26c: {  	[sflag:s1] =	ssyncadd.s32 $0xFFFFEC00  }
0x26d: {  	[spmem:s21] =	stream.linear.scatter [tilespmem:s9], [sflag:$0x13], $0x1400, $0x38;
	[tilespmem:$0x1BE00] =	vst v63  }
0x26e: {  	_ =	swait.ge [sflag:s1], $0x1400  }
0x26f: {  	s22 =	sld [smem:$0x7FA]  }
0x270: {  	[sflag:s1] =	ssyncset.done $0x0  }
0x271: {  	[sflag:s1] =	ssyncadd.s32 $0xFFFFEC00  }
0x272: {  	[spmem:s22] =	stream.linear.scatter [tilespmem:s9], [sflag:$0x13], $0x1400, $0x38;
	[tilespmem:$0x1BE00] =	vst v63  }
0x273: {  	_ =	swait.ge [sflag:s1], $0x1400  }
0x274: {  	s23 =	sld [smem:$0x7FB]  }
0x275: {  	[sflag:s1] =	ssyncset.done $0x0  }
0x276: {  	[sflag:s1] =	ssyncadd.s32 $0xFFFFEC00  }
0x277: {  	[spmem:s23] =	stream.linear.scatter [tilespmem:s9], [sflag:$0x13], $0x1400, $0x38;
	[tilespmem:$0x1BE00] =	vst v63  }
0x278: {  	_ =	swait.ge [sflag:s1], $0x1400  }
0x279: {  	s24 =	sld [smem:$0x7FC]  }
0x27a: {  	[sflag:s1] =	ssyncset.done $0x0  }
0x27b: {  	[sflag:s1] =	ssyncadd.s32 $0xFFFFEC00  }
0x27c: {  	[spmem:s24] =	stream.linear.scatter [tilespmem:s9], [sflag:$0x13], $0x1400, $0x38;
	[tilespmem:$0x1BE00] =	vst v63  }
0x27d: {  	_ =	swait.ge [sflag:s1], $0x1400  }
0x27e: {  	s28 =	sld [smem:$0x7FD]  }
0x27f: {  	[sflag:s1] =	ssyncset.done $0x0  }
0x280: {  	[sflag:s1] =	ssyncadd.s32 $0xFFFFEC00  }
0x281: {  	[spmem:s28] =	stream.linear.scatter [tilespmem:s9], [sflag:$0x13], $0x1400, $0x38;
	[tilespmem:$0x1BE00] =	vst v63  }
0x282: {  	_ =	swait.ge [sflag:s1], $0x1400  }
0x283: {  	[sflag:s1] =	ssyncset.done $0x0  }
0x284: {  	s23 =	simm.s32 $0x0;
	s24 =	simm.s32 $0x200;
	[sflag:s1] =	ssyncadd.s32 $0xFFFFEC00  }
.LBB2_8:
0x285: {  	p0 =	sne.s32 s24, $0x4E00;
	[tilespmem:s23+$0x670] =	vst v1  }
0x286: {  	[tilespmem:s23+$0x600] =	vst v1  }
0x287: {  	[tilespmem:s23+$0x610] =	vst v1  }
.Ltmp3:
0x288: {  	[tilespmem:s23+$0x620] =	vst v1;
	(pc) =	sbr.rel @p0 .LBB2_8-.Ltmp3, $4  }
0x289: {  	[tilespmem:s23+$0x630] =	vst v1  }
0x28a: {  	[tilespmem:s23+$0x640] =	vst v1  }
0x28b: {  	[tilespmem:s23+$0x650] =	vst v1  }
0x28c: {  	[tilespmem:s23+$0x660] =	vst v1;
	s23 =	sshra.s32 s24, $0x2;
	s24 =	sadd.s32 $0x200, s24  }
0x28d: {  	[tilespmem:s23+$0x670] =	vst v1  }
0x28e: {  	[tilespmem:s23+$0x600] =	vst v1  }
0x28f: {  	[tilespmem:s23+$0x610] =	vst v1  }
0x290: {  	[tilespmem:s23+$0x620] =	vst v1  }
0x291: {  	[tilespmem:s23+$0x630] =	vst v1  }
0x292: {  	[tilespmem:s23+$0x640] =	vst v1  }
0x293: {  	[tilespmem:s23+$0x650] =	vst v1  }
0x294: {  	[tilespmem:s23+$0x660] =	vst v1  }
0x295: {  	s16 =	sadd.s32 $0x0, s18;
	s28 =	simm.s32 $0x300;
	[bflag:$0x0] =	sbarrier.arrive $0xFFFF  }
0x296: {  	[tilespmem:s28], [sflag:$0x1] =	stream.linear.gather [hbm4b:s16+s4], $0x28, $0x38;
	[tilespmem:$0x1BE00] =	vst v63  }
0x297: {  	s1 =	rddreg [dreg:$0xe]  }
0x298: {  	s21 =	rddreg [dreg:$0xd];
	s6 =	sadd.s32 $0x0, s1  }
0x299: {  	[tilespmem:s30], [sflag:$0x2] =	stream.linear.gather [hbm4b:s6+s4], $0x28, $0x38;
	[tilespmem:$0x1BE00] =	vst v63  }
0x29a: {  	s13 =	simm.s32 $0x400;
	s20 =	rddreg [dreg:$0xc];
	s9 =	sadd.s32 $0x0, s21  }
0x29b: {  	[tilespmem:s13], [sflag:$0x3] =	stream.linear.gather [hbm4b:s9+s4], $0x28, $0x38;
	[tilespmem:$0x1BE00] =	vst v63  }
0x29c: {  	s22 =	simm.s32 $0x480;
	s19 =	sadd.s32 $0x0, s20;
	s6 =	rddreg [dreg:$0xb]  }
0x29d: {  	[tilespmem:s22], [sflag:$0x4] =	stream.linear.gather [hbm4b:s19+s4], $0x28, $0x38;
	[tilespmem:$0x1BE00] =	vst v63  }
0x29e: {  	s24 =	rddreg [dreg:$0xf];
	s23 =	sadd.s32 $0x0, s6;
	s9 =	simm.s32 $0x500  }
0x29f: {  	[tilespmem:s9], [sflag:$0x5] =	stream.linear.gather [hbm4b:s23+s4], $0x28, $0x38;
	[tilespmem:$0x1BE00] =	vst v63  }
0x2a0: {  	s16 =	sadd.s32 $0x0, s24  }
0x2a1: {  	[tilespmem:s17], [sflag:$0x6] =	stream.linear.gather [hbm4b:s16+s4], $0x28, $0x38;
	[tilespmem:$0x1BE00] =	vst v63  }
0x2a2: {  	_ =	swait.ge [sflag:s31], $0x28  }
0x2a3: {  	[sflag:s31] =	ssyncset.done $0x0  }
0x2a4: {  	[sflag:s31] =	ssyncadd.s32 $0xFFFFFFD8  }
0x2a5: {  	[spmem:s3] =	stream.indirect.scatter.add.f32 [tilespmem:s0], [sflag:$0xD], $0x80, s28, s2, $0xb8;
	[tilespmem:$0x1BE00] =	vst v63  }
0x2a6: {  	_ =	swait.ge [sflag:s8], $0x28  }
0x2a7: {  	[sflag:s8] =	ssyncset.done $0x0  }
0x2a8: {  	[sflag:s8] =	ssyncadd.s32 $0xFFFFFFD8  }
0x2a9: {  	[spmem:s3] =	stream.indirect.scatter.add.f32 [tilespmem:s0], [sflag:$0xE], $0x80, s30, s2, $0xb8;
	[tilespmem:$0x1BE00] =	vst v63  }
0x2aa: {  	_ =	swait.ge [sflag:s10], $0x28  }
0x2ab: {  	[sflag:s10] =	ssyncset.done $0x0  }
0x2ac: {  	[sflag:s10] =	ssyncadd.s32 $0xFFFFFFD8  }
0x2ad: {  	[spmem:s3] =	stream.indirect.scatter.add.f32 [tilespmem:s0], [sflag:$0xF], $0x80, s13, s2, $0xb8;
	[tilespmem:$0x1BE00] =	vst v63  }
0x2ae: {  	_ =	swait.ge [sflag:s14], $0x28  }
0x2af: {  	[sflag:s14] =	ssyncset.done $0x0  }
0x2b0: {  	[sflag:s14] =	ssyncadd.s32 $0xFFFFFFD8  }
0x2b1: {  	[spmem:s3] =	stream.indirect.scatter.add.f32 [tilespmem:s0], [sflag:$0x10], $0x80, s22, s2, $0xb8;
	[tilespmem:$0x1BE00] =	vst v63  }
0x2b2: {  	_ =	swait.ge [sflag:s5], $0x28  }
0x2b3: {  	[sflag:s5] =	ssyncset.done $0x0  }
0x2b4: {  	[sflag:s5] =	ssyncadd.s32 $0xFFFFFFD8  }
0x2b5: {  	[spmem:s3] =	stream.indirect.scatter.add.f32 [tilespmem:s0], [sflag:$0x11], $0x80, s9, s2, $0xb8;
	[tilespmem:$0x1BE00] =	vst v63  }
0x2b6: {  	_ =	swait.ge [sflag:s7], $0x28  }
0x2b7: {  	[sflag:s7] =	ssyncset.done $0x0  }
0x2b8: {  	[sflag:s7] =	ssyncadd.s32 $0xFFFFFFD8  }
0x2b9: {  	[spmem:s3] =	stream.indirect.scatter.add.f32 [tilespmem:s0], [sflag:$0x12], $0x80, s17, s2, $0xb8;
	[tilespmem:$0x1BE00] =	vst v63  }
0x2ba: {  	_ =	swait.ge [sflag:s11], $0x1400  }
0x2bb: {  	[sflag:s11] =	ssyncset.done $0x0  }
0x2bc: {  	[sflag:s11] =	ssyncadd.s32 $0xFFFFEC00  }
0x2bd: {  	_ =	swait.ge [sflag:s12], $0x1400  }
0x2be: {  	[sflag:s12] =	ssyncset.done $0x0  }
0x2bf: {  	[sflag:s12] =	ssyncadd.s32 $0xFFFFEC00  }
0x2c0: {  	_ =	swait.ge [sflag:s15], $0x1400  }
0x2c1: {  	[sflag:s15] =	ssyncset.done $0x0  }
0x2c2: {  	[sflag:s15] =	ssyncadd.s32 $0xFFFFEC00  }
0x2c3: {  	_ =	swait.ge [sflag:s25], $0x1400  }
0x2c4: {  	[sflag:s25] =	ssyncset.done $0x0  }
0x2c5: {  	[sflag:s25] =	ssyncadd.s32 $0xFFFFEC00  }
0x2c6: {  	_ =	swait.ge [sflag:s26], $0x1400  }
0x2c7: {  	[sflag:s26] =	ssyncset.done $0x0  }
0x2c8: {  	[sflag:s26] =	ssyncadd.s32 $0xFFFFEC00  }
0x2c9: {  	_ =	swait.ge [sflag:s29], $0x1400  }
0x2ca: {  	s23 =	simm.s32 $0x1E;
	s16 =	simm.s32 $0x3C;
	[sflag:s29] =	ssyncset.done $0x0  }
.LBB2_10:
0x2cb: {  	s17 =	sadd.s32 s23, s18  }
0x2cc: {  	[sflag:s29] =	ssyncadd.s32 $0xFFFFEC00;
	s19 =	smov.u32 s18;
	s18 =	smov.u32 s16  }
0x2cd: {  	[tilespmem:s28], [sflag:$0x1] =	stream.linear.gather [hbm4b:s17+s4], $0x28, $0x38;
	[tilespmem:$0x1BE00] =	vst v63  }
0x2ce: {  	s24 =	sadd.s32 $0x1E, s16;
	p0 =	sne.s32 s16, $0x4B0;
	s16 =	sadd.s32 s23, s1  }
0x2cf: {  	[tilespmem:s30], [sflag:$0x2] =	stream.linear.gather [hbm4b:s16+s4], $0x28, $0x38;
	[tilespmem:$0x1BE00] =	vst v63  }
0x2d0: {  	s16 =	sadd.s32 s23, s21  }
0x2d1: {  	[tilespmem:s13], [sflag:$0x3] =	stream.linear.gather [hbm4b:s16+s4], $0x28, $0x38;
	[tilespmem:$0x1BE00] =	vst v63  }
0x2d2: {  	s16 =	sadd.s32 s23, s20  }
0x2d3: {  	[tilespmem:s22], [sflag:$0x4] =	stream.linear.gather [hbm4b:s16+s4], $0x28, $0x38;
	[tilespmem:$0x1BE00] =	vst v63  }
0x2d4: {  	s17 =	rddreg [dreg:$0xf];
	s16 =	sadd.s32 s23, s6  }
0x2d5: {  	[tilespmem:s9], [sflag:$0x5] =	stream.linear.gather [hbm4b:s16+s4], $0x28, $0x38;
	[tilespmem:$0x1BE00] =	vst v63  }
0x2d6: {  	s16 =	sadd.s32 s23, s17  }
0x2d7: {  	s23 =	smov.u32 s18;
	s18 =	smov.u32 s19;
	s19 =	simm.s32 $0x580  }
0x2d8: {  	[tilespmem:s19], [sflag:$0x6] =	stream.linear.gather [hbm4b:s16+s4], $0x28, $0x38;
	[tilespmem:$0x1BE00] =	vst v63  }
0x2d9: {  	_ =	swait.ge [sflag:s31], $0x28  }
0x2da: {  	[sflag:s31] =	ssyncset.done $0x0  }
0x2db: {  	[sflag:s31] =	ssyncadd.s32 $0xFFFFFFD8  }
0x2dc: {  	[spmem:s3] =	stream.indirect.scatter.add.f32 [tilespmem:s0], [sflag:$0xD], $0x80, s28, s2, $0xb8;
	[tilespmem:$0x1BE00] =	vst v63  }
0x2dd: {  	_ =	swait.ge [sflag:s8], $0x28  }
0x2de: {  	[sflag:s8] =	ssyncset.done $0x0  }
0x2df: {  	[sflag:s8] =	ssyncadd.s32 $0xFFFFFFD8  }
0x2e0: {  	[spmem:s3] =	stream.indirect.scatter.add.f32 [tilespmem:s0], [sflag:$0xE], $0x80, s30, s2, $0xb8;
	[tilespmem:$0x1BE00] =	vst v63  }
0x2e1: {  	_ =	swait.ge [sflag:s10], $0x28  }
0x2e2: {  	[sflag:s10] =	ssyncset.done $0x0  }
0x2e3: {  	[sflag:s10] =	ssyncadd.s32 $0xFFFFFFD8  }
0x2e4: {  	[spmem:s3] =	stream.indirect.scatter.add.f32 [tilespmem:s0], [sflag:$0xF], $0x80, s13, s2, $0xb8;
	[tilespmem:$0x1BE00] =	vst v63  }
0x2e5: {  	_ =	swait.ge [sflag:s14], $0x28  }
0x2e6: {  	[sflag:s14] =	ssyncset.done $0x0  }
0x2e7: {  	[sflag:s14] =	ssyncadd.s32 $0xFFFFFFD8  }
0x2e8: {  	[spmem:s3] =	stream.indirect.scatter.add.f32 [tilespmem:s0], [sflag:$0x10], $0x80, s22, s2, $0xb8;
	[tilespmem:$0x1BE00] =	vst v63  }
0x2e9: {  	_ =	swait.ge [sflag:s5], $0x28  }
0x2ea: {  	[sflag:s5] =	ssyncset.done $0x0  }
0x2eb: {  	[sflag:s5] =	ssyncadd.s32 $0xFFFFFFD8  }
0x2ec: {  	[spmem:s3] =	stream.indirect.scatter.add.f32 [tilespmem:s0], [sflag:$0x11], $0x80, s9, s2, $0xb8;
	[tilespmem:$0x1BE00] =	vst v63  }
0x2ed: {  	_ =	swait.ge [sflag:s7], $0x28  }
0x2ee: {  	[sflag:s7] =	ssyncset.done $0x0  }
0x2ef: {  	[sflag:s7] =	ssyncadd.s32 $0xFFFFFFD8  }
0x2f0: {  	[spmem:s3] =	stream.indirect.scatter.add.f32 [tilespmem:s0], [sflag:$0x12], $0x80, s19, s2, $0xb8;
	[tilespmem:$0x1BE00] =	vst v63  }
0x2f1: {  	_ =	swait.ge [sflag:s11], $0x1400  }
0x2f2: {  	[sflag:s11] =	ssyncset.done $0x0  }
0x2f3: {  	[sflag:s11] =	ssyncadd.s32 $0xFFFFEC00  }
0x2f4: {  	_ =	swait.ge [sflag:s12], $0x1400  }
0x2f5: {  	[sflag:s12] =	ssyncset.done $0x0  }
0x2f6: {  	[sflag:s12] =	ssyncadd.s32 $0xFFFFEC00  }
0x2f7: {  	_ =	swait.ge [sflag:s15], $0x1400  }
0x2f8: {  	[sflag:s15] =	ssyncset.done $0x0  }
0x2f9: {  	[sflag:s15] =	ssyncadd.s32 $0xFFFFEC00  }
0x2fa: {  	_ =	swait.ge [sflag:s25], $0x1400  }
0x2fb: {  	[sflag:s25] =	ssyncset.done $0x0  }
0x2fc: {  	[sflag:s25] =	ssyncadd.s32 $0xFFFFEC00  }
.Ltmp4:
0x2fd: {  	_ =	swait.ge [sflag:s26], $0x1400;
	(pc) =	sbr.rel @p0 .LBB2_10-.Ltmp4, $4  }
0x2fe: {  	[sflag:s26] =	ssyncset.done $0x0  }
0x2ff: {  	[sflag:s26] =	ssyncadd.s32 $0xFFFFEC00  }
0x300: {  	_ =	swait.ge [sflag:s29], $0x1400  }
0x301: {  	s16 =	smov.u32 s24;
	[sflag:s29] =	ssyncset.done $0x0  }
0x302: {  	s16 =	sadd.s32 s23, s18;
	[sflag:s29] =	ssyncadd.s32 $0xFFFFEC00  }
0x303: {  	[tilespmem:s28], [sflag:$0x1] =	stream.linear.gather [hbm4b:s16+s4], $0x28, $0x38;
	[tilespmem:$0x1BE00] =	vst v63  }
0x304: {  	s24 =	sadd.s32 s23, s1  }
0x305: {  	[tilespmem:s30], [sflag:$0x2] =	stream.linear.gather [hbm4b:s24+s4], $0x28, $0x38;
	[tilespmem:$0x1BE00] =	vst v63  }
0x306: {  	s24 =	sadd.s32 s23, s21  }
0x307: {  	[tilespmem:s13], [sflag:$0x3] =	stream.linear.gather [hbm4b:s24+s4], $0x28, $0x38;
	[tilespmem:$0x1BE00] =	vst v63  }
0x308: {  	s24 =	sadd.s32 s23, s20  }
0x309: {  	[tilespmem:s22], [sflag:$0x4] =	stream.linear.gather [hbm4b:s24+s4], $0x28, $0x38;
	[tilespmem:$0x1BE00] =	vst v63  }
0x30a: {  	s24 =	sadd.s32 s23, s6  }
0x30b: {  	[tilespmem:s9], [sflag:$0x5] =	stream.linear.gather [hbm4b:s24+s4], $0x28, $0x38;
	[tilespmem:$0x1BE00] =	vst v63  }
0x30c: {  	s24 =	sadd.s32 s23, s17  }
0x30d: {  	[tilespmem:s19], [sflag:$0x6] =	stream.linear.gather [hbm4b:s24+s4], $0x28, $0x38;
	[tilespmem:$0x1BE00] =	vst v63  }
0x30e: {  	_ =	swait.ge [sflag:s31], $0x28  }
0x30f: {  	[sflag:s31] =	ssyncset.done $0x0  }
0x310: {  	[sflag:s31] =	ssyncadd.s32 $0xFFFFFFD8  }
0x311: {  	[spmem:s3] =	stream.indirect.scatter.add.f32 [tilespmem:s0], [sflag:$0xD], $0x80, s28, s2, $0xb8;
	[tilespmem:$0x1BE00] =	vst v63  }
0x312: {  	_ =	swait.ge [sflag:s8], $0x28  }
0x313: {  	[sflag:s8] =	ssyncset.done $0x0  }
0x314: {  	[sflag:s8] =	ssyncadd.s32 $0xFFFFFFD8  }
0x315: {  	[spmem:s3] =	stream.indirect.scatter.add.f32 [tilespmem:s0], [sflag:$0xE], $0x80, s30, s2, $0xb8;
	[tilespmem:$0x1BE00] =	vst v63  }
0x316: {  	_ =	swait.ge [sflag:s10], $0x28  }
0x317: {  	[sflag:s10] =	ssyncset.done $0x0  }
0x318: {  	[sflag:s10] =	ssyncadd.s32 $0xFFFFFFD8  }
0x319: {  	[spmem:s3] =	stream.indirect.scatter.add.f32 [tilespmem:s0], [sflag:$0xF], $0x80, s13, s2, $0xb8;
	[tilespmem:$0x1BE00] =	vst v63  }
0x31a: {  	_ =	swait.ge [sflag:s14], $0x28  }
0x31b: {  	[sflag:s14] =	ssyncset.done $0x0  }
0x31c: {  	[sflag:s14] =	ssyncadd.s32 $0xFFFFFFD8  }
0x31d: {  	[spmem:s3] =	stream.indirect.scatter.add.f32 [tilespmem:s0], [sflag:$0x10], $0x80, s22, s2, $0xb8;
	[tilespmem:$0x1BE00] =	vst v63  }
0x31e: {  	_ =	swait.ge [sflag:s5], $0x28  }
0x31f: {  	[sflag:s5] =	ssyncset.done $0x0  }
0x320: {  	[sflag:s5] =	ssyncadd.s32 $0xFFFFFFD8  }
0x321: {  	[spmem:s3] =	stream.indirect.scatter.add.f32 [tilespmem:s0], [sflag:$0x11], $0x80, s9, s2, $0xb8;
	[tilespmem:$0x1BE00] =	vst v63  }
0x322: {  	_ =	swait.ge [sflag:s7], $0x28  }
0x323: {  	[sflag:s7] =	ssyncset.done $0x0  }
0x324: {  	[sflag:s7] =	ssyncadd.s32 $0xFFFFFFD8  }
0x325: {  	[spmem:s3] =	stream.indirect.scatter.add.f32 [tilespmem:s0], [sflag:$0x12], $0x80, s19, s2, $0xb8;
	[tilespmem:$0x1BE00] =	vst v63  }
0x326: {  	_ =	swait.ge [sflag:s11], $0x1400  }
0x327: {  	[sflag:s11] =	ssyncset.done $0x0  }
0x328: {  	[sflag:s11] =	ssyncadd.s32 $0xFFFFEC00  }
0x329: {  	_ =	swait.ge [sflag:s12], $0x1400  }
0x32a: {  	[sflag:s12] =	ssyncset.done $0x0  }
0x32b: {  	[sflag:s12] =	ssyncadd.s32 $0xFFFFEC00  }
0x32c: {  	_ =	swait.ge [sflag:s15], $0x1400  }
0x32d: {  	[sflag:s15] =	ssyncset.done $0x0  }
0x32e: {  	[sflag:s15] =	ssyncadd.s32 $0xFFFFEC00  }
0x32f: {  	_ =	swait.ge [sflag:s25], $0x1400  }
0x330: {  	[sflag:s25] =	ssyncset.done $0x0  }
0x331: {  	[sflag:s25] =	ssyncadd.s32 $0xFFFFEC00  }
0x332: {  	_ =	swait.ge [sflag:s26], $0x1400  }
0x333: {  	[sflag:s26] =	ssyncset.done $0x0  }
0x334: {  	[sflag:s26] =	ssyncadd.s32 $0xFFFFEC00  }
0x335: {  	_ =	swait.ge [sflag:s29], $0x1400  }
0x336: {  	[sflag:s29] =	ssyncset.done $0x0  }
0x337: {  	s26 =	rddreg [dreg:$0x15];
	[sflag:s29] =	ssyncadd.s32 $0xFFFFEC00  }
0x338: {  	[tilespmem:s28], [sflag:$0x1] =	stream.linear.gather [hbm4b:s26+s4], $0x28, $0x38;
	[tilespmem:$0x1BE00] =	vst v63  }
0x339: {  	s29 =	rddreg [dreg:$0x17]  }
0x33a: {  	[tilespmem:s30], [sflag:$0x2] =	stream.linear.gather [hbm4b:s29+s4], $0x28, $0x38;
	[tilespmem:$0x1BE00] =	vst v63  }
0x33b: {  	s9 =	rddreg [dreg:$0x19]  }
0x33c: {  	[tilespmem:s13], [sflag:$0x3] =	stream.linear.gather [hbm4b:s9+s4], $0x28, $0x38;
	[tilespmem:$0x1BE00] =	vst v63  }
0x33d: {  	s19 =	rddreg [dreg:$0x1b]  }
0x33e: {  	[tilespmem:s22], [sflag:$0x4] =	stream.linear.gather [hbm4b:s19+s4], $0x28, $0x38;
	[tilespmem:$0x1BE00] =	vst v63  }
0x33f: {  	_ =	swait.ge [sflag:s31], $0x28  }
0x340: {  	[sflag:s31] =	ssyncset.done $0x0  }
0x341: {  	[sflag:s31] =	ssyncadd.s32 $0xFFFFFFD8  }
0x342: {  	[spmem:s3] =	stream.indirect.scatter.add.f32 [tilespmem:s0], [sflag:$0xD], $0x80, s28, s2, $0xb8;
	[tilespmem:$0x1BE00] =	vst v63  }
0x343: {  	_ =	swait.ge [sflag:s8], $0x28  }
0x344: {  	[sflag:s8] =	ssyncset.done $0x0  }
0x345: {  	[sflag:s8] =	ssyncadd.s32 $0xFFFFFFD8  }
0x346: {  	[spmem:s3] =	stream.indirect.scatter.add.f32 [tilespmem:s0], [sflag:$0xE], $0x80, s30, s2, $0xb8;
	[tilespmem:$0x1BE00] =	vst v63  }
0x347: {  	_ =	swait.ge [sflag:s10], $0x28  }
0x348: {  	[sflag:s10] =	ssyncset.done $0x0  }
0x349: {  	[sflag:s10] =	ssyncadd.s32 $0xFFFFFFD8  }
0x34a: {  	[spmem:s3] =	stream.indirect.scatter.add.f32 [tilespmem:s0], [sflag:$0xF], $0x80, s13, s2, $0xb8;
	[tilespmem:$0x1BE00] =	vst v63  }
0x34b: {  	_ =	swait.ge [sflag:s14], $0x28  }
0x34c: {  	[sflag:s14] =	ssyncset.done $0x0  }
0x34d: {  	[sflag:s14] =	ssyncadd.s32 $0xFFFFFFD8  }
0x34e: {  	[spmem:s3] =	stream.indirect.scatter.add.f32 [tilespmem:s0], [sflag:$0x10], $0x80, s22, s2, $0xb8;
	[tilespmem:$0x1BE00] =	vst v63  }
0x34f: {  	_ =	swait.ge [sflag:s11], $0x1400  }
0x350: {  	[sflag:s11] =	ssyncset.done $0x0  }
0x351: {  	[sflag:s11] =	ssyncadd.s32 $0xFFFFEC00  }
0x352: {  	_ =	swait.ge [sflag:s12], $0x1400  }
0x353: {  	[sflag:s12] =	ssyncset.done $0x0  }
0x354: {  	[sflag:s12] =	ssyncadd.s32 $0xFFFFEC00  }
0x355: {  	_ =	swait.ge [sflag:s15], $0x1400  }
0x356: {  	[sflag:s15] =	ssyncset.done $0x0  }
0x357: {  	[sflag:s15] =	ssyncadd.s32 $0xFFFFEC00  }
0x358: {  	_ =	swait.ge [sflag:s25], $0x1400  }
0x359: {  	[sflag:s25] =	ssyncset.done $0x0  }
0x35a: {  	[sflag:s25] =	ssyncadd.s32 $0xFFFFEC00  }
0x35b: {  	[bflag:$0x0] =	sbarrier.arrive $0xFFFF  }
0x35c: {  	s24 =	sld [smem:$0x7EF]  }
0x35d: {  	s25 =	sld [smem:$0x7F0];
	_ =	sdelay $0x1  }
0x35e: {  	s13 =	simm.s32 $0x13;
	s23 =	rddreg [dreg:$0x1e]  }
0x35f: {  	[hbm:s23], [sflag:s24] =	dma.local [spmem:s25], $0x2800  }
0x360: {  	_ =	swait.ge [sflag:s13], $0x2800  }
0x361: {  	s26 =	sld [smem:$0x7F1];
	_ =	sdelay $0x2  }
0x362: {  	s29 =	rddreg [dreg:$0x1f];
	s11 =	sadd.s32 $0x1, s26  }
0x363: {  	p0 =	sne.s32 s11, s29  }
.Ltmp5:
0x364: {  	_ = 	snop;
	(pc) =	sbr.rel @p0 .LBB2_1-.Ltmp5, $4  }
0x365: {  	s9 =	smov.u32 s6;
	[sflag:s13] =	ssyncset.done $0x0  }
0x366: {  	s19 =	smov.u32 s20;
	s20 =	simm.s32 $0x1A00;
	[sflag:s13] =	ssyncadd.s32 $0xFFFFD800  }
0x367: {  	s28 =	simm.s32 $0x80;
	s22 =	simm.s32 $0x200;
	s25 =	rddreg [dreg:$0x0]  }
0x368: {  	s12 =	simm.s32 $0x280;
	s15 =	simm.s32 $0x300;
	s26 =	rddreg [dreg:$0x1c]  }
0x369: {  	_ =	sfence.sel $0x180000  }
0x36a: {  	[bflag:$0x0] =	sbarrier.arrive $0xFFFF  }
0x36b: {  	_ =	strace $0x90000047  }
0x36c: {  	s0 =	stileid.u32;
	[bflag:$0x2] =	sbarrier.arrive $0xFFFF  }
0x36d: {  	p0 =	sne.s32 s0, $0x0;
	s0 =	rddreg [dreg:$0x4]  }
0x36e: {  	s0 =	sadd.s32 @!p0 $0x100000, s0  }
0x36f: {  	[sflag:s0] =	ssyncadd.tile.s32 @!p0 $0x1;
	_ =	shalt  }
.Lfunc_end2:
_tile_overlayer_lowered:
.L_overlay_start_2:
0x370: {  	(tag) =	ssettag $0x2  }
0x371: {  	s0 =	rddreg [dreg:$0x0];
	s2 =	stileid.u32  }
0x372: {  	s1 =	rddreg [dreg:$0x1];
	p0 =	sne.s32 s2, $0x0  }
0x373: {  	s3 =	rddreg [dreg:$0x2];
	[bflag:$0x3] =	sbarrier.arrive $0xFFFF;
	s2 =	simm.s32 @!p0 $0x1C13  }
0x374: {  	[timem:s3], [sflag:s2] =	dma.local @!p0 [hbm:s0], s1  }
0x375: {  	s0 =	simm.s32 @!p0 $0x13  }
0x376: {  	_ =	swait.ge @!p0 [sflag:s0], s1  }
0x377: {  	s1 =	ssub.s32 @!p0 $0x0, s1;
	[sflag:s0] =	ssyncset.done @!p0 $0x0  }
0x378: {  	[sflag:s0] =	ssyncadd.s32 @!p0 s1  }
0x379: {  	[bflag:$0x3] =	sbarrier.arrive $0xFFFF  }
0x37a: {  	_ =	shalt  }

</sc_bundles>
